<compile_context>
chip_gen: v7x
topology: tpu7x:2x2x1
jax: 0.10.2.dev20260603
libtpu: 0.0.44.dev20260713+nightly
codegen_flags: <defaults>
</compile_context>

<pallas_src>
import jax
import jax.numpy as jnp
from jax import lax
from jax.experimental import pallas as pl
from jax.experimental.pallas import tpu as pltpu
from jax.experimental.pallas import tpu_sc as plsc

VOCAB = 1000000
EMBED_DIM = 16
BATCH = 16384
FIELDS = 26

NC = 2
NS = 16
NW = NC * NS

ROWS_PER_W = BATCH // NW
CHUNK = 128
NCHUNK = ROWS_PER_W // CHUNK
IDX_PER_CHUNK = CHUNK * FIELDS
NDMA = IDX_PER_CHUNK // 128


def _fm_kernel(idx_hbm, emb_hbm, lin_hbm, bias_hbm, out_hbm,
               idx_v, emb_v, lin_v, out_v, bias_v, sem0, sem1):
    wid = lax.axis_index("s") * NC + lax.axis_index("c")

    pltpu.sync_copy(bias_hbm, bias_v.at[pl.ds(0, 1)])
    pltpu.sync_copy(idx_hbm.at[wid], idx_v)

    lane = lax.iota(jnp.int32, 16)
    tail_mask = lane < (FIELDS - 16)
    bias_vec = jnp.where(lane == 0, bias_v[pl.ds(0, 16)], 0.0)

    sems = (sem0, sem1)

    def chunk_fire(g, b):
        def fj(j, carry):
            pltpu.make_async_copy(
                emb_hbm.at[idx_v.at[g * NDMA + j]],
                emb_v.at[b, pl.ds(j * 128, 128)], sems[b]).start()
            pltpu.make_async_copy(
                lin_hbm.at[idx_v.at[g * NDMA + j]],
                lin_v.at[b, pl.ds(j * 128, 128)], sems[b]).start()
            return carry
        lax.fori_loop(0, NDMA, fj, 0)

    def chunk_drain(g, b):
        def dj(j, carry):
            pltpu.make_async_copy(
                emb_hbm.at[idx_v.at[g * NDMA + j]],
                emb_v.at[b, pl.ds(j * 128, 128)], sems[b]).wait()
            pltpu.make_async_copy(
                lin_hbm.at[idx_v.at[g * NDMA + j]],
                lin_v.at[b, pl.ds(j * 128, 128)], sems[b]).wait()
            return carry
        lax.fori_loop(0, NDMA, dj, 0)

    def chunk_compute(g, b):
        def group_body(gr, carry):
            def row_body(k, acc):
                r = gr * 16 + k
                rbase = r * FIELDS
                s = emb_v[b, rbase, :]
                ssq = s * s
                for f in range(1, FIELDS):
                    v = emb_v[b, rbase + f, :]
                    s = s + v
                    ssq = ssq + v * v
                l0 = lin_v[b, pl.ds(rbase, 16)]
                l1 = lin_v[b, pl.ds(rbase + 16, 16)]
                u = (0.5 * (s * s - ssq) + l0
                     + jnp.where(tail_mask, l1, 0.0) + bias_vec)
                tot = jnp.sum(u)
                return jnp.where(lane == k, tot, acc)
            acc = lax.fori_loop(0, 16, row_body, jnp.zeros((16,), jnp.float32))
            out_v[pl.ds(gr * 16, 16)] = acc
            return carry
        lax.fori_loop(0, CHUNK // 16, group_body, 0)

    chunk_fire(0, 0)
    for g in range(NCHUNK):
        b = g & 1
        if g + 1 < NCHUNK:
            chunk_fire(g + 1, (g + 1) & 1)
        chunk_drain(g, b)
        chunk_compute(g, b)
        pltpu.sync_copy(
            out_v, out_hbm.at[pl.ds(wid * ROWS_PER_W + g * CHUNK, CHUNK)])


@jax.jit
def kernel(interaction_pairs, emb_table, lin_table, bias):
    idx3d = interaction_pairs.astype(jnp.int32).reshape(NW, NCHUNK * NDMA, 128)
    lin_flat = lin_table.reshape(-1)

    mesh = plsc.VectorSubcoreMesh(core_axis_name="c", subcore_axis_name="s")
    run = pl.kernel(
        _fm_kernel,
        mesh=mesh,
        compiler_params=pltpu.CompilerParams(
            needs_layout_passes=False, use_tc_tiling_on_sc=False),
        out_type=jax.ShapeDtypeStruct((BATCH,), jnp.float32),
        scratch_types=[
            pltpu.VMEM((NCHUNK * NDMA, 128), jnp.int32),
            pltpu.VMEM((2, IDX_PER_CHUNK, 16), jnp.float32),
            pltpu.VMEM((2, IDX_PER_CHUNK + 16), jnp.float32),
            pltpu.VMEM((CHUNK,), jnp.float32),
            pltpu.VMEM((16,), jnp.float32),
            pltpu.SemaphoreType.DMA,
            pltpu.SemaphoreType.DMA,
        ],
    )
    return run(idx3d, emb_table, lin_flat, bias)

# --- scband reference (transcript-rebuilt; emitter-appended) ---
"""Pipeline reference for scband-factorization-machine-model-26199300506328 (READ-ONLY COPY).

The authoritative reference and input builder live on the scoring server;
editing this copy changes nothing except your own understanding.
"""

import jax, jax.numpy as jnp
import numpy as np

VOCAB = 1000000
EMBED_DIM = 16
BATCH = 16384
FIELDS = 26

def setup_inputs(seed: int = 0) -> dict:
    key = jax.random.key(seed)
    k1, k2, k3 = jax.random.split(key, 3)
    interaction_pairs = jax.random.randint(k1, (BATCH, FIELDS), 0, VOCAB, dtype=jnp.int64 if jax.config.jax_enable_x64 else jnp.int32)
    # xavier uniform init for embedding table (fan_in=VOCAB, fan_out=EMBED_DIM)
    limit = float(np.sqrt(6.0 / (VOCAB + EMBED_DIM)))
    emb_table = jax.random.uniform(k2, (VOCAB, EMBED_DIM), minval=-limit, maxval=limit, dtype=jnp.float32)
    # FeaturesLinear: per-feature weight (vocab, 1) + scalar bias
    lin_table = jax.random.normal(k3, (VOCAB, 1), dtype=jnp.float32) * 0.01
    bias = jnp.zeros((1,), dtype=jnp.float32)
    return {"interaction_pairs": interaction_pairs, "emb_table": emb_table, "lin_table": lin_table, "bias": bias}

def reference(interaction_pairs, emb_table, lin_table, bias):
    # FeaturesLinear: sum of per-feature linear weights + bias -> (B, 1)
    lin = jnp.sum(jnp.take(lin_table, interaction_pairs, axis=0), axis=1) + bias
    # Embedding lookup -> (B, F, D)
    emb = jnp.take(emb_table, interaction_pairs, axis=0)
    # FM second-order interaction (reduce_sum=True)
    square_of_sum = jnp.sum(emb, axis=1) ** 2            # (B, D)
    sum_of_square = jnp.sum(emb ** 2, axis=1)            # (B, D)
    ix = 0.5 * jnp.sum(square_of_sum - sum_of_square, axis=1, keepdims=True)  # (B, 1)
    out = lin + ix
    return jnp.squeeze(out, axis=1)

if __name__ == "__main__":
    import jax
    _d = setup_inputs()
    print(jax.jit(kernel)(*tuple(_d.values())))

</pallas_src>

<mosaic_0001>
#map = affine_map<(d0, d1) -> (0, 0, 0)>
#map1 = affine_map<(d0, d1) -> (0, 0)>
#map2 = affine_map<(d0, d1) -> (0)>
module attributes {stable_mosaic.version = 14 : i64} {
  func.func @_fm_kernel(%arg0: i32, %arg1: i32, %arg2: memref<32x104x128xi32, #tpu.memory_space<hbm>>, %arg3: memref<1000000x16xf32, #tpu.memory_space<hbm>>, %arg4: memref<1000000xf32, #tpu.memory_space<hbm>>, %arg5: memref<1xf32, #tpu.memory_space<hbm>>, %arg6: memref<16384xf32, #tpu.memory_space<hbm>>, %arg7: memref<104x128xi32, #tpu.memory_space<vmem>>, %arg8: memref<2x3328x16xf32, #tpu.memory_space<vmem>>, %arg9: memref<2x3344xf32, #tpu.memory_space<vmem>>, %arg10: memref<128xf32, #tpu.memory_space<vmem>>, %arg11: memref<16xf32, #tpu.memory_space<vmem>>, %arg12: memref<!tpu.dma_semaphore, #tpu.memory_space<semaphore_mem>>, %arg13: memref<!tpu.dma_semaphore, #tpu.memory_space<semaphore_mem>>) attributes {dimension_semantics = [#tpu.dimension_semantics<core_parallel>, #tpu.dimension_semantics<subcore_parallel>], iteration_bounds = array<i64: 2, 16>, scalar_prefetch = 0 : i64, scratch_operands = 7 : i64, tpu.core_type = #tpu.core_type<sc_vector_subcore>, window_params = [{transform_indices = #map}, {transform_indices = #map1}, {transform_indices = #map2}, {transform_indices = #map2}, {transform_indices = #map2}]} {
    %mul3A = arith.constant 2 : i32
    %mul3A_0 = arith.muli %arg1, %mul3A : i32
    %add3A = arith.addi %mul3A_0, %arg0 : i32
    "tpu.region"() ({
      %run_scoped3A = tpu.sem_alloc : memref<!tpu.dma_semaphore, #tpu.memory_space<semaphore_mem>>
      %dma_start3A = arith.constant 0 : i32
      %dma_start3A_93 = tpu.memref_slice %arg11[%dma_start3A] : memref<16xf32, #tpu.memory_space<vmem>> -> memref<1xf32, #tpu.memory_space<vmem>>
      %dma_start3A_94 = arith.constant 0 : i32
      %dma_start3A_95 = tpu.memref_slice %arg11[%dma_start3A_94] : memref<16xf32, #tpu.memory_space<vmem>> -> memref<1xf32, #tpu.memory_space<vmem>>
      tpu.enqueue_dma source(%arg5 : memref<1xf32, #tpu.memory_space<hbm>>) target(%dma_start3A_95 : memref<1xf32, #tpu.memory_space<vmem>>) target_semaphore(%run_scoped3A : memref<!tpu.dma_semaphore, #tpu.memory_space<semaphore_mem>>)
      %dma_wait3A = arith.constant 0 : i32
      %dma_wait3A_96 = tpu.memref_slice %arg11[%dma_wait3A] : memref<16xf32, #tpu.memory_space<vmem>> -> memref<1xf32, #tpu.memory_space<vmem>>
      %dma_wait3A_97 = arith.constant 0 : i32
      %dma_wait3A_98 = tpu.memref_slice %arg11[%dma_wait3A_97] : memref<16xf32, #tpu.memory_space<vmem>> -> memref<1xf32, #tpu.memory_space<vmem>>
      tpu.wait_dma2 semaphore(%run_scoped3A : memref<!tpu.dma_semaphore, #tpu.memory_space<semaphore_mem>>) src(%arg5 : memref<1xf32, #tpu.memory_space<hbm>>) dst(%dma_wait3A_98 : memref<1xf32, #tpu.memory_space<vmem>>)
      tpu.yield
    }) : () -> ()
    "tpu.region"() ({
      %run_scoped3A = tpu.sem_alloc : memref<!tpu.dma_semaphore, #tpu.memory_space<semaphore_mem>>
      %dma_start3A = arith.constant 0 : i32
      %dma_start3A_93 = arith.constant 0 : i32
      %dma_start3A_94 = tpu.memref_slice %arg2[%add3A, %dma_start3A, %dma_start3A_93] : memref<32x104x128xi32, #tpu.memory_space<hbm>> -> memref<1x104x128xi32, #tpu.memory_space<hbm>>
      %dma_start3A_95 = tpu.memref_squeeze %dma_start3A_94 : memref<1x104x128xi32, #tpu.memory_space<hbm>> -> memref<104x128xi32, #tpu.memory_space<hbm>>
      %dma_start3A_96 = arith.constant 0 : i32
      %dma_start3A_97 = arith.constant 0 : i32
      %dma_start3A_98 = tpu.memref_slice %arg2[%add3A, %dma_start3A_96, %dma_start3A_97] : memref<32x104x128xi32, #tpu.memory_space<hbm>> -> memref<1x104x128xi32, #tpu.memory_space<hbm>>
      %dma_start3A_99 = tpu.memref_squeeze %dma_start3A_98 : memref<1x104x128xi32, #tpu.memory_space<hbm>> -> memref<104x128xi32, #tpu.memory_space<hbm>>
      tpu.enqueue_dma source(%dma_start3A_99 : memref<104x128xi32, #tpu.memory_space<hbm>>) target(%arg7 : memref<104x128xi32, #tpu.memory_space<vmem>>) target_semaphore(%run_scoped3A : memref<!tpu.dma_semaphore, #tpu.memory_space<semaphore_mem>>)
      %dma_wait3A = arith.constant 0 : i32
      %dma_wait3A_100 = arith.constant 0 : i32
      %dma_wait3A_101 = tpu.memref_slice %arg2[%add3A, %dma_wait3A, %dma_wait3A_100] : memref<32x104x128xi32, #tpu.memory_space<hbm>> -> memref<1x104x128xi32, #tpu.memory_space<hbm>>
      %dma_wait3A_102 = tpu.memref_squeeze %dma_wait3A_101 : memref<1x104x128xi32, #tpu.memory_space<hbm>> -> memref<104x128xi32, #tpu.memory_space<hbm>>
      %dma_wait3A_103 = arith.constant 0 : i32
      %dma_wait3A_104 = arith.constant 0 : i32
      %dma_wait3A_105 = tpu.memref_slice %arg2[%add3A, %dma_wait3A_103, %dma_wait3A_104] : memref<32x104x128xi32, #tpu.memory_space<hbm>> -> memref<1x104x128xi32, #tpu.memory_space<hbm>>
      %dma_wait3A_106 = tpu.memref_squeeze %dma_wait3A_105 : memref<1x104x128xi32, #tpu.memory_space<hbm>> -> memref<104x128xi32, #tpu.memory_space<hbm>>
      tpu.wait_dma2 semaphore(%run_scoped3A : memref<!tpu.dma_semaphore, #tpu.memory_space<semaphore_mem>>) src(%dma_wait3A_106 : memref<104x128xi32, #tpu.memory_space<hbm>>) dst(%arg7 : memref<104x128xi32, #tpu.memory_space<vmem>>)
      tpu.yield
    }) : () -> ()
    %iota3A = tpu.iota {dimensions = array<i32: 0>} : vector<16xi32>
    %lt3A = arith.constant 10 : i32
    %lt3A_1 = vector.broadcast %lt3A : i32 to vector<16xi32>
    %lt3A_2 = arith.cmpi slt, %iota3A, %lt3A_1 : vector<16xi32>
    %eq3A = arith.constant 0 : i32
    %eq3A_3 = vector.broadcast %eq3A : i32 to vector<16xi32>
    %eq3A_4 = arith.cmpi eq, %iota3A, %eq3A_3 : vector<16xi32>
    %get3A = arith.constant 0 : index
    %get3A_5 = tpu.vector_load %arg11[%get3A] {strides = array<i32>} : memref<16xf32, #tpu.memory_space<vmem>>, vector<16xf32>,
    %jit3A = arith.constant 0.000000e+00 : f32
    %broadcast_in_dim3A = vector.broadcast %jit3A : f32 to vector<16xf32>
    %select_n3A = arith.select %eq3A_4, %get3A_5, %broadcast_in_dim3A : vector<16xi1>, vector<16xf32>
    %scan3A = arith.constant 0 : i32
    %scan3A_6 = arith.constant 0 : i32
    %scan3A_7 = arith.constant 26 : i32
    %scan3A_8 = arith.addi %scan3A_6, %scan3A_7 : i32
    %scan3A_9 = arith.constant 1 : i32
    scf.for %scan3A_93 = %scan3A_6 to %scan3A_8 step %scan3A_9  : i32 {
      %add3A_94 = arith.constant 0 : i32
      %add3A_95 = arith.addi %add3A_94, %scan3A_93 : i32
      %mul3A_96 = arith.constant 128 : i32
      %mul3A_97 = arith.muli %scan3A_93, %mul3A_96 : i32
      %dma_start3A = arith.constant 0 : i32
      %dma_start3A_98 = arith.constant 0 : i32
      %dma_start3A_99 = tpu.memref_slice %arg8[%dma_start3A, %mul3A_97, %dma_start3A_98] : memref<2x3328x16xf32, #tpu.memory_space<vmem>> -> memref<1x128x16xf32, #tpu.memory_space<vmem>>
      %dma_start3A_100 = tpu.memref_squeeze %dma_start3A_99 : memref<1x128x16xf32, #tpu.memory_space<vmem>> -> memref<128x16xf32, #tpu.memory_space<vmem>>
      %dma_start3A_101 = arith.constant 0 : i32
      %dma_start3A_102 = tpu.memref_slice %arg7[%add3A_95, %dma_start3A_101] : memref<104x128xi32, #tpu.memory_space<vmem>> -> memref<1x128xi32, #tpu.memory_space<vmem>>
      %dma_start3A_103 = tpu.memref_squeeze %dma_start3A_102 : memref<1x128xi32, #tpu.memory_space<vmem>> -> memref<128xi32, #tpu.memory_space<vmem>>
      %dma_start3A_104 = arith.constant 0 : i32
      %dma_start3A_105 = arith.constant 0 : i32
      %dma_start3A_106 = tpu.memref_slice %arg3[%dma_start3A_104, %dma_start3A_105] : memref<1000000x16xf32, #tpu.memory_space<hbm>> -> memref<1000000x16xf32, #tpu.memory_space<hbm>>
      tpu.enqueue_indirect_dma source(%dma_start3A_106 : memref<1000000x16xf32, #tpu.memory_space<hbm>>) target(%dma_start3A_100 : memref<128x16xf32, #tpu.memory_space<vmem>>) offsets(%dma_start3A_103 : memref<128xi32, #tpu.memory_space<vmem>>) semaphore(%arg12 : memref<!tpu.dma_semaphore, #tpu.memory_space<semaphore_mem>>)
      %add3A_107 = arith.constant 0 : i32
      %add3A_108 = arith.addi %add3A_107, %scan3A_93 : i32
      %mul3A_109 = arith.constant 128 : i32
      %mul3A_110 = arith.muli %scan3A_93, %mul3A_109 : i32
      %dma_start3A_111 = arith.constant 0 : i32
      %dma_start3A_112 = tpu.memref_slice %arg9[%dma_start3A_111, %mul3A_110] : memref<2x3344xf32, #tpu.memory_space<vmem>> -> memref<1x128xf32, #tpu.memory_space<vmem>>
      %dma_start3A_113 = tpu.memref_squeeze %dma_start3A_112 : memref<1x128xf32, #tpu.memory_space<vmem>> -> memref<128xf32, #tpu.memory_space<vmem>>
      %dma_start3A_114 = arith.constant 0 : i32
      %dma_start3A_115 = tpu.memref_slice %arg7[%add3A_108, %dma_start3A_114] : memref<104x128xi32, #tpu.memory_space<vmem>> -> memref<1x128xi32, #tpu.memory_space<vmem>>
      %dma_start3A_116 = tpu.memref_squeeze %dma_start3A_115 : memref<1x128xi32, #tpu.memory_space<vmem>> -> memref<128xi32, #tpu.memory_space<vmem>>
      %dma_start3A_117 = arith.constant 0 : i32
      %dma_start3A_118 = tpu.memref_slice %arg4[%dma_start3A_117] : memref<1000000xf32, #tpu.memory_space<hbm>> -> memref<1000000xf32, #tpu.memory_space<hbm>>
      tpu.enqueue_indirect_dma source(%dma_start3A_118 : memref<1000000xf32, #tpu.memory_space<hbm>>) target(%dma_start3A_113 : memref<128xf32, #tpu.memory_space<vmem>>) offsets(%dma_start3A_116 : memref<128xi32, #tpu.memory_space<vmem>>) semaphore(%arg12 : memref<!tpu.dma_semaphore, #tpu.memory_space<semaphore_mem>>)
    }
    %scan3A_10 = arith.constant 26 : i32
    %scan3A_11 = arith.constant 0 : i32
    %scan3A_12 = arith.constant 0 : i32
    %scan3A_13 = arith.constant 26 : i32
    %scan3A_14 = arith.addi %scan3A_12, %scan3A_13 : i32
    %scan3A_15 = arith.constant 1 : i32
    scf.for %scan3A_93 = %scan3A_12 to %scan3A_14 step %scan3A_15  : i32 {
      %add3A_94 = arith.constant 26 : i32
      %add3A_95 = arith.addi %add3A_94, %scan3A_93 : i32
      %mul3A_96 = arith.constant 128 : i32
      %mul3A_97 = arith.muli %scan3A_93, %mul3A_96 : i32
      %dma_start3A = arith.constant 1 : i32
      %dma_start3A_98 = arith.constant 0 : i32
      %dma_start3A_99 = tpu.memref_slice %arg8[%dma_start3A, %mul3A_97, %dma_start3A_98] : memref<2x3328x16xf32, #tpu.memory_space<vmem>> -> memref<1x128x16xf32, #tpu.memory_space<vmem>>
      %dma_start3A_100 = tpu.memref_squeeze %dma_start3A_99 : memref<1x128x16xf32, #tpu.memory_space<vmem>> -> memref<128x16xf32, #tpu.memory_space<vmem>>
      %dma_start3A_101 = arith.constant 0 : i32
      %dma_start3A_102 = tpu.memref_slice %arg7[%add3A_95, %dma_start3A_101] : memref<104x128xi32, #tpu.memory_space<vmem>> -> memref<1x128xi32, #tpu.memory_space<vmem>>
      %dma_start3A_103 = tpu.memref_squeeze %dma_start3A_102 : memref<1x128xi32, #tpu.memory_space<vmem>> -> memref<128xi32, #tpu.memory_space<vmem>>
      %dma_start3A_104 = arith.constant 0 : i32
      %dma_start3A_105 = arith.constant 0 : i32
      %dma_start3A_106 = tpu.memref_slice %arg3[%dma_start3A_104, %dma_start3A_105] : memref<1000000x16xf32, #tpu.memory_space<hbm>> -> memref<1000000x16xf32, #tpu.memory_space<hbm>>
      tpu.enqueue_indirect_dma source(%dma_start3A_106 : memref<1000000x16xf32, #tpu.memory_space<hbm>>) target(%dma_start3A_100 : memref<128x16xf32, #tpu.memory_space<vmem>>) offsets(%dma_start3A_103 : memref<128xi32, #tpu.memory_space<vmem>>) semaphore(%arg13 : memref<!tpu.dma_semaphore, #tpu.memory_space<semaphore_mem>>)
      %add3A_107 = arith.constant 26 : i32
      %add3A_108 = arith.addi %add3A_107, %scan3A_93 : i32
      %mul3A_109 = arith.constant 128 : i32
      %mul3A_110 = arith.muli %scan3A_93, %mul3A_109 : i32
      %dma_start3A_111 = arith.constant 1 : i32
      %dma_start3A_112 = tpu.memref_slice %arg9[%dma_start3A_111, %mul3A_110] : memref<2x3344xf32, #tpu.memory_space<vmem>> -> memref<1x128xf32, #tpu.memory_space<vmem>>
      %dma_start3A_113 = tpu.memref_squeeze %dma_start3A_112 : memref<1x128xf32, #tpu.memory_space<vmem>> -> memref<128xf32, #tpu.memory_space<vmem>>
      %dma_start3A_114 = arith.constant 0 : i32
      %dma_start3A_115 = tpu.memref_slice %arg7[%add3A_108, %dma_start3A_114] : memref<104x128xi32, #tpu.memory_space<vmem>> -> memref<1x128xi32, #tpu.memory_space<vmem>>
      %dma_start3A_116 = tpu.memref_squeeze %dma_start3A_115 : memref<1x128xi32, #tpu.memory_space<vmem>> -> memref<128xi32, #tpu.memory_space<vmem>>
      %dma_start3A_117 = arith.constant 0 : i32
      %dma_start3A_118 = tpu.memref_slice %arg4[%dma_start3A_117] : memref<1000000xf32, #tpu.memory_space<hbm>> -> memref<1000000xf32, #tpu.memory_space<hbm>>
      tpu.enqueue_indirect_dma source(%dma_start3A_118 : memref<1000000xf32, #tpu.memory_space<hbm>>) target(%dma_start3A_113 : memref<128xf32, #tpu.memory_space<vmem>>) offsets(%dma_start3A_116 : memref<128xi32, #tpu.memory_space<vmem>>) semaphore(%arg13 : memref<!tpu.dma_semaphore, #tpu.memory_space<semaphore_mem>>)
    }
    %scan3A_16 = arith.constant 26 : i32
    %scan3A_17 = arith.constant 0 : i32
    %scan3A_18 = arith.constant 0 : i32
    %scan3A_19 = arith.constant 26 : i32
    %scan3A_20 = arith.addi %scan3A_18, %scan3A_19 : i32
    %scan3A_21 = arith.constant 1 : i32
    scf.for %scan3A_93 = %scan3A_18 to %scan3A_20 step %scan3A_21  : i32 {
      %add3A_94 = arith.constant 0 : i32
      %add3A_95 = arith.addi %add3A_94, %scan3A_93 : i32
      %mul3A_96 = arith.constant 128 : i32
      %mul3A_97 = arith.muli %scan3A_93, %mul3A_96 : i32
      %dma_wait3A = arith.constant 0 : i32
      %dma_wait3A_98 = arith.constant 0 : i32
      %dma_wait3A_99 = tpu.memref_slice %arg8[%dma_wait3A, %mul3A_97, %dma_wait3A_98] : memref<2x3328x16xf32, #tpu.memory_space<vmem>> -> memref<1x128x16xf32, #tpu.memory_space<vmem>>
      %dma_wait3A_100 = tpu.memref_squeeze %dma_wait3A_99 : memref<1x128x16xf32, #tpu.memory_space<vmem>> -> memref<128x16xf32, #tpu.memory_space<vmem>>
      %dma_wait3A_101 = arith.constant 0 : i32
      %dma_wait3A_102 = tpu.memref_slice %arg7[%add3A_95, %dma_wait3A_101] : memref<104x128xi32, #tpu.memory_space<vmem>> -> memref<1x128xi32, #tpu.memory_space<vmem>>
      %dma_wait3A_103 = tpu.memref_squeeze %dma_wait3A_102 : memref<1x128xi32, #tpu.memory_space<vmem>> -> memref<128xi32, #tpu.memory_space<vmem>>
      %dma_wait3A_104 = arith.constant 0 : i32
      %dma_wait3A_105 = arith.constant 0 : i32
      %dma_wait3A_106 = tpu.memref_slice %arg3[%dma_wait3A_104, %dma_wait3A_105] : memref<1000000x16xf32, #tpu.memory_space<hbm>> -> memref<1000000x16xf32, #tpu.memory_space<hbm>>
      tpu.wait_indirect_dma semaphore(%arg12 : memref<!tpu.dma_semaphore, #tpu.memory_space<semaphore_mem>>) src(%dma_wait3A_106 : memref<1000000x16xf32, #tpu.memory_space<hbm>>) dst(%dma_wait3A_100 : memref<128x16xf32, #tpu.memory_space<vmem>>)
      %add3A_107 = arith.constant 0 : i32
      %add3A_108 = arith.addi %add3A_107, %scan3A_93 : i32
      %mul3A_109 = arith.constant 128 : i32
      %mul3A_110 = arith.muli %scan3A_93, %mul3A_109 : i32
      %dma_wait3A_111 = arith.constant 0 : i32
      %dma_wait3A_112 = tpu.memref_slice %arg9[%dma_wait3A_111, %mul3A_110] : memref<2x3344xf32, #tpu.memory_space<vmem>> -> memref<1x128xf32, #tpu.memory_space<vmem>>
      %dma_wait3A_113 = tpu.memref_squeeze %dma_wait3A_112 : memref<1x128xf32, #tpu.memory_space<vmem>> -> memref<128xf32, #tpu.memory_space<vmem>>
      %dma_wait3A_114 = arith.constant 0 : i32
      %dma_wait3A_115 = tpu.memref_slice %arg7[%add3A_108, %dma_wait3A_114] : memref<104x128xi32, #tpu.memory_space<vmem>> -> memref<1x128xi32, #tpu.memory_space<vmem>>
      %dma_wait3A_116 = tpu.memref_squeeze %dma_wait3A_115 : memref<1x128xi32, #tpu.memory_space<vmem>> -> memref<128xi32, #tpu.memory_space<vmem>>
      %dma_wait3A_117 = arith.constant 0 : i32
      %dma_wait3A_118 = tpu.memref_slice %arg4[%dma_wait3A_117] : memref<1000000xf32, #tpu.memory_space<hbm>> -> memref<1000000xf32, #tpu.memory_space<hbm>>
      tpu.wait_indirect_dma semaphore(%arg12 : memref<!tpu.dma_semaphore, #tpu.memory_space<semaphore_mem>>) src(%dma_wait3A_118 : memref<1000000xf32, #tpu.memory_space<hbm>>) dst(%dma_wait3A_113 : memref<128xf32, #tpu.memory_space<vmem>>)
    }
    %scan3A_22 = arith.constant 26 : i32
    %scan3A_23 = arith.constant 0 : i32
    %scan3A_24 = arith.constant 0 : i32
    %scan3A_25 = arith.constant 8 : i32
    %scan3A_26 = arith.addi %scan3A_24, %scan3A_25 : i32
    %scan3A_27 = arith.constant 1 : i32
    scf.for %scan3A_93 = %scan3A_24 to %scan3A_26 step %scan3A_27  : i32 {
      %broadcast_in_dim3A_94 = arith.constant 0.000000e+00 : f32
      %broadcast_in_dim3A_95 = vector.broadcast %broadcast_in_dim3A_94 : f32 to vector<16xf32>
      %scan3A_96 = arith.constant 0 : i32
      %scan3A_97 = arith.constant 16 : i32
      %scan3A_98 = arith.addi %scan3A_96, %scan3A_97 : i32
      %scan3A_99 = arith.constant 1 : i32
      %scan3A_100 = scf.for %scan3A_105 = %scan3A_96 to %scan3A_98 step %scan3A_99 iter_args(%scan3A_106 = %broadcast_in_dim3A_95) -> (vector<16xf32>)  : i32 {
        %mul3A_107 = arith.constant 16 : i32
        %mul3A_108 = arith.muli %scan3A_93, %mul3A_107 : i32
        %add3A_109 = arith.addi %mul3A_108, %scan3A_105 : i32
        %mul3A_110 = arith.constant 26 : i32
        %mul3A_111 = arith.muli %add3A_109, %mul3A_110 : i32
        %get3A_112 = arith.constant 0 : i32
        %get3A_113 = arith.index_cast %get3A_112 : i32 to index
        %get3A_114 = arith.index_cast %mul3A_111 : i32 to index
        %get3A_115 = arith.constant 0 : index
        %get3A_116 = tpu.vector_load %arg8[%get3A_113, %get3A_114, %get3A_115] {strides = array<i32>} : memref<2x3328x16xf32, #tpu.memory_space<vmem>>, vector<16xf32>,
        %mul3A_117 = arith.mulf %get3A_116, %get3A_116 : vector<16xf32>
        %add3A_118 = arith.constant 1 : i32
        %add3A_119 = arith.addi %mul3A_111, %add3A_118 : i32
        %get3A_120 = arith.constant 0 : i32
        %get3A_121 = arith.index_cast %get3A_120 : i32 to index
        %get3A_122 = arith.index_cast %add3A_119 : i32 to index
        %get3A_123 = arith.constant 0 : index
        %get3A_124 = tpu.vector_load %arg8[%get3A_121, %get3A_122, %get3A_123] {strides = array<i32>} : memref<2x3328x16xf32, #tpu.memory_space<vmem>>, vector<16xf32>,
        %add3A_125 = arith.addf %get3A_116, %get3A_124 : vector<16xf32>
        %mul3A_126 = arith.mulf %get3A_124, %get3A_124 : vector<16xf32>
        %add3A_127 = arith.addf %mul3A_117, %mul3A_126 : vector<16xf32>
        %add3A_128 = arith.constant 2 : i32
        %add3A_129 = arith.addi %mul3A_111, %add3A_128 : i32
        %get3A_130 = arith.constant 0 : i32
        %get3A_131 = arith.index_cast %get3A_130 : i32 to index
        %get3A_132 = arith.index_cast %add3A_129 : i32 to index
        %get3A_133 = arith.constant 0 : index
        %get3A_134 = tpu.vector_load %arg8[%get3A_131, %get3A_132, %get3A_133] {strides = array<i32>} : memref<2x3328x16xf32, #tpu.memory_space<vmem>>, vector<16xf32>,
        %add3A_135 = arith.addf %add3A_125, %get3A_134 : vector<16xf32>
        %mul3A_136 = arith.mulf %get3A_134, %get3A_134 : vector<16xf32>
        %add3A_137 = arith.addf %add3A_127, %mul3A_136 : vector<16xf32>
        %add3A_138 = arith.constant 3 : i32
        %add3A_139 = arith.addi %mul3A_111, %add3A_138 : i32
        %get3A_140 = arith.constant 0 : i32
        %get3A_141 = arith.index_cast %get3A_140 : i32 to index
        %get3A_142 = arith.index_cast %add3A_139 : i32 to index
        %get3A_143 = arith.constant 0 : index
        %get3A_144 = tpu.vector_load %arg8[%get3A_141, %get3A_142, %get3A_143] {strides = array<i32>} : memref<2x3328x16xf32, #tpu.memory_space<vmem>>, vector<16xf32>,
        %add3A_145 = arith.addf %add3A_135, %get3A_144 : vector<16xf32>
        %mul3A_146 = arith.mulf %get3A_144, %get3A_144 : vector<16xf32>
        %add3A_147 = arith.addf %add3A_137, %mul3A_146 : vector<16xf32>
        %add3A_148 = arith.constant 4 : i32
        %add3A_149 = arith.addi %mul3A_111, %add3A_148 : i32
        %get3A_150 = arith.constant 0 : i32
        %get3A_151 = arith.index_cast %get3A_150 : i32 to index
        %get3A_152 = arith.index_cast %add3A_149 : i32 to index
        %get3A_153 = arith.constant 0 : index
        %get3A_154 = tpu.vector_load %arg8[%get3A_151, %get3A_152, %get3A_153] {strides = array<i32>} : memref<2x3328x16xf32, #tpu.memory_space<vmem>>, vector<16xf32>,
        %add3A_155 = arith.addf %add3A_145, %get3A_154 : vector<16xf32>
        %mul3A_156 = arith.mulf %get3A_154, %get3A_154 : vector<16xf32>
        %add3A_157 = arith.addf %add3A_147, %mul3A_156 : vector<16xf32>
        %add3A_158 = arith.constant 5 : i32
        %add3A_159 = arith.addi %mul3A_111, %add3A_158 : i32
        %get3A_160 = arith.constant 0 : i32
        %get3A_161 = arith.index_cast %get3A_160 : i32 to index
        %get3A_162 = arith.index_cast %add3A_159 : i32 to index
        %get3A_163 = arith.constant 0 : index
        %get3A_164 = tpu.vector_load %arg8[%get3A_161, %get3A_162, %get3A_163] {strides = array<i32>} : memref<2x3328x16xf32, #tpu.memory_space<vmem>>, vector<16xf32>,
        %add3A_165 = arith.addf %add3A_155, %get3A_164 : vector<16xf32>
        %mul3A_166 = arith.mulf %get3A_164, %get3A_164 : vector<16xf32>
        %add3A_167 = arith.addf %add3A_157, %mul3A_166 : vector<16xf32>
        %add3A_168 = arith.constant 6 : i32
        %add3A_169 = arith.addi %mul3A_111, %add3A_168 : i32
        %get3A_170 = arith.constant 0 : i32
        %get3A_171 = arith.index_cast %get3A_170 : i32 to index
        %get3A_172 = arith.index_cast %add3A_169 : i32 to index
        %get3A_173 = arith.constant 0 : index
        %get3A_174 = tpu.vector_load %arg8[%get3A_171, %get3A_172, %get3A_173] {strides = array<i32>} : memref<2x3328x16xf32, #tpu.memory_space<vmem>>, vector<16xf32>,
        %add3A_175 = arith.addf %add3A_165, %get3A_174 : vector<16xf32>
        %mul3A_176 = arith.mulf %get3A_174, %get3A_174 : vector<16xf32>
        %add3A_177 = arith.addf %add3A_167, %mul3A_176 : vector<16xf32>
        %add3A_178 = arith.constant 7 : i32
        %add3A_179 = arith.addi %mul3A_111, %add3A_178 : i32
        %get3A_180 = arith.constant 0 : i32
        %get3A_181 = arith.index_cast %get3A_180 : i32 to index
        %get3A_182 = arith.index_cast %add3A_179 : i32 to index
        %get3A_183 = arith.constant 0 : index
        %get3A_184 = tpu.vector_load %arg8[%get3A_181, %get3A_182, %get3A_183] {strides = array<i32>} : memref<2x3328x16xf32, #tpu.memory_space<vmem>>, vector<16xf32>,
        %add3A_185 = arith.addf %add3A_175, %get3A_184 : vector<16xf32>
        %mul3A_186 = arith.mulf %get3A_184, %get3A_184 : vector<16xf32>
        %add3A_187 = arith.addf %add3A_177, %mul3A_186 : vector<16xf32>
        %add3A_188 = arith.constant 8 : i32
        %add3A_189 = arith.addi %mul3A_111, %add3A_188 : i32
        %get3A_190 = arith.constant 0 : i32
        %get3A_191 = arith.index_cast %get3A_190 : i32 to index
        %get3A_192 = arith.index_cast %add3A_189 : i32 to index
        %get3A_193 = arith.constant 0 : index
        %get3A_194 = tpu.vector_load %arg8[%get3A_191, %get3A_192, %get3A_193] {strides = array<i32>} : memref<2x3328x16xf32, #tpu.memory_space<vmem>>, vector<16xf32>,
        %add3A_195 = arith.addf %add3A_185, %get3A_194 : vector<16xf32>
        %mul3A_196 = arith.mulf %get3A_194, %get3A_194 : vector<16xf32>
        %add3A_197 = arith.addf %add3A_187, %mul3A_196 : vector<16xf32>
        %add3A_198 = arith.constant 9 : i32
        %add3A_199 = arith.addi %mul3A_111, %add3A_198 : i32
        %get3A_200 = arith.constant 0 : i32
        %get3A_201 = arith.index_cast %get3A_200 : i32 to index
        %get3A_202 = arith.index_cast %add3A_199 : i32 to index
        %get3A_203 = arith.constant 0 : index
        %get3A_204 = tpu.vector_load %arg8[%get3A_201, %get3A_202, %get3A_203] {strides = array<i32>} : memref<2x3328x16xf32, #tpu.memory_space<vmem>>, vector<16xf32>,
        %add3A_205 = arith.addf %add3A_195, %get3A_204 : vector<16xf32>
        %mul3A_206 = arith.mulf %get3A_204, %get3A_204 : vector<16xf32>
        %add3A_207 = arith.addf %add3A_197, %mul3A_206 : vector<16xf32>
        %add3A_208 = arith.constant 10 : i32
        %add3A_209 = arith.addi %mul3A_111, %add3A_208 : i32
        %get3A_210 = arith.constant 0 : i32
        %get3A_211 = arith.index_cast %get3A_210 : i32 to index
        %get3A_212 = arith.index_cast %add3A_209 : i32 to index
        %get3A_213 = arith.constant 0 : index
        %get3A_214 = tpu.vector_load %arg8[%get3A_211, %get3A_212, %get3A_213] {strides = array<i32>} : memref<2x3328x16xf32, #tpu.memory_space<vmem>>, vector<16xf32>,
        %add3A_215 = arith.addf %add3A_205, %get3A_214 : vector<16xf32>
        %mul3A_216 = arith.mulf %get3A_214, %get3A_214 : vector<16xf32>
        %add3A_217 = arith.addf %add3A_207, %mul3A_216 : vector<16xf32>
        %add3A_218 = arith.constant 11 : i32
        %add3A_219 = arith.addi %mul3A_111, %add3A_218 : i32
        %get3A_220 = arith.constant 0 : i32
        %get3A_221 = arith.index_cast %get3A_220 : i32 to index
        %get3A_222 = arith.index_cast %add3A_219 : i32 to index
        %get3A_223 = arith.constant 0 : index
        %get3A_224 = tpu.vector_load %arg8[%get3A_221, %get3A_222, %get3A_223] {strides = array<i32>} : memref<2x3328x16xf32, #tpu.memory_space<vmem>>, vector<16xf32>,
        %add3A_225 = arith.addf %add3A_215, %get3A_224 : vector<16xf32>
        %mul3A_226 = arith.mulf %get3A_224, %get3A_224 : vector<16xf32>
        %add3A_227 = arith.addf %add3A_217, %mul3A_226 : vector<16xf32>
        %add3A_228 = arith.constant 12 : i32
        %add3A_229 = arith.addi %mul3A_111, %add3A_228 : i32
        %get3A_230 = arith.constant 0 : i32
        %get3A_231 = arith.index_cast %get3A_230 : i32 to index
        %get3A_232 = arith.index_cast %add3A_229 : i32 to index
        %get3A_233 = arith.constant 0 : index
        %get3A_234 = tpu.vector_load %arg8[%get3A_231, %get3A_232, %get3A_233] {strides = array<i32>} : memref<2x3328x16xf32, #tpu.memory_space<vmem>>, vector<16xf32>,
        %add3A_235 = arith.addf %add3A_225, %get3A_234 : vector<16xf32>
        %mul3A_236 = arith.mulf %get3A_234, %get3A_234 : vector<16xf32>
        %add3A_237 = arith.addf %add3A_227, %mul3A_236 : vector<16xf32>
        %add3A_238 = arith.constant 13 : i32
        %add3A_239 = arith.addi %mul3A_111, %add3A_238 : i32
        %get3A_240 = arith.constant 0 : i32
        %get3A_241 = arith.index_cast %get3A_240 : i32 to index
        %get3A_242 = arith.index_cast %add3A_239 : i32 to index
        %get3A_243 = arith.constant 0 : index
        %get3A_244 = tpu.vector_load %arg8[%get3A_241, %get3A_242, %get3A_243] {strides = array<i32>} : memref<2x3328x16xf32, #tpu.memory_space<vmem>>, vector<16xf32>,
        %add3A_245 = arith.addf %add3A_235, %get3A_244 : vector<16xf32>
        %mul3A_246 = arith.mulf %get3A_244, %get3A_244 : vector<16xf32>
        %add3A_247 = arith.addf %add3A_237, %mul3A_246 : vector<16xf32>
        %add3A_248 = arith.constant 14 : i32
        %add3A_249 = arith.addi %mul3A_111, %add3A_248 : i32
        %get3A_250 = arith.constant 0 : i32
        %get3A_251 = arith.index_cast %get3A_250 : i32 to index
        %get3A_252 = arith.index_cast %add3A_249 : i32 to index
        %get3A_253 = arith.constant 0 : index
        %get3A_254 = tpu.vector_load %arg8[%get3A_251, %get3A_252, %get3A_253] {strides = array<i32>} : memref<2x3328x16xf32, #tpu.memory_space<vmem>>, vector<16xf32>,
        %add3A_255 = arith.addf %add3A_245, %get3A_254 : vector<16xf32>
        %mul3A_256 = arith.mulf %get3A_254, %get3A_254 : vector<16xf32>
        %add3A_257 = arith.addf %add3A_247, %mul3A_256 : vector<16xf32>
        %add3A_258 = arith.constant 15 : i32
        %add3A_259 = arith.addi %mul3A_111, %add3A_258 : i32
        %get3A_260 = arith.constant 0 : i32
        %get3A_261 = arith.index_cast %get3A_260 : i32 to index
        %get3A_262 = arith.index_cast %add3A_259 : i32 to index
        %get3A_263 = arith.constant 0 : index
        %get3A_264 = tpu.vector_load %arg8[%get3A_261, %get3A_262, %get3A_263] {strides = array<i32>} : memref<2x3328x16xf32, #tpu.memory_space<vmem>>, vector<16xf32>,
        %add3A_265 = arith.addf %add3A_255, %get3A_264 : vector<16xf32>
        %mul3A_266 = arith.mulf %get3A_264, %get3A_264 : vector<16xf32>
        %add3A_267 = arith.addf %add3A_257, %mul3A_266 : vector<16xf32>
        %add3A_268 = arith.constant 16 : i32
        %add3A_269 = arith.addi %mul3A_111, %add3A_268 : i32
        %get3A_270 = arith.constant 0 : i32
        %get3A_271 = arith.index_cast %get3A_270 : i32 to index
        %get3A_272 = arith.index_cast %add3A_269 : i32 to index
        %get3A_273 = arith.constant 0 : index
        %get3A_274 = tpu.vector_load %arg8[%get3A_271, %get3A_272, %get3A_273] {strides = array<i32>} : memref<2x3328x16xf32, #tpu.memory_space<vmem>>, vector<16xf32>,
        %add3A_275 = arith.addf %add3A_265, %get3A_274 : vector<16xf32>
        %mul3A_276 = arith.mulf %get3A_274, %get3A_274 : vector<16xf32>
        %add3A_277 = arith.addf %add3A_267, %mul3A_276 : vector<16xf32>
        %add3A_278 = arith.constant 17 : i32
        %add3A_279 = arith.addi %mul3A_111, %add3A_278 : i32
        %get3A_280 = arith.constant 0 : i32
        %get3A_281 = arith.index_cast %get3A_280 : i32 to index
        %get3A_282 = arith.index_cast %add3A_279 : i32 to index
        %get3A_283 = arith.constant 0 : index
        %get3A_284 = tpu.vector_load %arg8[%get3A_281, %get3A_282, %get3A_283] {strides = array<i32>} : memref<2x3328x16xf32, #tpu.memory_space<vmem>>, vector<16xf32>,
        %add3A_285 = arith.addf %add3A_275, %get3A_284 : vector<16xf32>
        %mul3A_286 = arith.mulf %get3A_284, %get3A_284 : vector<16xf32>
        %add3A_287 = arith.addf %add3A_277, %mul3A_286 : vector<16xf32>
        %add3A_288 = arith.constant 18 : i32
        %add3A_289 = arith.addi %mul3A_111, %add3A_288 : i32
        %get3A_290 = arith.constant 0 : i32
        %get3A_291 = arith.index_cast %get3A_290 : i32 to index
        %get3A_292 = arith.index_cast %add3A_289 : i32 to index
        %get3A_293 = arith.constant 0 : index
        %get3A_294 = tpu.vector_load %arg8[%get3A_291, %get3A_292, %get3A_293] {strides = array<i32>} : memref<2x3328x16xf32, #tpu.memory_space<vmem>>, vector<16xf32>,
        %add3A_295 = arith.addf %add3A_285, %get3A_294 : vector<16xf32>
        %mul3A_296 = arith.mulf %get3A_294, %get3A_294 : vector<16xf32>
        %add3A_297 = arith.addf %add3A_287, %mul3A_296 : vector<16xf32>
        %add3A_298 = arith.constant 19 : i32
        %add3A_299 = arith.addi %mul3A_111, %add3A_298 : i32
        %get3A_300 = arith.constant 0 : i32
        %get3A_301 = arith.index_cast %get3A_300 : i32 to index
        %get3A_302 = arith.index_cast %add3A_299 : i32 to index
        %get3A_303 = arith.constant 0 : index
        %get3A_304 = tpu.vector_load %arg8[%get3A_301, %get3A_302, %get3A_303] {strides = array<i32>} : memref<2x3328x16xf32, #tpu.memory_space<vmem>>, vector<16xf32>,
        %add3A_305 = arith.addf %add3A_295, %get3A_304 : vector<16xf32>
        %mul3A_306 = arith.mulf %get3A_304, %get3A_304 : vector<16xf32>
        %add3A_307 = arith.addf %add3A_297, %mul3A_306 : vector<16xf32>
        %add3A_308 = arith.constant 20 : i32
        %add3A_309 = arith.addi %mul3A_111, %add3A_308 : i32
        %get3A_310 = arith.constant 0 : i32
        %get3A_311 = arith.index_cast %get3A_310 : i32 to index
        %get3A_312 = arith.index_cast %add3A_309 : i32 to index
        %get3A_313 = arith.constant 0 : index
        %get3A_314 = tpu.vector_load %arg8[%get3A_311, %get3A_312, %get3A_313] {strides = array<i32>} : memref<2x3328x16xf32, #tpu.memory_space<vmem>>, vector<16xf32>,
        %add3A_315 = arith.addf %add3A_305, %get3A_314 : vector<16xf32>
        %mul3A_316 = arith.mulf %get3A_314, %get3A_314 : vector<16xf32>
        %add3A_317 = arith.addf %add3A_307, %mul3A_316 : vector<16xf32>
        %add3A_318 = arith.constant 21 : i32
        %add3A_319 = arith.addi %mul3A_111, %add3A_318 : i32
        %get3A_320 = arith.constant 0 : i32
        %get3A_321 = arith.index_cast %get3A_320 : i32 to index
        %get3A_322 = arith.index_cast %add3A_319 : i32 to index
        %get3A_323 = arith.constant 0 : index
        %get3A_324 = tpu.vector_load %arg8[%get3A_321, %get3A_322, %get3A_323] {strides = array<i32>} : memref<2x3328x16xf32, #tpu.memory_space<vmem>>, vector<16xf32>,
        %add3A_325 = arith.addf %add3A_315, %get3A_324 : vector<16xf32>
        %mul3A_326 = arith.mulf %get3A_324, %get3A_324 : vector<16xf32>
        %add3A_327 = arith.addf %add3A_317, %mul3A_326 : vector<16xf32>
        %add3A_328 = arith.constant 22 : i32
        %add3A_329 = arith.addi %mul3A_111, %add3A_328 : i32
        %get3A_330 = arith.constant 0 : i32
        %get3A_331 = arith.index_cast %get3A_330 : i32 to index
        %get3A_332 = arith.index_cast %add3A_329 : i32 to index
        %get3A_333 = arith.constant 0 : index
        %get3A_334 = tpu.vector_load %arg8[%get3A_331, %get3A_332, %get3A_333] {strides = array<i32>} : memref<2x3328x16xf32, #tpu.memory_space<vmem>>, vector<16xf32>,
        %add3A_335 = arith.addf %add3A_325, %get3A_334 : vector<16xf32>
        %mul3A_336 = arith.mulf %get3A_334, %get3A_334 : vector<16xf32>
        %add3A_337 = arith.addf %add3A_327, %mul3A_336 : vector<16xf32>
        %add3A_338 = arith.constant 23 : i32
        %add3A_339 = arith.addi %mul3A_111, %add3A_338 : i32
        %get3A_340 = arith.constant 0 : i32
        %get3A_341 = arith.index_cast %get3A_340 : i32 to index
        %get3A_342 = arith.index_cast %add3A_339 : i32 to index
        %get3A_343 = arith.constant 0 : index
        %get3A_344 = tpu.vector_load %arg8[%get3A_341, %get3A_342, %get3A_343] {strides = array<i32>} : memref<2x3328x16xf32, #tpu.memory_space<vmem>>, vector<16xf32>,
        %add3A_345 = arith.addf %add3A_335, %get3A_344 : vector<16xf32>
        %mul3A_346 = arith.mulf %get3A_344, %get3A_344 : vector<16xf32>
        %add3A_347 = arith.addf %add3A_337, %mul3A_346 : vector<16xf32>
        %add3A_348 = arith.constant 24 : i32
        %add3A_349 = arith.addi %mul3A_111, %add3A_348 : i32
        %get3A_350 = arith.constant 0 : i32
        %get3A_351 = arith.index_cast %get3A_350 : i32 to index
        %get3A_352 = arith.index_cast %add3A_349 : i32 to index
        %get3A_353 = arith.constant 0 : index
        %get3A_354 = tpu.vector_load %arg8[%get3A_351, %get3A_352, %get3A_353] {strides = array<i32>} : memref<2x3328x16xf32, #tpu.memory_space<vmem>>, vector<16xf32>,
        %add3A_355 = arith.addf %add3A_345, %get3A_354 : vector<16xf32>
        %mul3A_356 = arith.mulf %get3A_354, %get3A_354 : vector<16xf32>
        %add3A_357 = arith.addf %add3A_347, %mul3A_356 : vector<16xf32>
        %add3A_358 = arith.constant 25 : i32
        %add3A_359 = arith.addi %mul3A_111, %add3A_358 : i32
        %get3A_360 = arith.constant 0 : i32
        %get3A_361 = arith.index_cast %get3A_360 : i32 to index
        %get3A_362 = arith.index_cast %add3A_359 : i32 to index
        %get3A_363 = arith.constant 0 : index
        %get3A_364 = tpu.vector_load %arg8[%get3A_361, %get3A_362, %get3A_363] {strides = array<i32>} : memref<2x3328x16xf32, #tpu.memory_space<vmem>>, vector<16xf32>,
        %add3A_365 = arith.addf %add3A_355, %get3A_364 : vector<16xf32>
        %mul3A_366 = arith.mulf %get3A_364, %get3A_364 : vector<16xf32>
        %add3A_367 = arith.addf %add3A_357, %mul3A_366 : vector<16xf32>
        %get3A_368 = arith.constant 0 : i32
        %get3A_369 = arith.index_cast %get3A_368 : i32 to index
        %get3A_370 = arith.index_cast %mul3A_111 : i32 to index
        %get3A_371 = tpu.vector_load %arg9[%get3A_369, %get3A_370] {strides = array<i32>} : memref<2x3344xf32, #tpu.memory_space<vmem>>, vector<16xf32>,
        %add3A_372 = arith.constant 16 : i32
        %add3A_373 = arith.addi %mul3A_111, %add3A_372 : i32
        %get3A_374 = arith.constant 0 : i32
        %get3A_375 = arith.index_cast %get3A_374 : i32 to index
        %get3A_376 = arith.index_cast %add3A_373 : i32 to index
        %get3A_377 = tpu.vector_load %arg9[%get3A_375, %get3A_376] {strides = array<i32>} : memref<2x3344xf32, #tpu.memory_space<vmem>>, vector<16xf32>,
        %mul3A_378 = arith.mulf %add3A_365, %add3A_365 : vector<16xf32>
        %sub3A = arith.subf %mul3A_378, %add3A_367 : vector<16xf32>
        %mul3A_379 = arith.constant 5.000000e-01 : f32
        %mul3A_380 = vector.broadcast %mul3A_379 : f32 to vector<16xf32>
        %mul3A_381 = arith.mulf %mul3A_380, %sub3A : vector<16xf32>
        %add3A_382 = arith.addf %mul3A_381, %get3A_371 : vector<16xf32>
        %jit3A_383 = arith.constant 0.000000e+00 : f32
        %broadcast_in_dim3A_384 = vector.broadcast %jit3A_383 : f32 to vector<16xf32>
        %select_n3A_385 = arith.select %lt3A_2, %get3A_377, %broadcast_in_dim3A_384 : vector<16xi1>, vector<16xf32>
        %add3A_386 = arith.addf %add3A_382, %select_n3A_385 : vector<16xf32>
        %add3A_387 = arith.addf %add3A_386, %select_n3A : vector<16xf32>
        %reduce_sum3A = arith.constant true
        %reduce_sum3A_388 = vector.broadcast %reduce_sum3A : i1 to vector<16xi1>
        %reduce_sum3A_389 = tpu.scan <sum>, %add3A_387 masked %reduce_sum3A_388 : vector<16xf32>, vector<16xi1> -> vector<16xf32>
        %reduce_sum3A_390 = vector.extract %reduce_sum3A_389[15] : f32 from vector<16xf32>
        %eq3A_391 = vector.broadcast %scan3A_105 : i32 to vector<16xi32>
        %eq3A_392 = arith.cmpi eq, %iota3A, %eq3A_391 : vector<16xi32>
        %broadcast_in_dim3A_393 = vector.broadcast %reduce_sum3A_390 : f32 to vector<16xf32>
        %select_n3A_394 = arith.select %eq3A_392, %broadcast_in_dim3A_393, %scan3A_106 : vector<16xi1>, vector<16xf32>
        scf.yield %select_n3A_394 : vector<16xf32>
      }
      %scan3A_101 = arith.constant 16 : i32
      %mul3A_102 = arith.constant 16 : i32
      %mul3A_103 = arith.muli %scan3A_93, %mul3A_102 : i32
      %swap3A = arith.index_cast %mul3A_103 : i32 to index
      %swap3A_104 = tpu.vector_load %arg10[%swap3A] {strides = array<i32>} : memref<128xf32, #tpu.memory_space<vmem>>, vector<16xf32>,
      tpu.vector_store %arg10[%swap3A], %scan3A_100 {strides = array<i32>} : memref<128xf32, #tpu.memory_space<vmem>>, vector<16xf32>,
    }
    %scan3A_28 = arith.constant 8 : i32
    %mul3A_29 = arith.constant 512 : i32
    %mul3A_30 = arith.muli %add3A, %mul3A_29 : i32
    %add3A_31 = arith.constant 0 : i32
    %add3A_32 = arith.addi %mul3A_30, %add3A_31 : i32
    "tpu.region"() ({
      %run_scoped3A = tpu.sem_alloc : memref<!tpu.dma_semaphore, #tpu.memory_space<semaphore_mem>>
      %dma_start3A = tpu.memref_slice %arg6[%add3A_32] : memref<16384xf32, #tpu.memory_space<hbm>> -> memref<128xf32, #tpu.memory_space<hbm>>
      %dma_start3A_93 = tpu.memref_slice %arg6[%add3A_32] : memref<16384xf32, #tpu.memory_space<hbm>> -> memref<128xf32, #tpu.memory_space<hbm>>
      tpu.enqueue_dma source(%arg10 : memref<128xf32, #tpu.memory_space<vmem>>) target(%dma_start3A_93 : memref<128xf32, #tpu.memory_space<hbm>>) target_semaphore(%run_scoped3A : memref<!tpu.dma_semaphore, #tpu.memory_space<semaphore_mem>>)
      %dma_wait3A = tpu.memref_slice %arg6[%add3A_32] : memref<16384xf32, #tpu.memory_space<hbm>> -> memref<128xf32, #tpu.memory_space<hbm>>
      %dma_wait3A_94 = tpu.memref_slice %arg6[%add3A_32] : memref<16384xf32, #tpu.memory_space<hbm>> -> memref<128xf32, #tpu.memory_space<hbm>>
      tpu.wait_dma2 semaphore(%run_scoped3A : memref<!tpu.dma_semaphore, #tpu.memory_space<semaphore_mem>>) src(%arg10 : memref<128xf32, #tpu.memory_space<vmem>>) dst(%dma_wait3A_94 : memref<128xf32, #tpu.memory_space<hbm>>)
      tpu.yield
    }) : () -> ()
    %scan3A_33 = arith.constant 0 : i32
    %scan3A_34 = arith.constant 0 : i32
    %scan3A_35 = arith.constant 26 : i32
    %scan3A_36 = arith.addi %scan3A_34, %scan3A_35 : i32
    %scan3A_37 = arith.constant 1 : i32
    scf.for %scan3A_93 = %scan3A_34 to %scan3A_36 step %scan3A_37  : i32 {
      %add3A_94 = arith.constant 52 : i32
      %add3A_95 = arith.addi %add3A_94, %scan3A_93 : i32
      %mul3A_96 = arith.constant 128 : i32
      %mul3A_97 = arith.muli %scan3A_93, %mul3A_96 : i32
      %dma_start3A = arith.constant 0 : i32
      %dma_start3A_98 = arith.constant 0 : i32
      %dma_start3A_99 = tpu.memref_slice %arg8[%dma_start3A, %mul3A_97, %dma_start3A_98] : memref<2x3328x16xf32, #tpu.memory_space<vmem>> -> memref<1x128x16xf32, #tpu.memory_space<vmem>>
      %dma_start3A_100 = tpu.memref_squeeze %dma_start3A_99 : memref<1x128x16xf32, #tpu.memory_space<vmem>> -> memref<128x16xf32, #tpu.memory_space<vmem>>
      %dma_start3A_101 = arith.constant 0 : i32
      %dma_start3A_102 = tpu.memref_slice %arg7[%add3A_95, %dma_start3A_101] : memref<104x128xi32, #tpu.memory_space<vmem>> -> memref<1x128xi32, #tpu.memory_space<vmem>>
      %dma_start3A_103 = tpu.memref_squeeze %dma_start3A_102 : memref<1x128xi32, #tpu.memory_space<vmem>> -> memref<128xi32, #tpu.memory_space<vmem>>
      %dma_start3A_104 = arith.constant 0 : i32
      %dma_start3A_105 = arith.constant 0 : i32
      %dma_start3A_106 = tpu.memref_slice %arg3[%dma_start3A_104, %dma_start3A_105] : memref<1000000x16xf32, #tpu.memory_space<hbm>> -> memref<1000000x16xf32, #tpu.memory_space<hbm>>
      tpu.enqueue_indirect_dma source(%dma_start3A_106 : memref<1000000x16xf32, #tpu.memory_space<hbm>>) target(%dma_start3A_100 : memref<128x16xf32, #tpu.memory_space<vmem>>) offsets(%dma_start3A_103 : memref<128xi32, #tpu.memory_space<vmem>>) semaphore(%arg12 : memref<!tpu.dma_semaphore, #tpu.memory_space<semaphore_mem>>)
      %add3A_107 = arith.constant 52 : i32
      %add3A_108 = arith.addi %add3A_107, %scan3A_93 : i32
      %mul3A_109 = arith.constant 128 : i32
      %mul3A_110 = arith.muli %scan3A_93, %mul3A_109 : i32
      %dma_start3A_111 = arith.constant 0 : i32
      %dma_start3A_112 = tpu.memref_slice %arg9[%dma_start3A_111, %mul3A_110] : memref<2x3344xf32, #tpu.memory_space<vmem>> -> memref<1x128xf32, #tpu.memory_space<vmem>>
      %dma_start3A_113 = tpu.memref_squeeze %dma_start3A_112 : memref<1x128xf32, #tpu.memory_space<vmem>> -> memref<128xf32, #tpu.memory_space<vmem>>
      %dma_start3A_114 = arith.constant 0 : i32
      %dma_start3A_115 = tpu.memref_slice %arg7[%add3A_108, %dma_start3A_114] : memref<104x128xi32, #tpu.memory_space<vmem>> -> memref<1x128xi32, #tpu.memory_space<vmem>>
      %dma_start3A_116 = tpu.memref_squeeze %dma_start3A_115 : memref<1x128xi32, #tpu.memory_space<vmem>> -> memref<128xi32, #tpu.memory_space<vmem>>
      %dma_start3A_117 = arith.constant 0 : i32
      %dma_start3A_118 = tpu.memref_slice %arg4[%dma_start3A_117] : memref<1000000xf32, #tpu.memory_space<hbm>> -> memref<1000000xf32, #tpu.memory_space<hbm>>
      tpu.enqueue_indirect_dma source(%dma_start3A_118 : memref<1000000xf32, #tpu.memory_space<hbm>>) target(%dma_start3A_113 : memref<128xf32, #tpu.memory_space<vmem>>) offsets(%dma_start3A_116 : memref<128xi32, #tpu.memory_space<vmem>>) semaphore(%arg12 : memref<!tpu.dma_semaphore, #tpu.memory_space<semaphore_mem>>)
    }
    %scan3A_38 = arith.constant 26 : i32
    %scan3A_39 = arith.constant 0 : i32
    %scan3A_40 = arith.constant 0 : i32
    %scan3A_41 = arith.constant 26 : i32
    %scan3A_42 = arith.addi %scan3A_40, %scan3A_41 : i32
    %scan3A_43 = arith.constant 1 : i32
    scf.for %scan3A_93 = %scan3A_40 to %scan3A_42 step %scan3A_43  : i32 {
      %add3A_94 = arith.constant 26 : i32
      %add3A_95 = arith.addi %add3A_94, %scan3A_93 : i32
      %mul3A_96 = arith.constant 128 : i32
      %mul3A_97 = arith.muli %scan3A_93, %mul3A_96 : i32
      %dma_wait3A = arith.constant 1 : i32
      %dma_wait3A_98 = arith.constant 0 : i32
      %dma_wait3A_99 = tpu.memref_slice %arg8[%dma_wait3A, %mul3A_97, %dma_wait3A_98] : memref<2x3328x16xf32, #tpu.memory_space<vmem>> -> memref<1x128x16xf32, #tpu.memory_space<vmem>>
      %dma_wait3A_100 = tpu.memref_squeeze %dma_wait3A_99 : memref<1x128x16xf32, #tpu.memory_space<vmem>> -> memref<128x16xf32, #tpu.memory_space<vmem>>
      %dma_wait3A_101 = arith.constant 0 : i32
      %dma_wait3A_102 = tpu.memref_slice %arg7[%add3A_95, %dma_wait3A_101] : memref<104x128xi32, #tpu.memory_space<vmem>> -> memref<1x128xi32, #tpu.memory_space<vmem>>
      %dma_wait3A_103 = tpu.memref_squeeze %dma_wait3A_102 : memref<1x128xi32, #tpu.memory_space<vmem>> -> memref<128xi32, #tpu.memory_space<vmem>>
      %dma_wait3A_104 = arith.constant 0 : i32
      %dma_wait3A_105 = arith.constant 0 : i32
      %dma_wait3A_106 = tpu.memref_slice %arg3[%dma_wait3A_104, %dma_wait3A_105] : memref<1000000x16xf32, #tpu.memory_space<hbm>> -> memref<1000000x16xf32, #tpu.memory_space<hbm>>
      tpu.wait_indirect_dma semaphore(%arg13 : memref<!tpu.dma_semaphore, #tpu.memory_space<semaphore_mem>>) src(%dma_wait3A_106 : memref<1000000x16xf32, #tpu.memory_space<hbm>>) dst(%dma_wait3A_100 : memref<128x16xf32, #tpu.memory_space<vmem>>)
      %add3A_107 = arith.constant 26 : i32
      %add3A_108 = arith.addi %add3A_107, %scan3A_93 : i32
      %mul3A_109 = arith.constant 128 : i32
      %mul3A_110 = arith.muli %scan3A_93, %mul3A_109 : i32
      %dma_wait3A_111 = arith.constant 1 : i32
      %dma_wait3A_112 = tpu.memref_slice %arg9[%dma_wait3A_111, %mul3A_110] : memref<2x3344xf32, #tpu.memory_space<vmem>> -> memref<1x128xf32, #tpu.memory_space<vmem>>
      %dma_wait3A_113 = tpu.memref_squeeze %dma_wait3A_112 : memref<1x128xf32, #tpu.memory_space<vmem>> -> memref<128xf32, #tpu.memory_space<vmem>>
      %dma_wait3A_114 = arith.constant 0 : i32
      %dma_wait3A_115 = tpu.memref_slice %arg7[%add3A_108, %dma_wait3A_114] : memref<104x128xi32, #tpu.memory_space<vmem>> -> memref<1x128xi32, #tpu.memory_space<vmem>>
      %dma_wait3A_116 = tpu.memref_squeeze %dma_wait3A_115 : memref<1x128xi32, #tpu.memory_space<vmem>> -> memref<128xi32, #tpu.memory_space<vmem>>
      %dma_wait3A_117 = arith.constant 0 : i32
      %dma_wait3A_118 = tpu.memref_slice %arg4[%dma_wait3A_117] : memref<1000000xf32, #tpu.memory_space<hbm>> -> memref<1000000xf32, #tpu.memory_space<hbm>>
      tpu.wait_indirect_dma semaphore(%arg13 : memref<!tpu.dma_semaphore, #tpu.memory_space<semaphore_mem>>) src(%dma_wait3A_118 : memref<1000000xf32, #tpu.memory_space<hbm>>) dst(%dma_wait3A_113 : memref<128xf32, #tpu.memory_space<vmem>>)
    }
    %scan3A_44 = arith.constant 26 : i32
    %scan3A_45 = arith.constant 0 : i32
    %scan3A_46 = arith.constant 0 : i32
    %scan3A_47 = arith.constant 8 : i32
    %scan3A_48 = arith.addi %scan3A_46, %scan3A_47 : i32
    %scan3A_49 = arith.constant 1 : i32
    scf.for %scan3A_93 = %scan3A_46 to %scan3A_48 step %scan3A_49  : i32 {
      %broadcast_in_dim3A_94 = arith.constant 0.000000e+00 : f32
      %broadcast_in_dim3A_95 = vector.broadcast %broadcast_in_dim3A_94 : f32 to vector<16xf32>
      %scan3A_96 = arith.constant 0 : i32
      %scan3A_97 = arith.constant 16 : i32
      %scan3A_98 = arith.addi %scan3A_96, %scan3A_97 : i32
      %scan3A_99 = arith.constant 1 : i32
      %scan3A_100 = scf.for %scan3A_105 = %scan3A_96 to %scan3A_98 step %scan3A_99 iter_args(%scan3A_106 = %broadcast_in_dim3A_95) -> (vector<16xf32>)  : i32 {
        %mul3A_107 = arith.constant 16 : i32
        %mul3A_108 = arith.muli %scan3A_93, %mul3A_107 : i32
        %add3A_109 = arith.addi %mul3A_108, %scan3A_105 : i32
        %mul3A_110 = arith.constant 26 : i32
        %mul3A_111 = arith.muli %add3A_109, %mul3A_110 : i32
        %get3A_112 = arith.constant 1 : i32
        %get3A_113 = arith.index_cast %get3A_112 : i32 to index
        %get3A_114 = arith.index_cast %mul3A_111 : i32 to index
        %get3A_115 = arith.constant 0 : index
        %get3A_116 = tpu.vector_load %arg8[%get3A_113, %get3A_114, %get3A_115] {strides = array<i32>} : memref<2x3328x16xf32, #tpu.memory_space<vmem>>, vector<16xf32>,
        %mul3A_117 = arith.mulf %get3A_116, %get3A_116 : vector<16xf32>
        %add3A_118 = arith.constant 1 : i32
        %add3A_119 = arith.addi %mul3A_111, %add3A_118 : i32
        %get3A_120 = arith.constant 1 : i32
        %get3A_121 = arith.index_cast %get3A_120 : i32 to index
        %get3A_122 = arith.index_cast %add3A_119 : i32 to index
        %get3A_123 = arith.constant 0 : index
        %get3A_124 = tpu.vector_load %arg8[%get3A_121, %get3A_122, %get3A_123] {strides = array<i32>} : memref<2x3328x16xf32, #tpu.memory_space<vmem>>, vector<16xf32>,
        %add3A_125 = arith.addf %get3A_116, %get3A_124 : vector<16xf32>
        %mul3A_126 = arith.mulf %get3A_124, %get3A_124 : vector<16xf32>
        %add3A_127 = arith.addf %mul3A_117, %mul3A_126 : vector<16xf32>
        %add3A_128 = arith.constant 2 : i32
        %add3A_129 = arith.addi %mul3A_111, %add3A_128 : i32
        %get3A_130 = arith.constant 1 : i32
        %get3A_131 = arith.index_cast %get3A_130 : i32 to index
        %get3A_132 = arith.index_cast %add3A_129 : i32 to index
        %get3A_133 = arith.constant 0 : index
        %get3A_134 = tpu.vector_load %arg8[%get3A_131, %get3A_132, %get3A_133] {strides = array<i32>} : memref<2x3328x16xf32, #tpu.memory_space<vmem>>, vector<16xf32>,
        %add3A_135 = arith.addf %add3A_125, %get3A_134 : vector<16xf32>
        %mul3A_136 = arith.mulf %get3A_134, %get3A_134 : vector<16xf32>
        %add3A_137 = arith.addf %add3A_127, %mul3A_136 : vector<16xf32>
        %add3A_138 = arith.constant 3 : i32
        %add3A_139 = arith.addi %mul3A_111, %add3A_138 : i32
        %get3A_140 = arith.constant 1 : i32
        %get3A_141 = arith.index_cast %get3A_140 : i32 to index
        %get3A_142 = arith.index_cast %add3A_139 : i32 to index
        %get3A_143 = arith.constant 0 : index
        %get3A_144 = tpu.vector_load %arg8[%get3A_141, %get3A_142, %get3A_143] {strides = array<i32>} : memref<2x3328x16xf32, #tpu.memory_space<vmem>>, vector<16xf32>,
        %add3A_145 = arith.addf %add3A_135, %get3A_144 : vector<16xf32>
        %mul3A_146 = arith.mulf %get3A_144, %get3A_144 : vector<16xf32>
        %add3A_147 = arith.addf %add3A_137, %mul3A_146 : vector<16xf32>
        %add3A_148 = arith.constant 4 : i32
        %add3A_149 = arith.addi %mul3A_111, %add3A_148 : i32
        %get3A_150 = arith.constant 1 : i32
        %get3A_151 = arith.index_cast %get3A_150 : i32 to index
        %get3A_152 = arith.index_cast %add3A_149 : i32 to index
        %get3A_153 = arith.constant 0 : index
        %get3A_154 = tpu.vector_load %arg8[%get3A_151, %get3A_152, %get3A_153] {strides = array<i32>} : memref<2x3328x16xf32, #tpu.memory_space<vmem>>, vector<16xf32>,
        %add3A_155 = arith.addf %add3A_145, %get3A_154 : vector<16xf32>
        %mul3A_156 = arith.mulf %get3A_154, %get3A_154 : vector<16xf32>
        %add3A_157 = arith.addf %add3A_147, %mul3A_156 : vector<16xf32>
        %add3A_158 = arith.constant 5 : i32
        %add3A_159 = arith.addi %mul3A_111, %add3A_158 : i32
        %get3A_160 = arith.constant 1 : i32
        %get3A_161 = arith.index_cast %get3A_160 : i32 to index
        %get3A_162 = arith.index_cast %add3A_159 : i32 to index
        %get3A_163 = arith.constant 0 : index
        %get3A_164 = tpu.vector_load %arg8[%get3A_161, %get3A_162, %get3A_163] {strides = array<i32>} : memref<2x3328x16xf32, #tpu.memory_space<vmem>>, vector<16xf32>,
        %add3A_165 = arith.addf %add3A_155, %get3A_164 : vector<16xf32>
        %mul3A_166 = arith.mulf %get3A_164, %get3A_164 : vector<16xf32>
        %add3A_167 = arith.addf %add3A_157, %mul3A_166 : vector<16xf32>
        %add3A_168 = arith.constant 6 : i32
        %add3A_169 = arith.addi %mul3A_111, %add3A_168 : i32
        %get3A_170 = arith.constant 1 : i32
        %get3A_171 = arith.index_cast %get3A_170 : i32 to index
        %get3A_172 = arith.index_cast %add3A_169 : i32 to index
        %get3A_173 = arith.constant 0 : index
        %get3A_174 = tpu.vector_load %arg8[%get3A_171, %get3A_172, %get3A_173] {strides = array<i32>} : memref<2x3328x16xf32, #tpu.memory_space<vmem>>, vector<16xf32>,
        %add3A_175 = arith.addf %add3A_165, %get3A_174 : vector<16xf32>
        %mul3A_176 = arith.mulf %get3A_174, %get3A_174 : vector<16xf32>
        %add3A_177 = arith.addf %add3A_167, %mul3A_176 : vector<16xf32>
        %add3A_178 = arith.constant 7 : i32
        %add3A_179 = arith.addi %mul3A_111, %add3A_178 : i32
        %get3A_180 = arith.constant 1 : i32
        %get3A_181 = arith.index_cast %get3A_180 : i32 to index
        %get3A_182 = arith.index_cast %add3A_179 : i32 to index
        %get3A_183 = arith.constant 0 : index
        %get3A_184 = tpu.vector_load %arg8[%get3A_181, %get3A_182, %get3A_183] {strides = array<i32>} : memref<2x3328x16xf32, #tpu.memory_space<vmem>>, vector<16xf32>,
        %add3A_185 = arith.addf %add3A_175, %get3A_184 : vector<16xf32>
        %mul3A_186 = arith.mulf %get3A_184, %get3A_184 : vector<16xf32>
        %add3A_187 = arith.addf %add3A_177, %mul3A_186 : vector<16xf32>
        %add3A_188 = arith.constant 8 : i32
        %add3A_189 = arith.addi %mul3A_111, %add3A_188 : i32
        %get3A_190 = arith.constant 1 : i32
        %get3A_191 = arith.index_cast %get3A_190 : i32 to index
        %get3A_192 = arith.index_cast %add3A_189 : i32 to index
        %get3A_193 = arith.constant 0 : index
        %get3A_194 = tpu.vector_load %arg8[%get3A_191, %get3A_192, %get3A_193] {strides = array<i32>} : memref<2x3328x16xf32, #tpu.memory_space<vmem>>, vector<16xf32>,
        %add3A_195 = arith.addf %add3A_185, %get3A_194 : vector<16xf32>
        %mul3A_196 = arith.mulf %get3A_194, %get3A_194 : vector<16xf32>
        %add3A_197 = arith.addf %add3A_187, %mul3A_196 : vector<16xf32>
        %add3A_198 = arith.constant 9 : i32
        %add3A_199 = arith.addi %mul3A_111, %add3A_198 : i32
        %get3A_200 = arith.constant 1 : i32
        %get3A_201 = arith.index_cast %get3A_200 : i32 to index
        %get3A_202 = arith.index_cast %add3A_199 : i32 to index
        %get3A_203 = arith.constant 0 : index
        %get3A_204 = tpu.vector_load %arg8[%get3A_201, %get3A_202, %get3A_203] {strides = array<i32>} : memref<2x3328x16xf32, #tpu.memory_space<vmem>>, vector<16xf32>,
        %add3A_205 = arith.addf %add3A_195, %get3A_204 : vector<16xf32>
        %mul3A_206 = arith.mulf %get3A_204, %get3A_204 : vector<16xf32>
        %add3A_207 = arith.addf %add3A_197, %mul3A_206 : vector<16xf32>
        %add3A_208 = arith.constant 10 : i32
        %add3A_209 = arith.addi %mul3A_111, %add3A_208 : i32
        %get3A_210 = arith.constant 1 : i32
        %get3A_211 = arith.index_cast %get3A_210 : i32 to index
        %get3A_212 = arith.index_cast %add3A_209 : i32 to index
        %get3A_213 = arith.constant 0 : index
        %get3A_214 = tpu.vector_load %arg8[%get3A_211, %get3A_212, %get3A_213] {strides = array<i32>} : memref<2x3328x16xf32, #tpu.memory_space<vmem>>, vector<16xf32>,
        %add3A_215 = arith.addf %add3A_205, %get3A_214 : vector<16xf32>
        %mul3A_216 = arith.mulf %get3A_214, %get3A_214 : vector<16xf32>
        %add3A_217 = arith.addf %add3A_207, %mul3A_216 : vector<16xf32>
        %add3A_218 = arith.constant 11 : i32
        %add3A_219 = arith.addi %mul3A_111, %add3A_218 : i32
        %get3A_220 = arith.constant 1 : i32
        %get3A_221 = arith.index_cast %get3A_220 : i32 to index
        %get3A_222 = arith.index_cast %add3A_219 : i32 to index
        %get3A_223 = arith.constant 0 : index
        %get3A_224 = tpu.vector_load %arg8[%get3A_221, %get3A_222, %get3A_223] {strides = array<i32>} : memref<2x3328x16xf32, #tpu.memory_space<vmem>>, vector<16xf32>,
        %add3A_225 = arith.addf %add3A_215, %get3A_224 : vector<16xf32>
        %mul3A_226 = arith.mulf %get3A_224, %get3A_224 : vector<16xf32>
        %add3A_227 = arith.addf %add3A_217, %mul3A_226 : vector<16xf32>
        %add3A_228 = arith.constant 12 : i32
        %add3A_229 = arith.addi %mul3A_111, %add3A_228 : i32
        %get3A_230 = arith.constant 1 : i32
        %get3A_231 = arith.index_cast %get3A_230 : i32 to index
        %get3A_232 = arith.index_cast %add3A_229 : i32 to index
        %get3A_233 = arith.constant 0 : index
        %get3A_234 = tpu.vector_load %arg8[%get3A_231, %get3A_232, %get3A_233] {strides = array<i32>} : memref<2x3328x16xf32, #tpu.memory_space<vmem>>, vector<16xf32>,
        %add3A_235 = arith.addf %add3A_225, %get3A_234 : vector<16xf32>
        %mul3A_236 = arith.mulf %get3A_234, %get3A_234 : vector<16xf32>
        %add3A_237 = arith.addf %add3A_227, %mul3A_236 : vector<16xf32>
        %add3A_238 = arith.constant 13 : i32
        %add3A_239 = arith.addi %mul3A_111, %add3A_238 : i32
        %get3A_240 = arith.constant 1 : i32
        %get3A_241 = arith.index_cast %get3A_240 : i32 to index
        %get3A_242 = arith.index_cast %add3A_239 : i32 to index
        %get3A_243 = arith.constant 0 : index
        %get3A_244 = tpu.vector_load %arg8[%get3A_241, %get3A_242, %get3A_243] {strides = array<i32>} : memref<2x3328x16xf32, #tpu.memory_space<vmem>>, vector<16xf32>,
        %add3A_245 = arith.addf %add3A_235, %get3A_244 : vector<16xf32>
        %mul3A_246 = arith.mulf %get3A_244, %get3A_244 : vector<16xf32>
        %add3A_247 = arith.addf %add3A_237, %mul3A_246 : vector<16xf32>
        %add3A_248 = arith.constant 14 : i32
        %add3A_249 = arith.addi %mul3A_111, %add3A_248 : i32
        %get3A_250 = arith.constant 1 : i32
        %get3A_251 = arith.index_cast %get3A_250 : i32 to index
        %get3A_252 = arith.index_cast %add3A_249 : i32 to index
        %get3A_253 = arith.constant 0 : index
        %get3A_254 = tpu.vector_load %arg8[%get3A_251, %get3A_252, %get3A_253] {strides = array<i32>} : memref<2x3328x16xf32, #tpu.memory_space<vmem>>, vector<16xf32>,
        %add3A_255 = arith.addf %add3A_245, %get3A_254 : vector<16xf32>
        %mul3A_256 = arith.mulf %get3A_254, %get3A_254 : vector<16xf32>
        %add3A_257 = arith.addf %add3A_247, %mul3A_256 : vector<16xf32>
        %add3A_258 = arith.constant 15 : i32
        %add3A_259 = arith.addi %mul3A_111, %add3A_258 : i32
        %get3A_260 = arith.constant 1 : i32
        %get3A_261 = arith.index_cast %get3A_260 : i32 to index
        %get3A_262 = arith.index_cast %add3A_259 : i32 to index
        %get3A_263 = arith.constant 0 : index
        %get3A_264 = tpu.vector_load %arg8[%get3A_261, %get3A_262, %get3A_263] {strides = array<i32>} : memref<2x3328x16xf32, #tpu.memory_space<vmem>>, vector<16xf32>,
        %add3A_265 = arith.addf %add3A_255, %get3A_264 : vector<16xf32>
        %mul3A_266 = arith.mulf %get3A_264, %get3A_264 : vector<16xf32>
        %add3A_267 = arith.addf %add3A_257, %mul3A_266 : vector<16xf32>
        %add3A_268 = arith.constant 16 : i32
        %add3A_269 = arith.addi %mul3A_111, %add3A_268 : i32
        %get3A_270 = arith.constant 1 : i32
        %get3A_271 = arith.index_cast %get3A_270 : i32 to index
        %get3A_272 = arith.index_cast %add3A_269 : i32 to index
        %get3A_273 = arith.constant 0 : index
        %get3A_274 = tpu.vector_load %arg8[%get3A_271, %get3A_272, %get3A_273] {strides = array<i32>} : memref<2x3328x16xf32, #tpu.memory_space<vmem>>, vector<16xf32>,
        %add3A_275 = arith.addf %add3A_265, %get3A_274 : vector<16xf32>
        %mul3A_276 = arith.mulf %get3A_274, %get3A_274 : vector<16xf32>
        %add3A_277 = arith.addf %add3A_267, %mul3A_276 : vector<16xf32>
        %add3A_278 = arith.constant 17 : i32
        %add3A_279 = arith.addi %mul3A_111, %add3A_278 : i32
        %get3A_280 = arith.constant 1 : i32
        %get3A_281 = arith.index_cast %get3A_280 : i32 to index
        %get3A_282 = arith.index_cast %add3A_279 : i32 to index
        %get3A_283 = arith.constant 0 : index
        %get3A_284 = tpu.vector_load %arg8[%get3A_281, %get3A_282, %get3A_283] {strides = array<i32>} : memref<2x3328x16xf32, #tpu.memory_space<vmem>>, vector<16xf32>,
        %add3A_285 = arith.addf %add3A_275, %get3A_284 : vector<16xf32>
        %mul3A_286 = arith.mulf %get3A_284, %get3A_284 : vector<16xf32>
        %add3A_287 = arith.addf %add3A_277, %mul3A_286 : vector<16xf32>
        %add3A_288 = arith.constant 18 : i32
        %add3A_289 = arith.addi %mul3A_111, %add3A_288 : i32
        %get3A_290 = arith.constant 1 : i32
        %get3A_291 = arith.index_cast %get3A_290 : i32 to index
        %get3A_292 = arith.index_cast %add3A_289 : i32 to index
        %get3A_293 = arith.constant 0 : index
        %get3A_294 = tpu.vector_load %arg8[%get3A_291, %get3A_292, %get3A_293] {strides = array<i32>} : memref<2x3328x16xf32, #tpu.memory_space<vmem>>, vector<16xf32>,
        %add3A_295 = arith.addf %add3A_285, %get3A_294 : vector<16xf32>
        %mul3A_296 = arith.mulf %get3A_294, %get3A_294 : vector<16xf32>
        %add3A_297 = arith.addf %add3A_287, %mul3A_296 : vector<16xf32>
        %add3A_298 = arith.constant 19 : i32
        %add3A_299 = arith.addi %mul3A_111, %add3A_298 : i32
        %get3A_300 = arith.constant 1 : i32
        %get3A_301 = arith.index_cast %get3A_300 : i32 to index
        %get3A_302 = arith.index_cast %add3A_299 : i32 to index
        %get3A_303 = arith.constant 0 : index
        %get3A_304 = tpu.vector_load %arg8[%get3A_301, %get3A_302, %get3A_303] {strides = array<i32>} : memref<2x3328x16xf32, #tpu.memory_space<vmem>>, vector<16xf32>,
        %add3A_305 = arith.addf %add3A_295, %get3A_304 : vector<16xf32>
        %mul3A_306 = arith.mulf %get3A_304, %get3A_304 : vector<16xf32>
        %add3A_307 = arith.addf %add3A_297, %mul3A_306 : vector<16xf32>
        %add3A_308 = arith.constant 20 : i32
        %add3A_309 = arith.addi %mul3A_111, %add3A_308 : i32
        %get3A_310 = arith.constant 1 : i32
        %get3A_311 = arith.index_cast %get3A_310 : i32 to index
        %get3A_312 = arith.index_cast %add3A_309 : i32 to index
        %get3A_313 = arith.constant 0 : index
        %get3A_314 = tpu.vector_load %arg8[%get3A_311, %get3A_312, %get3A_313] {strides = array<i32>} : memref<2x3328x16xf32, #tpu.memory_space<vmem>>, vector<16xf32>,
        %add3A_315 = arith.addf %add3A_305, %get3A_314 : vector<16xf32>
        %mul3A_316 = arith.mulf %get3A_314, %get3A_314 : vector<16xf32>
        %add3A_317 = arith.addf %add3A_307, %mul3A_316 : vector<16xf32>
        %add3A_318 = arith.constant 21 : i32
        %add3A_319 = arith.addi %mul3A_111, %add3A_318 : i32
        %get3A_320 = arith.constant 1 : i32
        %get3A_321 = arith.index_cast %get3A_320 : i32 to index
        %get3A_322 = arith.index_cast %add3A_319 : i32 to index
        %get3A_323 = arith.constant 0 : index
        %get3A_324 = tpu.vector_load %arg8[%get3A_321, %get3A_322, %get3A_323] {strides = array<i32>} : memref<2x3328x16xf32, #tpu.memory_space<vmem>>, vector<16xf32>,
        %add3A_325 = arith.addf %add3A_315, %get3A_324 : vector<16xf32>
        %mul3A_326 = arith.mulf %get3A_324, %get3A_324 : vector<16xf32>
        %add3A_327 = arith.addf %add3A_317, %mul3A_326 : vector<16xf32>
        %add3A_328 = arith.constant 22 : i32
        %add3A_329 = arith.addi %mul3A_111, %add3A_328 : i32
        %get3A_330 = arith.constant 1 : i32
        %get3A_331 = arith.index_cast %get3A_330 : i32 to index
        %get3A_332 = arith.index_cast %add3A_329 : i32 to index
        %get3A_333 = arith.constant 0 : index
        %get3A_334 = tpu.vector_load %arg8[%get3A_331, %get3A_332, %get3A_333] {strides = array<i32>} : memref<2x3328x16xf32, #tpu.memory_space<vmem>>, vector<16xf32>,
        %add3A_335 = arith.addf %add3A_325, %get3A_334 : vector<16xf32>
        %mul3A_336 = arith.mulf %get3A_334, %get3A_334 : vector<16xf32>
        %add3A_337 = arith.addf %add3A_327, %mul3A_336 : vector<16xf32>
        %add3A_338 = arith.constant 23 : i32
        %add3A_339 = arith.addi %mul3A_111, %add3A_338 : i32
        %get3A_340 = arith.constant 1 : i32
        %get3A_341 = arith.index_cast %get3A_340 : i32 to index
        %get3A_342 = arith.index_cast %add3A_339 : i32 to index
        %get3A_343 = arith.constant 0 : index
        %get3A_344 = tpu.vector_load %arg8[%get3A_341, %get3A_342, %get3A_343] {strides = array<i32>} : memref<2x3328x16xf32, #tpu.memory_space<vmem>>, vector<16xf32>,
        %add3A_345 = arith.addf %add3A_335, %get3A_344 : vector<16xf32>
        %mul3A_346 = arith.mulf %get3A_344, %get3A_344 : vector<16xf32>
        %add3A_347 = arith.addf %add3A_337, %mul3A_346 : vector<16xf32>
        %add3A_348 = arith.constant 24 : i32
        %add3A_349 = arith.addi %mul3A_111, %add3A_348 : i32
        %get3A_350 = arith.constant 1 : i32
        %get3A_351 = arith.index_cast %get3A_350 : i32 to index
        %get3A_352 = arith.index_cast %add3A_349 : i32 to index
        %get3A_353 = arith.constant 0 : index
        %get3A_354 = tpu.vector_load %arg8[%get3A_351, %get3A_352, %get3A_353] {strides = array<i32>} : memref<2x3328x16xf32, #tpu.memory_space<vmem>>, vector<16xf32>,
        %add3A_355 = arith.addf %add3A_345, %get3A_354 : vector<16xf32>
        %mul3A_356 = arith.mulf %get3A_354, %get3A_354 : vector<16xf32>
        %add3A_357 = arith.addf %add3A_347, %mul3A_356 : vector<16xf32>
        %add3A_358 = arith.constant 25 : i32
        %add3A_359 = arith.addi %mul3A_111, %add3A_358 : i32
        %get3A_360 = arith.constant 1 : i32
        %get3A_361 = arith.index_cast %get3A_360 : i32 to index
        %get3A_362 = arith.index_cast %add3A_359 : i32 to index
        %get3A_363 = arith.constant 0 : index
        %get3A_364 = tpu.vector_load %arg8[%get3A_361, %get3A_362, %get3A_363] {strides = array<i32>} : memref<2x3328x16xf32, #tpu.memory_space<vmem>>, vector<16xf32>,
        %add3A_365 = arith.addf %add3A_355, %get3A_364 : vector<16xf32>
        %mul3A_366 = arith.mulf %get3A_364, %get3A_364 : vector<16xf32>
        %add3A_367 = arith.addf %add3A_357, %mul3A_366 : vector<16xf32>
        %get3A_368 = arith.constant 1 : i32
        %get3A_369 = arith.index_cast %get3A_368 : i32 to index
        %get3A_370 = arith.index_cast %mul3A_111 : i32 to index
        %get3A_371 = tpu.vector_load %arg9[%get3A_369, %get3A_370] {strides = array<i32>} : memref<2x3344xf32, #tpu.memory_space<vmem>>, vector<16xf32>,
        %add3A_372 = arith.constant 16 : i32
        %add3A_373 = arith.addi %mul3A_111, %add3A_372 : i32
        %get3A_374 = arith.constant 1 : i32
        %get3A_375 = arith.index_cast %get3A_374 : i32 to index
        %get3A_376 = arith.index_cast %add3A_373 : i32 to index
        %get3A_377 = tpu.vector_load %arg9[%get3A_375, %get3A_376] {strides = array<i32>} : memref<2x3344xf32, #tpu.memory_space<vmem>>, vector<16xf32>,
        %mul3A_378 = arith.mulf %add3A_365, %add3A_365 : vector<16xf32>
        %sub3A = arith.subf %mul3A_378, %add3A_367 : vector<16xf32>
        %mul3A_379 = arith.constant 5.000000e-01 : f32
        %mul3A_380 = vector.broadcast %mul3A_379 : f32 to vector<16xf32>
        %mul3A_381 = arith.mulf %mul3A_380, %sub3A : vector<16xf32>
        %add3A_382 = arith.addf %mul3A_381, %get3A_371 : vector<16xf32>
        %jit3A_383 = arith.constant 0.000000e+00 : f32
        %broadcast_in_dim3A_384 = vector.broadcast %jit3A_383 : f32 to vector<16xf32>
        %select_n3A_385 = arith.select %lt3A_2, %get3A_377, %broadcast_in_dim3A_384 : vector<16xi1>, vector<16xf32>
        %add3A_386 = arith.addf %add3A_382, %select_n3A_385 : vector<16xf32>
        %add3A_387 = arith.addf %add3A_386, %select_n3A : vector<16xf32>
        %reduce_sum3A = arith.constant true
        %reduce_sum3A_388 = vector.broadcast %reduce_sum3A : i1 to vector<16xi1>
        %reduce_sum3A_389 = tpu.scan <sum>, %add3A_387 masked %reduce_sum3A_388 : vector<16xf32>, vector<16xi1> -> vector<16xf32>
        %reduce_sum3A_390 = vector.extract %reduce_sum3A_389[15] : f32 from vector<16xf32>
        %eq3A_391 = vector.broadcast %scan3A_105 : i32 to vector<16xi32>
        %eq3A_392 = arith.cmpi eq, %iota3A, %eq3A_391 : vector<16xi32>
        %broadcast_in_dim3A_393 = vector.broadcast %reduce_sum3A_390 : f32 to vector<16xf32>
        %select_n3A_394 = arith.select %eq3A_392, %broadcast_in_dim3A_393, %scan3A_106 : vector<16xi1>, vector<16xf32>
        scf.yield %select_n3A_394 : vector<16xf32>
      }
      %scan3A_101 = arith.constant 16 : i32
      %mul3A_102 = arith.constant 16 : i32
      %mul3A_103 = arith.muli %scan3A_93, %mul3A_102 : i32
      %swap3A = arith.index_cast %mul3A_103 : i32 to index
      %swap3A_104 = tpu.vector_load %arg10[%swap3A] {strides = array<i32>} : memref<128xf32, #tpu.memory_space<vmem>>, vector<16xf32>,
      tpu.vector_store %arg10[%swap3A], %scan3A_100 {strides = array<i32>} : memref<128xf32, #tpu.memory_space<vmem>>, vector<16xf32>,
    }
    %scan3A_50 = arith.constant 8 : i32
    %mul3A_51 = arith.constant 512 : i32
    %mul3A_52 = arith.muli %add3A, %mul3A_51 : i32
    %add3A_53 = arith.constant 128 : i32
    %add3A_54 = arith.addi %mul3A_52, %add3A_53 : i32
    "tpu.region"() ({
      %run_scoped3A = tpu.sem_alloc : memref<!tpu.dma_semaphore, #tpu.memory_space<semaphore_mem>>
      %dma_start3A = tpu.memref_slice %arg6[%add3A_54] : memref<16384xf32, #tpu.memory_space<hbm>> -> memref<128xf32, #tpu.memory_space<hbm>>
      %dma_start3A_93 = tpu.memref_slice %arg6[%add3A_54] : memref<16384xf32, #tpu.memory_space<hbm>> -> memref<128xf32, #tpu.memory_space<hbm>>
      tpu.enqueue_dma source(%arg10 : memref<128xf32, #tpu.memory_space<vmem>>) target(%dma_start3A_93 : memref<128xf32, #tpu.memory_space<hbm>>) target_semaphore(%run_scoped3A : memref<!tpu.dma_semaphore, #tpu.memory_space<semaphore_mem>>)
      %dma_wait3A = tpu.memref_slice %arg6[%add3A_54] : memref<16384xf32, #tpu.memory_space<hbm>> -> memref<128xf32, #tpu.memory_space<hbm>>
      %dma_wait3A_94 = tpu.memref_slice %arg6[%add3A_54] : memref<16384xf32, #tpu.memory_space<hbm>> -> memref<128xf32, #tpu.memory_space<hbm>>
      tpu.wait_dma2 semaphore(%run_scoped3A : memref<!tpu.dma_semaphore, #tpu.memory_space<semaphore_mem>>) src(%arg10 : memref<128xf32, #tpu.memory_space<vmem>>) dst(%dma_wait3A_94 : memref<128xf32, #tpu.memory_space<hbm>>)
      tpu.yield
    }) : () -> ()
    %scan3A_55 = arith.constant 0 : i32
    %scan3A_56 = arith.constant 0 : i32
    %scan3A_57 = arith.constant 26 : i32
    %scan3A_58 = arith.addi %scan3A_56, %scan3A_57 : i32
    %scan3A_59 = arith.constant 1 : i32
    scf.for %scan3A_93 = %scan3A_56 to %scan3A_58 step %scan3A_59  : i32 {
      %add3A_94 = arith.constant 78 : i32
      %add3A_95 = arith.addi %add3A_94, %scan3A_93 : i32
      %mul3A_96 = arith.constant 128 : i32
      %mul3A_97 = arith.muli %scan3A_93, %mul3A_96 : i32
      %dma_start3A = arith.constant 1 : i32
      %dma_start3A_98 = arith.constant 0 : i32
      %dma_start3A_99 = tpu.memref_slice %arg8[%dma_start3A, %mul3A_97, %dma_start3A_98] : memref<2x3328x16xf32, #tpu.memory_space<vmem>> -> memref<1x128x16xf32, #tpu.memory_space<vmem>>
      %dma_start3A_100 = tpu.memref_squeeze %dma_start3A_99 : memref<1x128x16xf32, #tpu.memory_space<vmem>> -> memref<128x16xf32, #tpu.memory_space<vmem>>
      %dma_start3A_101 = arith.constant 0 : i32
      %dma_start3A_102 = tpu.memref_slice %arg7[%add3A_95, %dma_start3A_101] : memref<104x128xi32, #tpu.memory_space<vmem>> -> memref<1x128xi32, #tpu.memory_space<vmem>>
      %dma_start3A_103 = tpu.memref_squeeze %dma_start3A_102 : memref<1x128xi32, #tpu.memory_space<vmem>> -> memref<128xi32, #tpu.memory_space<vmem>>
      %dma_start3A_104 = arith.constant 0 : i32
      %dma_start3A_105 = arith.constant 0 : i32
      %dma_start3A_106 = tpu.memref_slice %arg3[%dma_start3A_104, %dma_start3A_105] : memref<1000000x16xf32, #tpu.memory_space<hbm>> -> memref<1000000x16xf32, #tpu.memory_space<hbm>>
      tpu.enqueue_indirect_dma source(%dma_start3A_106 : memref<1000000x16xf32, #tpu.memory_space<hbm>>) target(%dma_start3A_100 : memref<128x16xf32, #tpu.memory_space<vmem>>) offsets(%dma_start3A_103 : memref<128xi32, #tpu.memory_space<vmem>>) semaphore(%arg13 : memref<!tpu.dma_semaphore, #tpu.memory_space<semaphore_mem>>)
      %add3A_107 = arith.constant 78 : i32
      %add3A_108 = arith.addi %add3A_107, %scan3A_93 : i32
      %mul3A_109 = arith.constant 128 : i32
      %mul3A_110 = arith.muli %scan3A_93, %mul3A_109 : i32
      %dma_start3A_111 = arith.constant 1 : i32
      %dma_start3A_112 = tpu.memref_slice %arg9[%dma_start3A_111, %mul3A_110] : memref<2x3344xf32, #tpu.memory_space<vmem>> -> memref<1x128xf32, #tpu.memory_space<vmem>>
      %dma_start3A_113 = tpu.memref_squeeze %dma_start3A_112 : memref<1x128xf32, #tpu.memory_space<vmem>> -> memref<128xf32, #tpu.memory_space<vmem>>
      %dma_start3A_114 = arith.constant 0 : i32
      %dma_start3A_115 = tpu.memref_slice %arg7[%add3A_108, %dma_start3A_114] : memref<104x128xi32, #tpu.memory_space<vmem>> -> memref<1x128xi32, #tpu.memory_space<vmem>>
      %dma_start3A_116 = tpu.memref_squeeze %dma_start3A_115 : memref<1x128xi32, #tpu.memory_space<vmem>> -> memref<128xi32, #tpu.memory_space<vmem>>
      %dma_start3A_117 = arith.constant 0 : i32
      %dma_start3A_118 = tpu.memref_slice %arg4[%dma_start3A_117] : memref<1000000xf32, #tpu.memory_space<hbm>> -> memref<1000000xf32, #tpu.memory_space<hbm>>
      tpu.enqueue_indirect_dma source(%dma_start3A_118 : memref<1000000xf32, #tpu.memory_space<hbm>>) target(%dma_start3A_113 : memref<128xf32, #tpu.memory_space<vmem>>) offsets(%dma_start3A_116 : memref<128xi32, #tpu.memory_space<vmem>>) semaphore(%arg13 : memref<!tpu.dma_semaphore, #tpu.memory_space<semaphore_mem>>)
    }
    %scan3A_60 = arith.constant 26 : i32
    %scan3A_61 = arith.constant 0 : i32
    %scan3A_62 = arith.constant 0 : i32
    %scan3A_63 = arith.constant 26 : i32
    %scan3A_64 = arith.addi %scan3A_62, %scan3A_63 : i32
    %scan3A_65 = arith.constant 1 : i32
    scf.for %scan3A_93 = %scan3A_62 to %scan3A_64 step %scan3A_65  : i32 {
      %add3A_94 = arith.constant 52 : i32
      %add3A_95 = arith.addi %add3A_94, %scan3A_93 : i32
      %mul3A_96 = arith.constant 128 : i32
      %mul3A_97 = arith.muli %scan3A_93, %mul3A_96 : i32
      %dma_wait3A = arith.constant 0 : i32
      %dma_wait3A_98 = arith.constant 0 : i32
      %dma_wait3A_99 = tpu.memref_slice %arg8[%dma_wait3A, %mul3A_97, %dma_wait3A_98] : memref<2x3328x16xf32, #tpu.memory_space<vmem>> -> memref<1x128x16xf32, #tpu.memory_space<vmem>>
      %dma_wait3A_100 = tpu.memref_squeeze %dma_wait3A_99 : memref<1x128x16xf32, #tpu.memory_space<vmem>> -> memref<128x16xf32, #tpu.memory_space<vmem>>
      %dma_wait3A_101 = arith.constant 0 : i32
      %dma_wait3A_102 = tpu.memref_slice %arg7[%add3A_95, %dma_wait3A_101] : memref<104x128xi32, #tpu.memory_space<vmem>> -> memref<1x128xi32, #tpu.memory_space<vmem>>
      %dma_wait3A_103 = tpu.memref_squeeze %dma_wait3A_102 : memref<1x128xi32, #tpu.memory_space<vmem>> -> memref<128xi32, #tpu.memory_space<vmem>>
      %dma_wait3A_104 = arith.constant 0 : i32
      %dma_wait3A_105 = arith.constant 0 : i32
      %dma_wait3A_106 = tpu.memref_slice %arg3[%dma_wait3A_104, %dma_wait3A_105] : memref<1000000x16xf32, #tpu.memory_space<hbm>> -> memref<1000000x16xf32, #tpu.memory_space<hbm>>
      tpu.wait_indirect_dma semaphore(%arg12 : memref<!tpu.dma_semaphore, #tpu.memory_space<semaphore_mem>>) src(%dma_wait3A_106 : memref<1000000x16xf32, #tpu.memory_space<hbm>>) dst(%dma_wait3A_100 : memref<128x16xf32, #tpu.memory_space<vmem>>)
      %add3A_107 = arith.constant 52 : i32
      %add3A_108 = arith.addi %add3A_107, %scan3A_93 : i32
      %mul3A_109 = arith.constant 128 : i32
      %mul3A_110 = arith.muli %scan3A_93, %mul3A_109 : i32
      %dma_wait3A_111 = arith.constant 0 : i32
      %dma_wait3A_112 = tpu.memref_slice %arg9[%dma_wait3A_111, %mul3A_110] : memref<2x3344xf32, #tpu.memory_space<vmem>> -> memref<1x128xf32, #tpu.memory_space<vmem>>
      %dma_wait3A_113 = tpu.memref_squeeze %dma_wait3A_112 : memref<1x128xf32, #tpu.memory_space<vmem>> -> memref<128xf32, #tpu.memory_space<vmem>>
      %dma_wait3A_114 = arith.constant 0 : i32
      %dma_wait3A_115 = tpu.memref_slice %arg7[%add3A_108, %dma_wait3A_114] : memref<104x128xi32, #tpu.memory_space<vmem>> -> memref<1x128xi32, #tpu.memory_space<vmem>>
      %dma_wait3A_116 = tpu.memref_squeeze %dma_wait3A_115 : memref<1x128xi32, #tpu.memory_space<vmem>> -> memref<128xi32, #tpu.memory_space<vmem>>
      %dma_wait3A_117 = arith.constant 0 : i32
      %dma_wait3A_118 = tpu.memref_slice %arg4[%dma_wait3A_117] : memref<1000000xf32, #tpu.memory_space<hbm>> -> memref<1000000xf32, #tpu.memory_space<hbm>>
      tpu.wait_indirect_dma semaphore(%arg12 : memref<!tpu.dma_semaphore, #tpu.memory_space<semaphore_mem>>) src(%dma_wait3A_118 : memref<1000000xf32, #tpu.memory_space<hbm>>) dst(%dma_wait3A_113 : memref<128xf32, #tpu.memory_space<vmem>>)
    }
    %scan3A_66 = arith.constant 26 : i32
    %scan3A_67 = arith.constant 0 : i32
    %scan3A_68 = arith.constant 0 : i32
    %scan3A_69 = arith.constant 8 : i32
    %scan3A_70 = arith.addi %scan3A_68, %scan3A_69 : i32
    %scan3A_71 = arith.constant 1 : i32
    scf.for %scan3A_93 = %scan3A_68 to %scan3A_70 step %scan3A_71  : i32 {
      %broadcast_in_dim3A_94 = arith.constant 0.000000e+00 : f32
      %broadcast_in_dim3A_95 = vector.broadcast %broadcast_in_dim3A_94 : f32 to vector<16xf32>
      %scan3A_96 = arith.constant 0 : i32
      %scan3A_97 = arith.constant 16 : i32
      %scan3A_98 = arith.addi %scan3A_96, %scan3A_97 : i32
      %scan3A_99 = arith.constant 1 : i32
      %scan3A_100 = scf.for %scan3A_105 = %scan3A_96 to %scan3A_98 step %scan3A_99 iter_args(%scan3A_106 = %broadcast_in_dim3A_95) -> (vector<16xf32>)  : i32 {
        %mul3A_107 = arith.constant 16 : i32
        %mul3A_108 = arith.muli %scan3A_93, %mul3A_107 : i32
        %add3A_109 = arith.addi %mul3A_108, %scan3A_105 : i32
        %mul3A_110 = arith.constant 26 : i32
        %mul3A_111 = arith.muli %add3A_109, %mul3A_110 : i32
        %get3A_112 = arith.constant 0 : i32
        %get3A_113 = arith.index_cast %get3A_112 : i32 to index
        %get3A_114 = arith.index_cast %mul3A_111 : i32 to index
        %get3A_115 = arith.constant 0 : index
        %get3A_116 = tpu.vector_load %arg8[%get3A_113, %get3A_114, %get3A_115] {strides = array<i32>} : memref<2x3328x16xf32, #tpu.memory_space<vmem>>, vector<16xf32>,
        %mul3A_117 = arith.mulf %get3A_116, %get3A_116 : vector<16xf32>
        %add3A_118 = arith.constant 1 : i32
        %add3A_119 = arith.addi %mul3A_111, %add3A_118 : i32
        %get3A_120 = arith.constant 0 : i32
        %get3A_121 = arith.index_cast %get3A_120 : i32 to index
        %get3A_122 = arith.index_cast %add3A_119 : i32 to index
        %get3A_123 = arith.constant 0 : index
        %get3A_124 = tpu.vector_load %arg8[%get3A_121, %get3A_122, %get3A_123] {strides = array<i32>} : memref<2x3328x16xf32, #tpu.memory_space<vmem>>, vector<16xf32>,
        %add3A_125 = arith.addf %get3A_116, %get3A_124 : vector<16xf32>
        %mul3A_126 = arith.mulf %get3A_124, %get3A_124 : vector<16xf32>
        %add3A_127 = arith.addf %mul3A_117, %mul3A_126 : vector<16xf32>
        %add3A_128 = arith.constant 2 : i32
        %add3A_129 = arith.addi %mul3A_111, %add3A_128 : i32
        %get3A_130 = arith.constant 0 : i32
        %get3A_131 = arith.index_cast %get3A_130 : i32 to index
        %get3A_132 = arith.index_cast %add3A_129 : i32 to index
        %get3A_133 = arith.constant 0 : index
        %get3A_134 = tpu.vector_load %arg8[%get3A_131, %get3A_132, %get3A_133] {strides = array<i32>} : memref<2x3328x16xf32, #tpu.memory_space<vmem>>, vector<16xf32>,
        %add3A_135 = arith.addf %add3A_125, %get3A_134 : vector<16xf32>
        %mul3A_136 = arith.mulf %get3A_134, %get3A_134 : vector<16xf32>
        %add3A_137 = arith.addf %add3A_127, %mul3A_136 : vector<16xf32>
        %add3A_138 = arith.constant 3 : i32
        %add3A_139 = arith.addi %mul3A_111, %add3A_138 : i32
        %get3A_140 = arith.constant 0 : i32
        %get3A_141 = arith.index_cast %get3A_140 : i32 to index
        %get3A_142 = arith.index_cast %add3A_139 : i32 to index
        %get3A_143 = arith.constant 0 : index
        %get3A_144 = tpu.vector_load %arg8[%get3A_141, %get3A_142, %get3A_143] {strides = array<i32>} : memref<2x3328x16xf32, #tpu.memory_space<vmem>>, vector<16xf32>,
        %add3A_145 = arith.addf %add3A_135, %get3A_144 : vector<16xf32>
        %mul3A_146 = arith.mulf %get3A_144, %get3A_144 : vector<16xf32>
        %add3A_147 = arith.addf %add3A_137, %mul3A_146 : vector<16xf32>
        %add3A_148 = arith.constant 4 : i32
        %add3A_149 = arith.addi %mul3A_111, %add3A_148 : i32
        %get3A_150 = arith.constant 0 : i32
        %get3A_151 = arith.index_cast %get3A_150 : i32 to index
        %get3A_152 = arith.index_cast %add3A_149 : i32 to index
        %get3A_153 = arith.constant 0 : index
        %get3A_154 = tpu.vector_load %arg8[%get3A_151, %get3A_152, %get3A_153] {strides = array<i32>} : memref<2x3328x16xf32, #tpu.memory_space<vmem>>, vector<16xf32>,
        %add3A_155 = arith.addf %add3A_145, %get3A_154 : vector<16xf32>
        %mul3A_156 = arith.mulf %get3A_154, %get3A_154 : vector<16xf32>
        %add3A_157 = arith.addf %add3A_147, %mul3A_156 : vector<16xf32>
        %add3A_158 = arith.constant 5 : i32
        %add3A_159 = arith.addi %mul3A_111, %add3A_158 : i32
        %get3A_160 = arith.constant 0 : i32
        %get3A_161 = arith.index_cast %get3A_160 : i32 to index
        %get3A_162 = arith.index_cast %add3A_159 : i32 to index
        %get3A_163 = arith.constant 0 : index
        %get3A_164 = tpu.vector_load %arg8[%get3A_161, %get3A_162, %get3A_163] {strides = array<i32>} : memref<2x3328x16xf32, #tpu.memory_space<vmem>>, vector<16xf32>,
        %add3A_165 = arith.addf %add3A_155, %get3A_164 : vector<16xf32>
        %mul3A_166 = arith.mulf %get3A_164, %get3A_164 : vector<16xf32>
        %add3A_167 = arith.addf %add3A_157, %mul3A_166 : vector<16xf32>
        %add3A_168 = arith.constant 6 : i32
        %add3A_169 = arith.addi %mul3A_111, %add3A_168 : i32
        %get3A_170 = arith.constant 0 : i32
        %get3A_171 = arith.index_cast %get3A_170 : i32 to index
        %get3A_172 = arith.index_cast %add3A_169 : i32 to index
        %get3A_173 = arith.constant 0 : index
        %get3A_174 = tpu.vector_load %arg8[%get3A_171, %get3A_172, %get3A_173] {strides = array<i32>} : memref<2x3328x16xf32, #tpu.memory_space<vmem>>, vector<16xf32>,
        %add3A_175 = arith.addf %add3A_165, %get3A_174 : vector<16xf32>
        %mul3A_176 = arith.mulf %get3A_174, %get3A_174 : vector<16xf32>
        %add3A_177 = arith.addf %add3A_167, %mul3A_176 : vector<16xf32>
        %add3A_178 = arith.constant 7 : i32
        %add3A_179 = arith.addi %mul3A_111, %add3A_178 : i32
        %get3A_180 = arith.constant 0 : i32
        %get3A_181 = arith.index_cast %get3A_180 : i32 to index
        %get3A_182 = arith.index_cast %add3A_179 : i32 to index
        %get3A_183 = arith.constant 0 : index
        %get3A_184 = tpu.vector_load %arg8[%get3A_181, %get3A_182, %get3A_183] {strides = array<i32>} : memref<2x3328x16xf32, #tpu.memory_space<vmem>>, vector<16xf32>,
        %add3A_185 = arith.addf %add3A_175, %get3A_184 : vector<16xf32>
        %mul3A_186 = arith.mulf %get3A_184, %get3A_184 : vector<16xf32>
        %add3A_187 = arith.addf %add3A_177, %mul3A_186 : vector<16xf32>
        %add3A_188 = arith.constant 8 : i32
        %add3A_189 = arith.addi %mul3A_111, %add3A_188 : i32
        %get3A_190 = arith.constant 0 : i32
        %get3A_191 = arith.index_cast %get3A_190 : i32 to index
        %get3A_192 = arith.index_cast %add3A_189 : i32 to index
        %get3A_193 = arith.constant 0 : index
        %get3A_194 = tpu.vector_load %arg8[%get3A_191, %get3A_192, %get3A_193] {strides = array<i32>} : memref<2x3328x16xf32, #tpu.memory_space<vmem>>, vector<16xf32>,
        %add3A_195 = arith.addf %add3A_185, %get3A_194 : vector<16xf32>
        %mul3A_196 = arith.mulf %get3A_194, %get3A_194 : vector<16xf32>
        %add3A_197 = arith.addf %add3A_187, %mul3A_196 : vector<16xf32>
        %add3A_198 = arith.constant 9 : i32
        %add3A_199 = arith.addi %mul3A_111, %add3A_198 : i32
        %get3A_200 = arith.constant 0 : i32
        %get3A_201 = arith.index_cast %get3A_200 : i32 to index
        %get3A_202 = arith.index_cast %add3A_199 : i32 to index
        %get3A_203 = arith.constant 0 : index
        %get3A_204 = tpu.vector_load %arg8[%get3A_201, %get3A_202, %get3A_203] {strides = array<i32>} : memref<2x3328x16xf32, #tpu.memory_space<vmem>>, vector<16xf32>,
        %add3A_205 = arith.addf %add3A_195, %get3A_204 : vector<16xf32>
        %mul3A_206 = arith.mulf %get3A_204, %get3A_204 : vector<16xf32>
        %add3A_207 = arith.addf %add3A_197, %mul3A_206 : vector<16xf32>
        %add3A_208 = arith.constant 10 : i32
        %add3A_209 = arith.addi %mul3A_111, %add3A_208 : i32
        %get3A_210 = arith.constant 0 : i32
        %get3A_211 = arith.index_cast %get3A_210 : i32 to index
        %get3A_212 = arith.index_cast %add3A_209 : i32 to index
        %get3A_213 = arith.constant 0 : index
        %get3A_214 = tpu.vector_load %arg8[%get3A_211, %get3A_212, %get3A_213] {strides = array<i32>} : memref<2x3328x16xf32, #tpu.memory_space<vmem>>, vector<16xf32>,
        %add3A_215 = arith.addf %add3A_205, %get3A_214 : vector<16xf32>
        %mul3A_216 = arith.mulf %get3A_214, %get3A_214 : vector<16xf32>
        %add3A_217 = arith.addf %add3A_207, %mul3A_216 : vector<16xf32>
        %add3A_218 = arith.constant 11 : i32
        %add3A_219 = arith.addi %mul3A_111, %add3A_218 : i32
        %get3A_220 = arith.constant 0 : i32
        %get3A_221 = arith.index_cast %get3A_220 : i32 to index
        %get3A_222 = arith.index_cast %add3A_219 : i32 to index
        %get3A_223 = arith.constant 0 : index
        %get3A_224 = tpu.vector_load %arg8[%get3A_221, %get3A_222, %get3A_223] {strides = array<i32>} : memref<2x3328x16xf32, #tpu.memory_space<vmem>>, vector<16xf32>,
        %add3A_225 = arith.addf %add3A_215, %get3A_224 : vector<16xf32>
        %mul3A_226 = arith.mulf %get3A_224, %get3A_224 : vector<16xf32>
        %add3A_227 = arith.addf %add3A_217, %mul3A_226 : vector<16xf32>
        %add3A_228 = arith.constant 12 : i32
        %add3A_229 = arith.addi %mul3A_111, %add3A_228 : i32
        %get3A_230 = arith.constant 0 : i32
        %get3A_231 = arith.index_cast %get3A_230 : i32 to index
        %get3A_232 = arith.index_cast %add3A_229 : i32 to index
        %get3A_233 = arith.constant 0 : index
        %get3A_234 = tpu.vector_load %arg8[%get3A_231, %get3A_232, %get3A_233] {strides = array<i32>} : memref<2x3328x16xf32, #tpu.memory_space<vmem>>, vector<16xf32>,
        %add3A_235 = arith.addf %add3A_225, %get3A_234 : vector<16xf32>
        %mul3A_236 = arith.mulf %get3A_234, %get3A_234 : vector<16xf32>
        %add3A_237 = arith.addf %add3A_227, %mul3A_236 : vector<16xf32>
        %add3A_238 = arith.constant 13 : i32
        %add3A_239 = arith.addi %mul3A_111, %add3A_238 : i32
        %get3A_240 = arith.constant 0 : i32
        %get3A_241 = arith.index_cast %get3A_240 : i32 to index
        %get3A_242 = arith.index_cast %add3A_239 : i32 to index
        %get3A_243 = arith.constant 0 : index
        %get3A_244 = tpu.vector_load %arg8[%get3A_241, %get3A_242, %get3A_243] {strides = array<i32>} : memref<2x3328x16xf32, #tpu.memory_space<vmem>>, vector<16xf32>,
        %add3A_245 = arith.addf %add3A_235, %get3A_244 : vector<16xf32>
        %mul3A_246 = arith.mulf %get3A_244, %get3A_244 : vector<16xf32>
        %add3A_247 = arith.addf %add3A_237, %mul3A_246 : vector<16xf32>
        %add3A_248 = arith.constant 14 : i32
        %add3A_249 = arith.addi %mul3A_111, %add3A_248 : i32
        %get3A_250 = arith.constant 0 : i32
        %get3A_251 = arith.index_cast %get3A_250 : i32 to index
        %get3A_252 = arith.index_cast %add3A_249 : i32 to index
        %get3A_253 = arith.constant 0 : index
        %get3A_254 = tpu.vector_load %arg8[%get3A_251, %get3A_252, %get3A_253] {strides = array<i32>} : memref<2x3328x16xf32, #tpu.memory_space<vmem>>, vector<16xf32>,
        %add3A_255 = arith.addf %add3A_245, %get3A_254 : vector<16xf32>
        %mul3A_256 = arith.mulf %get3A_254, %get3A_254 : vector<16xf32>
        %add3A_257 = arith.addf %add3A_247, %mul3A_256 : vector<16xf32>
        %add3A_258 = arith.constant 15 : i32
        %add3A_259 = arith.addi %mul3A_111, %add3A_258 : i32
        %get3A_260 = arith.constant 0 : i32
        %get3A_261 = arith.index_cast %get3A_260 : i32 to index
        %get3A_262 = arith.index_cast %add3A_259 : i32 to index
        %get3A_263 = arith.constant 0 : index
        %get3A_264 = tpu.vector_load %arg8[%get3A_261, %get3A_262, %get3A_263] {strides = array<i32>} : memref<2x3328x16xf32, #tpu.memory_space<vmem>>, vector<16xf32>,
        %add3A_265 = arith.addf %add3A_255, %get3A_264 : vector<16xf32>
        %mul3A_266 = arith.mulf %get3A_264, %get3A_264 : vector<16xf32>
        %add3A_267 = arith.addf %add3A_257, %mul3A_266 : vector<16xf32>
        %add3A_268 = arith.constant 16 : i32
        %add3A_269 = arith.addi %mul3A_111, %add3A_268 : i32
        %get3A_270 = arith.constant 0 : i32
        %get3A_271 = arith.index_cast %get3A_270 : i32 to index
        %get3A_272 = arith.index_cast %add3A_269 : i32 to index
        %get3A_273 = arith.constant 0 : index
        %get3A_274 = tpu.vector_load %arg8[%get3A_271, %get3A_272, %get3A_273] {strides = array<i32>} : memref<2x3328x16xf32, #tpu.memory_space<vmem>>, vector<16xf32>,
        %add3A_275 = arith.addf %add3A_265, %get3A_274 : vector<16xf32>
        %mul3A_276 = arith.mulf %get3A_274, %get3A_274 : vector<16xf32>
        %add3A_277 = arith.addf %add3A_267, %mul3A_276 : vector<16xf32>
        %add3A_278 = arith.constant 17 : i32
        %add3A_279 = arith.addi %mul3A_111, %add3A_278 : i32
        %get3A_280 = arith.constant 0 : i32
        %get3A_281 = arith.index_cast %get3A_280 : i32 to index
        %get3A_282 = arith.index_cast %add3A_279 : i32 to index
        %get3A_283 = arith.constant 0 : index
        %get3A_284 = tpu.vector_load %arg8[%get3A_281, %get3A_282, %get3A_283] {strides = array<i32>} : memref<2x3328x16xf32, #tpu.memory_space<vmem>>, vector<16xf32>,
        %add3A_285 = arith.addf %add3A_275, %get3A_284 : vector<16xf32>
        %mul3A_286 = arith.mulf %get3A_284, %get3A_284 : vector<16xf32>
        %add3A_287 = arith.addf %add3A_277, %mul3A_286 : vector<16xf32>
        %add3A_288 = arith.constant 18 : i32
        %add3A_289 = arith.addi %mul3A_111, %add3A_288 : i32
        %get3A_290 = arith.constant 0 : i32
        %get3A_291 = arith.index_cast %get3A_290 : i32 to index
        %get3A_292 = arith.index_cast %add3A_289 : i32 to index
        %get3A_293 = arith.constant 0 : index
        %get3A_294 = tpu.vector_load %arg8[%get3A_291, %get3A_292, %get3A_293] {strides = array<i32>} : memref<2x3328x16xf32, #tpu.memory_space<vmem>>, vector<16xf32>,
        %add3A_295 = arith.addf %add3A_285, %get3A_294 : vector<16xf32>
        %mul3A_296 = arith.mulf %get3A_294, %get3A_294 : vector<16xf32>
        %add3A_297 = arith.addf %add3A_287, %mul3A_296 : vector<16xf32>
        %add3A_298 = arith.constant 19 : i32
        %add3A_299 = arith.addi %mul3A_111, %add3A_298 : i32
        %get3A_300 = arith.constant 0 : i32
        %get3A_301 = arith.index_cast %get3A_300 : i32 to index
        %get3A_302 = arith.index_cast %add3A_299 : i32 to index
        %get3A_303 = arith.constant 0 : index
        %get3A_304 = tpu.vector_load %arg8[%get3A_301, %get3A_302, %get3A_303] {strides = array<i32>} : memref<2x3328x16xf32, #tpu.memory_space<vmem>>, vector<16xf32>,
        %add3A_305 = arith.addf %add3A_295, %get3A_304 : vector<16xf32>
        %mul3A_306 = arith.mulf %get3A_304, %get3A_304 : vector<16xf32>
        %add3A_307 = arith.addf %add3A_297, %mul3A_306 : vector<16xf32>
        %add3A_308 = arith.constant 20 : i32
        %add3A_309 = arith.addi %mul3A_111, %add3A_308 : i32
        %get3A_310 = arith.constant 0 : i32
        %get3A_311 = arith.index_cast %get3A_310 : i32 to index
        %get3A_312 = arith.index_cast %add3A_309 : i32 to index
        %get3A_313 = arith.constant 0 : index
        %get3A_314 = tpu.vector_load %arg8[%get3A_311, %get3A_312, %get3A_313] {strides = array<i32>} : memref<2x3328x16xf32, #tpu.memory_space<vmem>>, vector<16xf32>,
        %add3A_315 = arith.addf %add3A_305, %get3A_314 : vector<16xf32>
        %mul3A_316 = arith.mulf %get3A_314, %get3A_314 : vector<16xf32>
        %add3A_317 = arith.addf %add3A_307, %mul3A_316 : vector<16xf32>
        %add3A_318 = arith.constant 21 : i32
        %add3A_319 = arith.addi %mul3A_111, %add3A_318 : i32
        %get3A_320 = arith.constant 0 : i32
        %get3A_321 = arith.index_cast %get3A_320 : i32 to index
        %get3A_322 = arith.index_cast %add3A_319 : i32 to index
        %get3A_323 = arith.constant 0 : index
        %get3A_324 = tpu.vector_load %arg8[%get3A_321, %get3A_322, %get3A_323] {strides = array<i32>} : memref<2x3328x16xf32, #tpu.memory_space<vmem>>, vector<16xf32>,
        %add3A_325 = arith.addf %add3A_315, %get3A_324 : vector<16xf32>
        %mul3A_326 = arith.mulf %get3A_324, %get3A_324 : vector<16xf32>
        %add3A_327 = arith.addf %add3A_317, %mul3A_326 : vector<16xf32>
        %add3A_328 = arith.constant 22 : i32
        %add3A_329 = arith.addi %mul3A_111, %add3A_328 : i32
        %get3A_330 = arith.constant 0 : i32
        %get3A_331 = arith.index_cast %get3A_330 : i32 to index
        %get3A_332 = arith.index_cast %add3A_329 : i32 to index
        %get3A_333 = arith.constant 0 : index
        %get3A_334 = tpu.vector_load %arg8[%get3A_331, %get3A_332, %get3A_333] {strides = array<i32>} : memref<2x3328x16xf32, #tpu.memory_space<vmem>>, vector<16xf32>,
        %add3A_335 = arith.addf %add3A_325, %get3A_334 : vector<16xf32>
        %mul3A_336 = arith.mulf %get3A_334, %get3A_334 : vector<16xf32>
        %add3A_337 = arith.addf %add3A_327, %mul3A_336 : vector<16xf32>
        %add3A_338 = arith.constant 23 : i32
        %add3A_339 = arith.addi %mul3A_111, %add3A_338 : i32
        %get3A_340 = arith.constant 0 : i32
        %get3A_341 = arith.index_cast %get3A_340 : i32 to index
        %get3A_342 = arith.index_cast %add3A_339 : i32 to index
        %get3A_343 = arith.constant 0 : index
        %get3A_344 = tpu.vector_load %arg8[%get3A_341, %get3A_342, %get3A_343] {strides = array<i32>} : memref<2x3328x16xf32, #tpu.memory_space<vmem>>, vector<16xf32>,
        %add3A_345 = arith.addf %add3A_335, %get3A_344 : vector<16xf32>
        %mul3A_346 = arith.mulf %get3A_344, %get3A_344 : vector<16xf32>
        %add3A_347 = arith.addf %add3A_337, %mul3A_346 : vector<16xf32>
        %add3A_348 = arith.constant 24 : i32
        %add3A_349 = arith.addi %mul3A_111, %add3A_348 : i32
        %get3A_350 = arith.constant 0 : i32
        %get3A_351 = arith.index_cast %get3A_350 : i32 to index
        %get3A_352 = arith.index_cast %add3A_349 : i32 to index
        %get3A_353 = arith.constant 0 : index
        %get3A_354 = tpu.vector_load %arg8[%get3A_351, %get3A_352, %get3A_353] {strides = array<i32>} : memref<2x3328x16xf32, #tpu.memory_space<vmem>>, vector<16xf32>,
        %add3A_355 = arith.addf %add3A_345, %get3A_354 : vector<16xf32>
        %mul3A_356 = arith.mulf %get3A_354, %get3A_354 : vector<16xf32>
        %add3A_357 = arith.addf %add3A_347, %mul3A_356 : vector<16xf32>
        %add3A_358 = arith.constant 25 : i32
        %add3A_359 = arith.addi %mul3A_111, %add3A_358 : i32
        %get3A_360 = arith.constant 0 : i32
        %get3A_361 = arith.index_cast %get3A_360 : i32 to index
        %get3A_362 = arith.index_cast %add3A_359 : i32 to index
        %get3A_363 = arith.constant 0 : index
        %get3A_364 = tpu.vector_load %arg8[%get3A_361, %get3A_362, %get3A_363] {strides = array<i32>} : memref<2x3328x16xf32, #tpu.memory_space<vmem>>, vector<16xf32>,
        %add3A_365 = arith.addf %add3A_355, %get3A_364 : vector<16xf32>
        %mul3A_366 = arith.mulf %get3A_364, %get3A_364 : vector<16xf32>
        %add3A_367 = arith.addf %add3A_357, %mul3A_366 : vector<16xf32>
        %get3A_368 = arith.constant 0 : i32
        %get3A_369 = arith.index_cast %get3A_368 : i32 to index
        %get3A_370 = arith.index_cast %mul3A_111 : i32 to index
        %get3A_371 = tpu.vector_load %arg9[%get3A_369, %get3A_370] {strides = array<i32>} : memref<2x3344xf32, #tpu.memory_space<vmem>>, vector<16xf32>,
        %add3A_372 = arith.constant 16 : i32
        %add3A_373 = arith.addi %mul3A_111, %add3A_372 : i32
        %get3A_374 = arith.constant 0 : i32
        %get3A_375 = arith.index_cast %get3A_374 : i32 to index
        %get3A_376 = arith.index_cast %add3A_373 : i32 to index
        %get3A_377 = tpu.vector_load %arg9[%get3A_375, %get3A_376] {strides = array<i32>} : memref<2x3344xf32, #tpu.memory_space<vmem>>, vector<16xf32>,
        %mul3A_378 = arith.mulf %add3A_365, %add3A_365 : vector<16xf32>
        %sub3A = arith.subf %mul3A_378, %add3A_367 : vector<16xf32>
        %mul3A_379 = arith.constant 5.000000e-01 : f32
        %mul3A_380 = vector.broadcast %mul3A_379 : f32 to vector<16xf32>
        %mul3A_381 = arith.mulf %mul3A_380, %sub3A : vector<16xf32>
        %add3A_382 = arith.addf %mul3A_381, %get3A_371 : vector<16xf32>
        %jit3A_383 = arith.constant 0.000000e+00 : f32
        %broadcast_in_dim3A_384 = vector.broadcast %jit3A_383 : f32 to vector<16xf32>
        %select_n3A_385 = arith.select %lt3A_2, %get3A_377, %broadcast_in_dim3A_384 : vector<16xi1>, vector<16xf32>
        %add3A_386 = arith.addf %add3A_382, %select_n3A_385 : vector<16xf32>
        %add3A_387 = arith.addf %add3A_386, %select_n3A : vector<16xf32>
        %reduce_sum3A = arith.constant true
        %reduce_sum3A_388 = vector.broadcast %reduce_sum3A : i1 to vector<16xi1>
        %reduce_sum3A_389 = tpu.scan <sum>, %add3A_387 masked %reduce_sum3A_388 : vector<16xf32>, vector<16xi1> -> vector<16xf32>
        %reduce_sum3A_390 = vector.extract %reduce_sum3A_389[15] : f32 from vector<16xf32>
        %eq3A_391 = vector.broadcast %scan3A_105 : i32 to vector<16xi32>
        %eq3A_392 = arith.cmpi eq, %iota3A, %eq3A_391 : vector<16xi32>
        %broadcast_in_dim3A_393 = vector.broadcast %reduce_sum3A_390 : f32 to vector<16xf32>
        %select_n3A_394 = arith.select %eq3A_392, %broadcast_in_dim3A_393, %scan3A_106 : vector<16xi1>, vector<16xf32>
        scf.yield %select_n3A_394 : vector<16xf32>
      }
      %scan3A_101 = arith.constant 16 : i32
      %mul3A_102 = arith.constant 16 : i32
      %mul3A_103 = arith.muli %scan3A_93, %mul3A_102 : i32
      %swap3A = arith.index_cast %mul3A_103 : i32 to index
      %swap3A_104 = tpu.vector_load %arg10[%swap3A] {strides = array<i32>} : memref<128xf32, #tpu.memory_space<vmem>>, vector<16xf32>,
      tpu.vector_store %arg10[%swap3A], %scan3A_100 {strides = array<i32>} : memref<128xf32, #tpu.memory_space<vmem>>, vector<16xf32>,
    }
    %scan3A_72 = arith.constant 8 : i32
    %mul3A_73 = arith.constant 512 : i32
    %mul3A_74 = arith.muli %add3A, %mul3A_73 : i32
    %add3A_75 = arith.constant 256 : i32
    %add3A_76 = arith.addi %mul3A_74, %add3A_75 : i32
    "tpu.region"() ({
      %run_scoped3A = tpu.sem_alloc : memref<!tpu.dma_semaphore, #tpu.memory_space<semaphore_mem>>
      %dma_start3A = tpu.memref_slice %arg6[%add3A_76] : memref<16384xf32, #tpu.memory_space<hbm>> -> memref<128xf32, #tpu.memory_space<hbm>>
      %dma_start3A_93 = tpu.memref_slice %arg6[%add3A_76] : memref<16384xf32, #tpu.memory_space<hbm>> -> memref<128xf32, #tpu.memory_space<hbm>>
      tpu.enqueue_dma source(%arg10 : memref<128xf32, #tpu.memory_space<vmem>>) target(%dma_start3A_93 : memref<128xf32, #tpu.memory_space<hbm>>) target_semaphore(%run_scoped3A : memref<!tpu.dma_semaphore, #tpu.memory_space<semaphore_mem>>)
      %dma_wait3A = tpu.memref_slice %arg6[%add3A_76] : memref<16384xf32, #tpu.memory_space<hbm>> -> memref<128xf32, #tpu.memory_space<hbm>>
      %dma_wait3A_94 = tpu.memref_slice %arg6[%add3A_76] : memref<16384xf32, #tpu.memory_space<hbm>> -> memref<128xf32, #tpu.memory_space<hbm>>
      tpu.wait_dma2 semaphore(%run_scoped3A : memref<!tpu.dma_semaphore, #tpu.memory_space<semaphore_mem>>) src(%arg10 : memref<128xf32, #tpu.memory_space<vmem>>) dst(%dma_wait3A_94 : memref<128xf32, #tpu.memory_space<hbm>>)
      tpu.yield
    }) : () -> ()
    %scan3A_77 = arith.constant 0 : i32
    %scan3A_78 = arith.constant 0 : i32
    %scan3A_79 = arith.constant 26 : i32
    %scan3A_80 = arith.addi %scan3A_78, %scan3A_79 : i32
    %scan3A_81 = arith.constant 1 : i32
    scf.for %scan3A_93 = %scan3A_78 to %scan3A_80 step %scan3A_81  : i32 {
      %add3A_94 = arith.constant 78 : i32
      %add3A_95 = arith.addi %add3A_94, %scan3A_93 : i32
      %mul3A_96 = arith.constant 128 : i32
      %mul3A_97 = arith.muli %scan3A_93, %mul3A_96 : i32
      %dma_wait3A = arith.constant 1 : i32
      %dma_wait3A_98 = arith.constant 0 : i32
      %dma_wait3A_99 = tpu.memref_slice %arg8[%dma_wait3A, %mul3A_97, %dma_wait3A_98] : memref<2x3328x16xf32, #tpu.memory_space<vmem>> -> memref<1x128x16xf32, #tpu.memory_space<vmem>>
      %dma_wait3A_100 = tpu.memref_squeeze %dma_wait3A_99 : memref<1x128x16xf32, #tpu.memory_space<vmem>> -> memref<128x16xf32, #tpu.memory_space<vmem>>
      %dma_wait3A_101 = arith.constant 0 : i32
      %dma_wait3A_102 = tpu.memref_slice %arg7[%add3A_95, %dma_wait3A_101] : memref<104x128xi32, #tpu.memory_space<vmem>> -> memref<1x128xi32, #tpu.memory_space<vmem>>
      %dma_wait3A_103 = tpu.memref_squeeze %dma_wait3A_102 : memref<1x128xi32, #tpu.memory_space<vmem>> -> memref<128xi32, #tpu.memory_space<vmem>>
      %dma_wait3A_104 = arith.constant 0 : i32
      %dma_wait3A_105 = arith.constant 0 : i32
      %dma_wait3A_106 = tpu.memref_slice %arg3[%dma_wait3A_104, %dma_wait3A_105] : memref<1000000x16xf32, #tpu.memory_space<hbm>> -> memref<1000000x16xf32, #tpu.memory_space<hbm>>
      tpu.wait_indirect_dma semaphore(%arg13 : memref<!tpu.dma_semaphore, #tpu.memory_space<semaphore_mem>>) src(%dma_wait3A_106 : memref<1000000x16xf32, #tpu.memory_space<hbm>>) dst(%dma_wait3A_100 : memref<128x16xf32, #tpu.memory_space<vmem>>)
      %add3A_107 = arith.constant 78 : i32
      %add3A_108 = arith.addi %add3A_107, %scan3A_93 : i32
      %mul3A_109 = arith.constant 128 : i32
      %mul3A_110 = arith.muli %scan3A_93, %mul3A_109 : i32
      %dma_wait3A_111 = arith.constant 1 : i32
      %dma_wait3A_112 = tpu.memref_slice %arg9[%dma_wait3A_111, %mul3A_110] : memref<2x3344xf32, #tpu.memory_space<vmem>> -> memref<1x128xf32, #tpu.memory_space<vmem>>
      %dma_wait3A_113 = tpu.memref_squeeze %dma_wait3A_112 : memref<1x128xf32, #tpu.memory_space<vmem>> -> memref<128xf32, #tpu.memory_space<vmem>>
      %dma_wait3A_114 = arith.constant 0 : i32
      %dma_wait3A_115 = tpu.memref_slice %arg7[%add3A_108, %dma_wait3A_114] : memref<104x128xi32, #tpu.memory_space<vmem>> -> memref<1x128xi32, #tpu.memory_space<vmem>>
      %dma_wait3A_116 = tpu.memref_squeeze %dma_wait3A_115 : memref<1x128xi32, #tpu.memory_space<vmem>> -> memref<128xi32, #tpu.memory_space<vmem>>
      %dma_wait3A_117 = arith.constant 0 : i32
      %dma_wait3A_118 = tpu.memref_slice %arg4[%dma_wait3A_117] : memref<1000000xf32, #tpu.memory_space<hbm>> -> memref<1000000xf32, #tpu.memory_space<hbm>>
      tpu.wait_indirect_dma semaphore(%arg13 : memref<!tpu.dma_semaphore, #tpu.memory_space<semaphore_mem>>) src(%dma_wait3A_118 : memref<1000000xf32, #tpu.memory_space<hbm>>) dst(%dma_wait3A_113 : memref<128xf32, #tpu.memory_space<vmem>>)
    }
    %scan3A_82 = arith.constant 26 : i32
    %scan3A_83 = arith.constant 0 : i32
    %scan3A_84 = arith.constant 0 : i32
    %scan3A_85 = arith.constant 8 : i32
    %scan3A_86 = arith.addi %scan3A_84, %scan3A_85 : i32
    %scan3A_87 = arith.constant 1 : i32
    scf.for %scan3A_93 = %scan3A_84 to %scan3A_86 step %scan3A_87  : i32 {
      %broadcast_in_dim3A_94 = arith.constant 0.000000e+00 : f32
      %broadcast_in_dim3A_95 = vector.broadcast %broadcast_in_dim3A_94 : f32 to vector<16xf32>
      %scan3A_96 = arith.constant 0 : i32
      %scan3A_97 = arith.constant 16 : i32
      %scan3A_98 = arith.addi %scan3A_96, %scan3A_97 : i32
      %scan3A_99 = arith.constant 1 : i32
      %scan3A_100 = scf.for %scan3A_105 = %scan3A_96 to %scan3A_98 step %scan3A_99 iter_args(%scan3A_106 = %broadcast_in_dim3A_95) -> (vector<16xf32>)  : i32 {
        %mul3A_107 = arith.constant 16 : i32
        %mul3A_108 = arith.muli %scan3A_93, %mul3A_107 : i32
        %add3A_109 = arith.addi %mul3A_108, %scan3A_105 : i32
        %mul3A_110 = arith.constant 26 : i32
        %mul3A_111 = arith.muli %add3A_109, %mul3A_110 : i32
        %get3A_112 = arith.constant 1 : i32
        %get3A_113 = arith.index_cast %get3A_112 : i32 to index
        %get3A_114 = arith.index_cast %mul3A_111 : i32 to index
        %get3A_115 = arith.constant 0 : index
        %get3A_116 = tpu.vector_load %arg8[%get3A_113, %get3A_114, %get3A_115] {strides = array<i32>} : memref<2x3328x16xf32, #tpu.memory_space<vmem>>, vector<16xf32>,
        %mul3A_117 = arith.mulf %get3A_116, %get3A_116 : vector<16xf32>
        %add3A_118 = arith.constant 1 : i32
        %add3A_119 = arith.addi %mul3A_111, %add3A_118 : i32
        %get3A_120 = arith.constant 1 : i32
        %get3A_121 = arith.index_cast %get3A_120 : i32 to index
        %get3A_122 = arith.index_cast %add3A_119 : i32 to index
        %get3A_123 = arith.constant 0 : index
        %get3A_124 = tpu.vector_load %arg8[%get3A_121, %get3A_122, %get3A_123] {strides = array<i32>} : memref<2x3328x16xf32, #tpu.memory_space<vmem>>, vector<16xf32>,
        %add3A_125 = arith.addf %get3A_116, %get3A_124 : vector<16xf32>
        %mul3A_126 = arith.mulf %get3A_124, %get3A_124 : vector<16xf32>
        %add3A_127 = arith.addf %mul3A_117, %mul3A_126 : vector<16xf32>
        %add3A_128 = arith.constant 2 : i32
        %add3A_129 = arith.addi %mul3A_111, %add3A_128 : i32
        %get3A_130 = arith.constant 1 : i32
        %get3A_131 = arith.index_cast %get3A_130 : i32 to index
        %get3A_132 = arith.index_cast %add3A_129 : i32 to index
        %get3A_133 = arith.constant 0 : index
        %get3A_134 = tpu.vector_load %arg8[%get3A_131, %get3A_132, %get3A_133] {strides = array<i32>} : memref<2x3328x16xf32, #tpu.memory_space<vmem>>, vector<16xf32>,
        %add3A_135 = arith.addf %add3A_125, %get3A_134 : vector<16xf32>
        %mul3A_136 = arith.mulf %get3A_134, %get3A_134 : vector<16xf32>
        %add3A_137 = arith.addf %add3A_127, %mul3A_136 : vector<16xf32>
        %add3A_138 = arith.constant 3 : i32
        %add3A_139 = arith.addi %mul3A_111, %add3A_138 : i32
        %get3A_140 = arith.constant 1 : i32
        %get3A_141 = arith.index_cast %get3A_140 : i32 to index
        %get3A_142 = arith.index_cast %add3A_139 : i32 to index
        %get3A_143 = arith.constant 0 : index
        %get3A_144 = tpu.vector_load %arg8[%get3A_141, %get3A_142, %get3A_143] {strides = array<i32>} : memref<2x3328x16xf32, #tpu.memory_space<vmem>>, vector<16xf32>,
        %add3A_145 = arith.addf %add3A_135, %get3A_144 : vector<16xf32>
        %mul3A_146 = arith.mulf %get3A_144, %get3A_144 : vector<16xf32>
        %add3A_147 = arith.addf %add3A_137, %mul3A_146 : vector<16xf32>
        %add3A_148 = arith.constant 4 : i32
        %add3A_149 = arith.addi %mul3A_111, %add3A_148 : i32
        %get3A_150 = arith.constant 1 : i32
        %get3A_151 = arith.index_cast %get3A_150 : i32 to index
        %get3A_152 = arith.index_cast %add3A_149 : i32 to index
        %get3A_153 = arith.constant 0 : index
        %get3A_154 = tpu.vector_load %arg8[%get3A_151, %get3A_152, %get3A_153] {strides = array<i32>} : memref<2x3328x16xf32, #tpu.memory_space<vmem>>, vector<16xf32>,
        %add3A_155 = arith.addf %add3A_145, %get3A_154 : vector<16xf32>
        %mul3A_156 = arith.mulf %get3A_154, %get3A_154 : vector<16xf32>
        %add3A_157 = arith.addf %add3A_147, %mul3A_156 : vector<16xf32>
        %add3A_158 = arith.constant 5 : i32
        %add3A_159 = arith.addi %mul3A_111, %add3A_158 : i32
        %get3A_160 = arith.constant 1 : i32
        %get3A_161 = arith.index_cast %get3A_160 : i32 to index
        %get3A_162 = arith.index_cast %add3A_159 : i32 to index
        %get3A_163 = arith.constant 0 : index
        %get3A_164 = tpu.vector_load %arg8[%get3A_161, %get3A_162, %get3A_163] {strides = array<i32>} : memref<2x3328x16xf32, #tpu.memory_space<vmem>>, vector<16xf32>,
        %add3A_165 = arith.addf %add3A_155, %get3A_164 : vector<16xf32>
        %mul3A_166 = arith.mulf %get3A_164, %get3A_164 : vector<16xf32>
        %add3A_167 = arith.addf %add3A_157, %mul3A_166 : vector<16xf32>
        %add3A_168 = arith.constant 6 : i32
        %add3A_169 = arith.addi %mul3A_111, %add3A_168 : i32
        %get3A_170 = arith.constant 1 : i32
        %get3A_171 = arith.index_cast %get3A_170 : i32 to index
        %get3A_172 = arith.index_cast %add3A_169 : i32 to index
        %get3A_173 = arith.constant 0 : index
        %get3A_174 = tpu.vector_load %arg8[%get3A_171, %get3A_172, %get3A_173] {strides = array<i32>} : memref<2x3328x16xf32, #tpu.memory_space<vmem>>, vector<16xf32>,
        %add3A_175 = arith.addf %add3A_165, %get3A_174 : vector<16xf32>
        %mul3A_176 = arith.mulf %get3A_174, %get3A_174 : vector<16xf32>
        %add3A_177 = arith.addf %add3A_167, %mul3A_176 : vector<16xf32>
        %add3A_178 = arith.constant 7 : i32
        %add3A_179 = arith.addi %mul3A_111, %add3A_178 : i32
        %get3A_180 = arith.constant 1 : i32
        %get3A_181 = arith.index_cast %get3A_180 : i32 to index
        %get3A_182 = arith.index_cast %add3A_179 : i32 to index
        %get3A_183 = arith.constant 0 : index
        %get3A_184 = tpu.vector_load %arg8[%get3A_181, %get3A_182, %get3A_183] {strides = array<i32>} : memref<2x3328x16xf32, #tpu.memory_space<vmem>>, vector<16xf32>,
        %add3A_185 = arith.addf %add3A_175, %get3A_184 : vector<16xf32>
        %mul3A_186 = arith.mulf %get3A_184, %get3A_184 : vector<16xf32>
        %add3A_187 = arith.addf %add3A_177, %mul3A_186 : vector<16xf32>
        %add3A_188 = arith.constant 8 : i32
        %add3A_189 = arith.addi %mul3A_111, %add3A_188 : i32
        %get3A_190 = arith.constant 1 : i32
        %get3A_191 = arith.index_cast %get3A_190 : i32 to index
        %get3A_192 = arith.index_cast %add3A_189 : i32 to index
        %get3A_193 = arith.constant 0 : index
        %get3A_194 = tpu.vector_load %arg8[%get3A_191, %get3A_192, %get3A_193] {strides = array<i32>} : memref<2x3328x16xf32, #tpu.memory_space<vmem>>, vector<16xf32>,
        %add3A_195 = arith.addf %add3A_185, %get3A_194 : vector<16xf32>
        %mul3A_196 = arith.mulf %get3A_194, %get3A_194 : vector<16xf32>
        %add3A_197 = arith.addf %add3A_187, %mul3A_196 : vector<16xf32>
        %add3A_198 = arith.constant 9 : i32
        %add3A_199 = arith.addi %mul3A_111, %add3A_198 : i32
        %get3A_200 = arith.constant 1 : i32
        %get3A_201 = arith.index_cast %get3A_200 : i32 to index
        %get3A_202 = arith.index_cast %add3A_199 : i32 to index
        %get3A_203 = arith.constant 0 : index
        %get3A_204 = tpu.vector_load %arg8[%get3A_201, %get3A_202, %get3A_203] {strides = array<i32>} : memref<2x3328x16xf32, #tpu.memory_space<vmem>>, vector<16xf32>,
        %add3A_205 = arith.addf %add3A_195, %get3A_204 : vector<16xf32>
        %mul3A_206 = arith.mulf %get3A_204, %get3A_204 : vector<16xf32>
        %add3A_207 = arith.addf %add3A_197, %mul3A_206 : vector<16xf32>
        %add3A_208 = arith.constant 10 : i32
        %add3A_209 = arith.addi %mul3A_111, %add3A_208 : i32
        %get3A_210 = arith.constant 1 : i32
        %get3A_211 = arith.index_cast %get3A_210 : i32 to index
        %get3A_212 = arith.index_cast %add3A_209 : i32 to index
        %get3A_213 = arith.constant 0 : index
        %get3A_214 = tpu.vector_load %arg8[%get3A_211, %get3A_212, %get3A_213] {strides = array<i32>} : memref<2x3328x16xf32, #tpu.memory_space<vmem>>, vector<16xf32>,
        %add3A_215 = arith.addf %add3A_205, %get3A_214 : vector<16xf32>
        %mul3A_216 = arith.mulf %get3A_214, %get3A_214 : vector<16xf32>
        %add3A_217 = arith.addf %add3A_207, %mul3A_216 : vector<16xf32>
        %add3A_218 = arith.constant 11 : i32
        %add3A_219 = arith.addi %mul3A_111, %add3A_218 : i32
        %get3A_220 = arith.constant 1 : i32
        %get3A_221 = arith.index_cast %get3A_220 : i32 to index
        %get3A_222 = arith.index_cast %add3A_219 : i32 to index
        %get3A_223 = arith.constant 0 : index
        %get3A_224 = tpu.vector_load %arg8[%get3A_221, %get3A_222, %get3A_223] {strides = array<i32>} : memref<2x3328x16xf32, #tpu.memory_space<vmem>>, vector<16xf32>,
        %add3A_225 = arith.addf %add3A_215, %get3A_224 : vector<16xf32>
        %mul3A_226 = arith.mulf %get3A_224, %get3A_224 : vector<16xf32>
        %add3A_227 = arith.addf %add3A_217, %mul3A_226 : vector<16xf32>
        %add3A_228 = arith.constant 12 : i32
        %add3A_229 = arith.addi %mul3A_111, %add3A_228 : i32
        %get3A_230 = arith.constant 1 : i32
        %get3A_231 = arith.index_cast %get3A_230 : i32 to index
        %get3A_232 = arith.index_cast %add3A_229 : i32 to index
        %get3A_233 = arith.constant 0 : index
        %get3A_234 = tpu.vector_load %arg8[%get3A_231, %get3A_232, %get3A_233] {strides = array<i32>} : memref<2x3328x16xf32, #tpu.memory_space<vmem>>, vector<16xf32>,
        %add3A_235 = arith.addf %add3A_225, %get3A_234 : vector<16xf32>
        %mul3A_236 = arith.mulf %get3A_234, %get3A_234 : vector<16xf32>
        %add3A_237 = arith.addf %add3A_227, %mul3A_236 : vector<16xf32>
        %add3A_238 = arith.constant 13 : i32
        %add3A_239 = arith.addi %mul3A_111, %add3A_238 : i32
        %get3A_240 = arith.constant 1 : i32
        %get3A_241 = arith.index_cast %get3A_240 : i32 to index
        %get3A_242 = arith.index_cast %add3A_239 : i32 to index
        %get3A_243 = arith.constant 0 : index
        %get3A_244 = tpu.vector_load %arg8[%get3A_241, %get3A_242, %get3A_243] {strides = array<i32>} : memref<2x3328x16xf32, #tpu.memory_space<vmem>>, vector<16xf32>,
        %add3A_245 = arith.addf %add3A_235, %get3A_244 : vector<16xf32>
        %mul3A_246 = arith.mulf %get3A_244, %get3A_244 : vector<16xf32>
        %add3A_247 = arith.addf %add3A_237, %mul3A_246 : vector<16xf32>
        %add3A_248 = arith.constant 14 : i32
        %add3A_249 = arith.addi %mul3A_111, %add3A_248 : i32
        %get3A_250 = arith.constant 1 : i32
        %get3A_251 = arith.index_cast %get3A_250 : i32 to index
        %get3A_252 = arith.index_cast %add3A_249 : i32 to index
        %get3A_253 = arith.constant 0 : index
        %get3A_254 = tpu.vector_load %arg8[%get3A_251, %get3A_252, %get3A_253] {strides = array<i32>} : memref<2x3328x16xf32, #tpu.memory_space<vmem>>, vector<16xf32>,
        %add3A_255 = arith.addf %add3A_245, %get3A_254 : vector<16xf32>
        %mul3A_256 = arith.mulf %get3A_254, %get3A_254 : vector<16xf32>
        %add3A_257 = arith.addf %add3A_247, %mul3A_256 : vector<16xf32>
        %add3A_258 = arith.constant 15 : i32
        %add3A_259 = arith.addi %mul3A_111, %add3A_258 : i32
        %get3A_260 = arith.constant 1 : i32
        %get3A_261 = arith.index_cast %get3A_260 : i32 to index
        %get3A_262 = arith.index_cast %add3A_259 : i32 to index
        %get3A_263 = arith.constant 0 : index
        %get3A_264 = tpu.vector_load %arg8[%get3A_261, %get3A_262, %get3A_263] {strides = array<i32>} : memref<2x3328x16xf32, #tpu.memory_space<vmem>>, vector<16xf32>,
        %add3A_265 = arith.addf %add3A_255, %get3A_264 : vector<16xf32>
        %mul3A_266 = arith.mulf %get3A_264, %get3A_264 : vector<16xf32>
        %add3A_267 = arith.addf %add3A_257, %mul3A_266 : vector<16xf32>
        %add3A_268 = arith.constant 16 : i32
        %add3A_269 = arith.addi %mul3A_111, %add3A_268 : i32
        %get3A_270 = arith.constant 1 : i32
        %get3A_271 = arith.index_cast %get3A_270 : i32 to index
        %get3A_272 = arith.index_cast %add3A_269 : i32 to index
        %get3A_273 = arith.constant 0 : index
        %get3A_274 = tpu.vector_load %arg8[%get3A_271, %get3A_272, %get3A_273] {strides = array<i32>} : memref<2x3328x16xf32, #tpu.memory_space<vmem>>, vector<16xf32>,
        %add3A_275 = arith.addf %add3A_265, %get3A_274 : vector<16xf32>
        %mul3A_276 = arith.mulf %get3A_274, %get3A_274 : vector<16xf32>
        %add3A_277 = arith.addf %add3A_267, %mul3A_276 : vector<16xf32>
        %add3A_278 = arith.constant 17 : i32
        %add3A_279 = arith.addi %mul3A_111, %add3A_278 : i32
        %get3A_280 = arith.constant 1 : i32
        %get3A_281 = arith.index_cast %get3A_280 : i32 to index
        %get3A_282 = arith.index_cast %add3A_279 : i32 to index
        %get3A_283 = arith.constant 0 : index
        %get3A_284 = tpu.vector_load %arg8[%get3A_281, %get3A_282, %get3A_283] {strides = array<i32>} : memref<2x3328x16xf32, #tpu.memory_space<vmem>>, vector<16xf32>,
        %add3A_285 = arith.addf %add3A_275, %get3A_284 : vector<16xf32>
        %mul3A_286 = arith.mulf %get3A_284, %get3A_284 : vector<16xf32>
        %add3A_287 = arith.addf %add3A_277, %mul3A_286 : vector<16xf32>
        %add3A_288 = arith.constant 18 : i32
        %add3A_289 = arith.addi %mul3A_111, %add3A_288 : i32
        %get3A_290 = arith.constant 1 : i32
        %get3A_291 = arith.index_cast %get3A_290 : i32 to index
        %get3A_292 = arith.index_cast %add3A_289 : i32 to index
        %get3A_293 = arith.constant 0 : index
        %get3A_294 = tpu.vector_load %arg8[%get3A_291, %get3A_292, %get3A_293] {strides = array<i32>} : memref<2x3328x16xf32, #tpu.memory_space<vmem>>, vector<16xf32>,
        %add3A_295 = arith.addf %add3A_285, %get3A_294 : vector<16xf32>
        %mul3A_296 = arith.mulf %get3A_294, %get3A_294 : vector<16xf32>
        %add3A_297 = arith.addf %add3A_287, %mul3A_296 : vector<16xf32>
        %add3A_298 = arith.constant 19 : i32
        %add3A_299 = arith.addi %mul3A_111, %add3A_298 : i32
        %get3A_300 = arith.constant 1 : i32
        %get3A_301 = arith.index_cast %get3A_300 : i32 to index
        %get3A_302 = arith.index_cast %add3A_299 : i32 to index
        %get3A_303 = arith.constant 0 : index
        %get3A_304 = tpu.vector_load %arg8[%get3A_301, %get3A_302, %get3A_303] {strides = array<i32>} : memref<2x3328x16xf32, #tpu.memory_space<vmem>>, vector<16xf32>,
        %add3A_305 = arith.addf %add3A_295, %get3A_304 : vector<16xf32>
        %mul3A_306 = arith.mulf %get3A_304, %get3A_304 : vector<16xf32>
        %add3A_307 = arith.addf %add3A_297, %mul3A_306 : vector<16xf32>
        %add3A_308 = arith.constant 20 : i32
        %add3A_309 = arith.addi %mul3A_111, %add3A_308 : i32
        %get3A_310 = arith.constant 1 : i32
        %get3A_311 = arith.index_cast %get3A_310 : i32 to index
        %get3A_312 = arith.index_cast %add3A_309 : i32 to index
        %get3A_313 = arith.constant 0 : index
        %get3A_314 = tpu.vector_load %arg8[%get3A_311, %get3A_312, %get3A_313] {strides = array<i32>} : memref<2x3328x16xf32, #tpu.memory_space<vmem>>, vector<16xf32>,
        %add3A_315 = arith.addf %add3A_305, %get3A_314 : vector<16xf32>
        %mul3A_316 = arith.mulf %get3A_314, %get3A_314 : vector<16xf32>
        %add3A_317 = arith.addf %add3A_307, %mul3A_316 : vector<16xf32>
        %add3A_318 = arith.constant 21 : i32
        %add3A_319 = arith.addi %mul3A_111, %add3A_318 : i32
        %get3A_320 = arith.constant 1 : i32
        %get3A_321 = arith.index_cast %get3A_320 : i32 to index
        %get3A_322 = arith.index_cast %add3A_319 : i32 to index
        %get3A_323 = arith.constant 0 : index
        %get3A_324 = tpu.vector_load %arg8[%get3A_321, %get3A_322, %get3A_323] {strides = array<i32>} : memref<2x3328x16xf32, #tpu.memory_space<vmem>>, vector<16xf32>,
        %add3A_325 = arith.addf %add3A_315, %get3A_324 : vector<16xf32>
        %mul3A_326 = arith.mulf %get3A_324, %get3A_324 : vector<16xf32>
        %add3A_327 = arith.addf %add3A_317, %mul3A_326 : vector<16xf32>
        %add3A_328 = arith.constant 22 : i32
        %add3A_329 = arith.addi %mul3A_111, %add3A_328 : i32
        %get3A_330 = arith.constant 1 : i32
        %get3A_331 = arith.index_cast %get3A_330 : i32 to index
        %get3A_332 = arith.index_cast %add3A_329 : i32 to index
        %get3A_333 = arith.constant 0 : index
        %get3A_334 = tpu.vector_load %arg8[%get3A_331, %get3A_332, %get3A_333] {strides = array<i32>} : memref<2x3328x16xf32, #tpu.memory_space<vmem>>, vector<16xf32>,
        %add3A_335 = arith.addf %add3A_325, %get3A_334 : vector<16xf32>
        %mul3A_336 = arith.mulf %get3A_334, %get3A_334 : vector<16xf32>
        %add3A_337 = arith.addf %add3A_327, %mul3A_336 : vector<16xf32>
        %add3A_338 = arith.constant 23 : i32
        %add3A_339 = arith.addi %mul3A_111, %add3A_338 : i32
        %get3A_340 = arith.constant 1 : i32
        %get3A_341 = arith.index_cast %get3A_340 : i32 to index
        %get3A_342 = arith.index_cast %add3A_339 : i32 to index
        %get3A_343 = arith.constant 0 : index
        %get3A_344 = tpu.vector_load %arg8[%get3A_341, %get3A_342, %get3A_343] {strides = array<i32>} : memref<2x3328x16xf32, #tpu.memory_space<vmem>>, vector<16xf32>,
        %add3A_345 = arith.addf %add3A_335, %get3A_344 : vector<16xf32>
        %mul3A_346 = arith.mulf %get3A_344, %get3A_344 : vector<16xf32>
        %add3A_347 = arith.addf %add3A_337, %mul3A_346 : vector<16xf32>
        %add3A_348 = arith.constant 24 : i32
        %add3A_349 = arith.addi %mul3A_111, %add3A_348 : i32
        %get3A_350 = arith.constant 1 : i32
        %get3A_351 = arith.index_cast %get3A_350 : i32 to index
        %get3A_352 = arith.index_cast %add3A_349 : i32 to index
        %get3A_353 = arith.constant 0 : index
        %get3A_354 = tpu.vector_load %arg8[%get3A_351, %get3A_352, %get3A_353] {strides = array<i32>} : memref<2x3328x16xf32, #tpu.memory_space<vmem>>, vector<16xf32>,
        %add3A_355 = arith.addf %add3A_345, %get3A_354 : vector<16xf32>
        %mul3A_356 = arith.mulf %get3A_354, %get3A_354 : vector<16xf32>
        %add3A_357 = arith.addf %add3A_347, %mul3A_356 : vector<16xf32>
        %add3A_358 = arith.constant 25 : i32
        %add3A_359 = arith.addi %mul3A_111, %add3A_358 : i32
        %get3A_360 = arith.constant 1 : i32
        %get3A_361 = arith.index_cast %get3A_360 : i32 to index
        %get3A_362 = arith.index_cast %add3A_359 : i32 to index
        %get3A_363 = arith.constant 0 : index
        %get3A_364 = tpu.vector_load %arg8[%get3A_361, %get3A_362, %get3A_363] {strides = array<i32>} : memref<2x3328x16xf32, #tpu.memory_space<vmem>>, vector<16xf32>,
        %add3A_365 = arith.addf %add3A_355, %get3A_364 : vector<16xf32>
        %mul3A_366 = arith.mulf %get3A_364, %get3A_364 : vector<16xf32>
        %add3A_367 = arith.addf %add3A_357, %mul3A_366 : vector<16xf32>
        %get3A_368 = arith.constant 1 : i32
        %get3A_369 = arith.index_cast %get3A_368 : i32 to index
        %get3A_370 = arith.index_cast %mul3A_111 : i32 to index
        %get3A_371 = tpu.vector_load %arg9[%get3A_369, %get3A_370] {strides = array<i32>} : memref<2x3344xf32, #tpu.memory_space<vmem>>, vector<16xf32>,
        %add3A_372 = arith.constant 16 : i32
        %add3A_373 = arith.addi %mul3A_111, %add3A_372 : i32
        %get3A_374 = arith.constant 1 : i32
        %get3A_375 = arith.index_cast %get3A_374 : i32 to index
        %get3A_376 = arith.index_cast %add3A_373 : i32 to index
        %get3A_377 = tpu.vector_load %arg9[%get3A_375, %get3A_376] {strides = array<i32>} : memref<2x3344xf32, #tpu.memory_space<vmem>>, vector<16xf32>,
        %mul3A_378 = arith.mulf %add3A_365, %add3A_365 : vector<16xf32>
        %sub3A = arith.subf %mul3A_378, %add3A_367 : vector<16xf32>
        %mul3A_379 = arith.constant 5.000000e-01 : f32
        %mul3A_380 = vector.broadcast %mul3A_379 : f32 to vector<16xf32>
        %mul3A_381 = arith.mulf %mul3A_380, %sub3A : vector<16xf32>
        %add3A_382 = arith.addf %mul3A_381, %get3A_371 : vector<16xf32>
        %jit3A_383 = arith.constant 0.000000e+00 : f32
        %broadcast_in_dim3A_384 = vector.broadcast %jit3A_383 : f32 to vector<16xf32>
        %select_n3A_385 = arith.select %lt3A_2, %get3A_377, %broadcast_in_dim3A_384 : vector<16xi1>, vector<16xf32>
        %add3A_386 = arith.addf %add3A_382, %select_n3A_385 : vector<16xf32>
        %add3A_387 = arith.addf %add3A_386, %select_n3A : vector<16xf32>
        %reduce_sum3A = arith.constant true
        %reduce_sum3A_388 = vector.broadcast %reduce_sum3A : i1 to vector<16xi1>
        %reduce_sum3A_389 = tpu.scan <sum>, %add3A_387 masked %reduce_sum3A_388 : vector<16xf32>, vector<16xi1> -> vector<16xf32>
        %reduce_sum3A_390 = vector.extract %reduce_sum3A_389[15] : f32 from vector<16xf32>
        %eq3A_391 = vector.broadcast %scan3A_105 : i32 to vector<16xi32>
        %eq3A_392 = arith.cmpi eq, %iota3A, %eq3A_391 : vector<16xi32>
        %broadcast_in_dim3A_393 = vector.broadcast %reduce_sum3A_390 : f32 to vector<16xf32>
        %select_n3A_394 = arith.select %eq3A_392, %broadcast_in_dim3A_393, %scan3A_106 : vector<16xi1>, vector<16xf32>
        scf.yield %select_n3A_394 : vector<16xf32>
      }
      %scan3A_101 = arith.constant 16 : i32
      %mul3A_102 = arith.constant 16 : i32
      %mul3A_103 = arith.muli %scan3A_93, %mul3A_102 : i32
      %swap3A = arith.index_cast %mul3A_103 : i32 to index
      %swap3A_104 = tpu.vector_load %arg10[%swap3A] {strides = array<i32>} : memref<128xf32, #tpu.memory_space<vmem>>, vector<16xf32>,
      tpu.vector_store %arg10[%swap3A], %scan3A_100 {strides = array<i32>} : memref<128xf32, #tpu.memory_space<vmem>>, vector<16xf32>,
    }
    %scan3A_88 = arith.constant 8 : i32
    %mul3A_89 = arith.constant 512 : i32
    %mul3A_90 = arith.muli %add3A, %mul3A_89 : i32
    %add3A_91 = arith.constant 384 : i32
    %add3A_92 = arith.addi %mul3A_90, %add3A_91 : i32
    "tpu.region"() ({
      %run_scoped3A = tpu.sem_alloc : memref<!tpu.dma_semaphore, #tpu.memory_space<semaphore_mem>>
      %dma_start3A = tpu.memref_slice %arg6[%add3A_92] : memref<16384xf32, #tpu.memory_space<hbm>> -> memref<128xf32, #tpu.memory_space<hbm>>
      %dma_start3A_93 = tpu.memref_slice %arg6[%add3A_92] : memref<16384xf32, #tpu.memory_space<hbm>> -> memref<128xf32, #tpu.memory_space<hbm>>
      tpu.enqueue_dma source(%arg10 : memref<128xf32, #tpu.memory_space<vmem>>) target(%dma_start3A_93 : memref<128xf32, #tpu.memory_space<hbm>>) target_semaphore(%run_scoped3A : memref<!tpu.dma_semaphore, #tpu.memory_space<semaphore_mem>>)
      %dma_wait3A = tpu.memref_slice %arg6[%add3A_92] : memref<16384xf32, #tpu.memory_space<hbm>> -> memref<128xf32, #tpu.memory_space<hbm>>
      %dma_wait3A_94 = tpu.memref_slice %arg6[%add3A_92] : memref<16384xf32, #tpu.memory_space<hbm>> -> memref<128xf32, #tpu.memory_space<hbm>>
      tpu.wait_dma2 semaphore(%run_scoped3A : memref<!tpu.dma_semaphore, #tpu.memory_space<semaphore_mem>>) src(%arg10 : memref<128xf32, #tpu.memory_space<vmem>>) dst(%dma_wait3A_94 : memref<128xf32, #tpu.memory_space<hbm>>)
      tpu.yield
    }) : () -> ()
    return
  }
}

</mosaic_0001>

<sc_bundles>
// kernel: kernel.3.cloned.1.call-start
scs
__scs_entry_jumppad:
0x0: {  	(pc) =	sbr.rel $0x88, $3  }
0x1: {  	(tag) =	ssettag $0x0;
	lr =	simm.s32 $0x1  }
0x2: {  	[smem:$0x3F9D] =	sst lr;
	_ =	strace $0xD0000000  }
0x3: {  	_ = 	snop  }
0x4: {  	_ = 	snop  }
0x5: {  	_ = 	snop  }
0x6: {  	_ = 	snop  }
0x7: {  	_ = 	snop  }
__scs_overlays_trampoline_lowered:
0x8: {  	[smem:$0x3FAC] =	sst s0  }
0x9: {  	[smem:$0x3FAD] =	sst s1  }
0xa: {  	[smem:$0x3FAE] =	sst s2  }
0xb: {  	[smem:$0x3FAF] =	sst s3  }
0xc: {  	[smem:$0x3FB0] =	sst s4  }
0xd: {  	[smem:$0x3FB1] =	sst s5  }
0xe: {  	[smem:$0x3FB2] =	sst s6  }
0xf: {  	[smem:$0x3FB3] =	sst s7  }
0x10: {  	[smem:$0x3FB4] =	sst s8  }
0x11: {  	[smem:$0x3FB5] =	sst s9;
	s0 =	simm.s32 @!p0 $0x0  }
0x12: {  	s1 =	sld [smem:$0x3F9B];
	s0 =	simm.s32 @p0 $0x1  }
0x13: {  	[smem:$0x3FB6] =	sst s0;
	s0 =	simm.s32 @!p1 $0x0  }
0x14: {  	s2 =	sld [smem:$0x3F9A];
	s0 =	simm.s32 @p1 $0x1  }
0x15: {  	[smem:$0x3FB7] =	sst s0;
	s0 =	simm.s32 @!p2 $0x0  }
0x16: {  	s3 =	sld [smem:$0x3FDB];
	s0 =	simm.s32 @p2 $0x1  }
0x17: {  	s4 =	simm.s32 $0x1BF5;
	[smem:$0x3FB9] =	sst s0  }
0x18: {  	s0 =	sld [smem:$0x3F9C];
	_ =	swait.ge [sflag:s4], $0x0  }
0x19: {  	s7 =	sld [smem:$0x3F9D]  }
0x1a: {  	s8 =	sadd.s32 $0xFFFFE003, lr  }
0x1b: {  	s9 =	sadd.s32 $0xFFFFFEF7, lr;
	s5 =	simm.s32 $0xFFFFFFFF;
	p2 =	slt.u32 s8, $0xFFFFF086  }
0x1c: {  	p1 =	slt.u32 s9, $0xF7A;
	s5 =	simm.s32 @!p2 $0x0  }
0x1d: {  	s5 =	simm.s32 @p1 $0x1;
	p0 =	seq.s32 s7, s2  }
0x1e: {  	s7 =	smul.u32 @!p0 $0xF7A, s2;
	p2 =	seq.s32 @!p0 s5, $0x0  }
0x1f: {  	s9 =	smul.u32 $0xF7A, s1;
	s8 =	simm.s32 @!p0 $0x1BF5;
	p2 =	por !p2, p0  }
0x20: {  	[sflag:s8] =	ssyncset.s32 @!p0 $0xFFFFF086;
	s6 =	sadd.s32 @!p0 s3, s7;
	s7 =	simm.s32 @!p0 $0x108  }
0x21: {  	s3 =	sadd.s32 s3, s9;
	s6 =	sadd.s32 @!p0 $0x88, s6;
	s7 =	simm.s32 @p2 $0x1082  }
0x22: {  	[simem:s7], [sflag:s8] =	dma.local @!p0 [hbm:s6], $0xF7A  }
0x23: {  	s9 =	sor.u32 $0xD0000000, s2;
	s6 =	simm.s32 $0x108;
	_ =	swait.ge @!p0 [sflag:s8], $0x0  }
0x24: {  	s3 =	sadd.s32 $0x88, s3;
	s6 =	simm.s32 @!p1 $0x1082;
	[sflag:s4] =	ssyncset.s32 $0xFFFFF086  }
0x25: {  	[simem:s6], [sflag:s4] =	dma.local [hbm:s3], $0xF7A  }
0x26: {  	[smem:$0x3F9D] =	sst s1;
	(tag) =	ssettag s2;
	_ =	strace s9  }
0x27: {  	s1 =	sld [smem:$0x3FAD]  }
0x28: {  	s2 =	sld [smem:$0x3FAE]  }
0x29: {  	s4 =	sld [smem:$0x3FB0]  }
0x2a: {  	p0 =	seq.s32 s5, $0x0;
	s5 =	sld [smem:$0x3FB1]  }
0x2b: {  	s6 =	sld [smem:$0x3FB2]  }
0x2c: {  	s7 =	sld [smem:$0x3FB3]  }
0x2d: {  	s3 =	simm.s32 $0x108;
	s8 =	sld [smem:$0x3FB4]  }
0x2e: {  	s3 =	simm.s32 @!p0 $0x1082;
	s9 =	sld [smem:$0x3FB5]  }
0x2f: {  	lr =	sadd.s32 s0, s3;
	s0 =	sld [smem:$0x3FAC]  }
0x30: {  	s3 =	sld [smem:$0x3FAF]  }
0x31: {  	[smem:$0x3FB8] =	sst s10  }
0x32: {  	s10 =	sld [smem:$0x3FB6];
	_ =	sdelay $0x3  }
0x33: {  	p0 =	seq.s32 s10, $0x1;
	s10 =	sld [smem:$0x3FB8];
	_ =	sdelay $0x3  }
0x34: {  	[smem:$0x3FB8] =	sst s10  }
0x35: {  	s10 =	sld [smem:$0x3FB7];
	_ =	sdelay $0x3  }
0x36: {  	p1 =	seq.s32 s10, $0x1;
	s10 =	sld [smem:$0x3FB8];
	_ =	sdelay $0x3  }
0x37: {  	[smem:$0x3FB8] =	sst s10  }
0x38: {  	s10 =	sld [smem:$0x3FB9]  }
0x39: {  	_ = 	snop;
	(pc) =	sbr.ind lr, $3  }
0x3a: {  	_ = 	snop  }
0x3b: {  	_ = 	snop  }
0x3c: {  	p2 =	seq.s32 s10, $0x1;
	s10 =	sld [smem:$0x3FB8]  }
0x3d: {  	_ =	shalt  }
0x3e: {  	_ =	shalt  }
0x3f: {  	_ =	shalt  }
0x40: {  	_ =	shalt  }
0x41: {  	_ =	shalt  }
0x42: {  	_ =	shalt  }
0x43: {  	_ =	shalt  }
0x44: {  	_ =	shalt  }
0x45: {  	_ =	shalt  }
0x46: {  	_ =	shalt  }
0x47: {  	_ =	shalt  }
0x48: {  	_ =	shalt  }
0x49: {  	_ =	shalt  }
0x4a: {  	_ =	shalt  }
0x4b: {  	_ =	shalt  }
0x4c: {  	_ =	shalt  }
0x4d: {  	_ =	shalt  }
0x4e: {  	_ =	shalt  }
0x4f: {  	_ =	shalt  }
0x50: {  	_ =	shalt  }
0x51: {  	_ =	shalt  }
0x52: {  	_ =	shalt  }
0x53: {  	_ =	shalt  }
0x54: {  	_ =	shalt  }
0x55: {  	_ =	shalt  }
0x56: {  	_ =	shalt  }
0x57: {  	_ =	shalt  }
0x58: {  	_ =	shalt  }
0x59: {  	_ =	shalt  }
0x5a: {  	_ =	shalt  }
0x5b: {  	_ =	shalt  }
0x5c: {  	_ =	shalt  }
0x5d: {  	_ =	shalt  }
0x5e: {  	_ =	shalt  }
0x5f: {  	_ =	shalt  }
0x60: {  	_ =	shalt  }
0x61: {  	_ =	shalt  }
0x62: {  	_ =	shalt  }
0x63: {  	_ =	shalt  }
0x64: {  	_ =	shalt  }
0x65: {  	_ =	shalt  }
0x66: {  	_ =	shalt  }
0x67: {  	_ =	shalt  }
0x68: {  	_ =	shalt  }
0x69: {  	_ =	shalt  }
0x6a: {  	_ =	shalt  }
0x6b: {  	_ =	shalt  }
0x6c: {  	_ =	shalt  }
0x6d: {  	_ =	shalt  }
0x6e: {  	_ =	shalt  }
0x6f: {  	_ =	shalt  }
0x70: {  	_ =	shalt  }
0x71: {  	_ =	shalt  }
0x72: {  	_ =	shalt  }
0x73: {  	_ =	shalt  }
0x74: {  	_ =	shalt  }
0x75: {  	_ =	shalt  }
0x76: {  	_ =	shalt  }
0x77: {  	_ =	shalt  }
0x78: {  	_ =	shalt  }
0x79: {  	_ =	shalt  }
0x7a: {  	_ =	shalt  }
0x7b: {  	_ =	shalt  }
0x7c: {  	_ =	shalt  }
0x7d: {  	_ =	shalt  }
0x7e: {  	_ =	shalt  }
0x7f: {  	_ =	shalt  }
0x80: {  	_ =	shalt  }
0x81: {  	_ =	shalt  }
0x82: {  	_ =	shalt  }
0x83: {  	_ =	shalt  }
0x84: {  	_ =	shalt  }
0x85: {  	_ =	shalt  }
0x86: {  	_ =	shalt  }
0x87: {  	_ =	shalt  }
.Lfunc_end0:
.L_simem_size_0:
called_computation_lowered:
.L_overlay_start_0:
0x88: {  	s2 =	sld [smem:$0x3FD9]  }
0x89: {  	s3 =	sld [smem:$0x3FFE];
	_ =	sdelay $0x1  }
0x8a: {  	s1 =	srdreg.scid  }
0x8b: {  	s0 =	sand.u32 $0x1, s1  }
0x8c: {  	s17 =	sshll.u32 s0, $0xA;
	s2 =	sadd.s32 s3, s2  }
0x8d: {  	s2 =	sadd.s32 s2, s17  }
0x8e: {  	[smem:$0x3FC4] =	sst s2  }
0x8f: {  	_ = 	snop  }
0x90: {  	s2 =	sld [smem:$0x3FC6]  }
0x91: {  	s18 =	sld [smem:$0x3FD0];
	(tm) =	ssettm $0x1  }
0x92: {  	s4 =	sld [smem:$0x3FFB];
	_ =	sdelay $0x3  }
0x93: {  	_ =	strace s4  }
0x94: {  	s4 =	sld [smem:$0x3FFC];
	_ =	sdelay $0x3  }
0x95: {  	_ =	strace s4  }
0x96: {  	s4 =	sld [smem:$0x3FFD];
	_ =	sdelay $0x3  }
0x97: {  	_ =	strace s4  }
0x98: {  	_ =	strace $0x8FFFFFFF  }
0x99: {  	s19 =	sld [smem:$0x3FDB];
	_ =	sdelay $0x1  }
0x9a: {  	s5 =	simm.s32 $_scs_section_size  }
0x9b: {  	s6 =	simm.s32 $_size__tile_overlayer_lowered;
	s7 =	simm.s32 $_tile_overlayer_lowered  }
0x9c: {  	s22 =	simm.s32 $0x1BFF;
	s21 =	sshll.u32 s7, $0x1;
	s4 =	sadd.s32 s5, s19  }
0x9d: {  	s8 =	simm.s32 $0x0;
	s20 =	sshll.u32 s6, $0x1;
	s6 =	sadd.s32 s21, s4  }
0x9e: {  	[timem:s8], [sflag:s22] =	dma.local [hbm:s6], s20  }
0x9f: {  	_ =	swait.ge [sflag:s22], s20  }
0xa0: {  	s5 =	ssub.s32 $0x0, s20;
	[sflag:s22] =	ssyncset.done $0x0  }
0xa1: {  	[sflag:s22] =	ssyncadd.s32 s5;
	_ =	sdelay $0x1  }
0xa2: {  	s23 =	simm.s32 $0x1B8B  }
0xa3: {  	_ =	swait.ge [sflag:s23], $0x1  }
0xa4: {  	[sflag:s23] =	ssyncset.done $0x0  }
0xa5: {  	s25 =	simm.s32 $0x1B8E;
	s24 =	sld [smem:$0x3FFE];
	[sflag:s23] =	ssyncadd.s32 $0xFFFFFFFF  }
0xa6: {  	s26 =	simm.s32 $execute0_lowered;
	[smem:$0x3FD2] =	sst s25  }
0xa7: {  	s6 =	sshll.u32 s26, $0x1;
	_ =	strace $0x80000046;
	[dreg:$0x1] =	wrdreg $0xFFFFFFFF  }
0xa8: {  	s28 =	simm.s32 $_size_execute0_lowered;
	s4 =	sadd.s32 s4, s6;
	[dreg:$0x0] =	wrdreg $0x0  }
0xa9: {  	s6 =	sshll.u32 s28, $0x1;
	[dreg:$0x2] =	wrdreg s4  }
0xaa: {  	[dreg:$0x3] =	wrdreg s6  }
0xab: {  	[dreg:$0x4] =	wrdreg $0xC0  }
0xac: {  	_ =	task [dreg:s8], $0x5FFFF  }
0xad: {  	[dreg:$0x1] =	wrdreg $0xFFFFFFFF  }
0xae: {  	[dreg:$0x0] =	wrdreg $0x60  }
0xaf: {  	[dreg:$0x2] =	wrdreg s24  }
0xb0: {  	[dreg:$0x3] =	wrdreg s2  }
0xb1: {  	[dreg:$0x4] =	wrdreg s18  }
0xb2: {  	[dreg:$0x5] =	wrdreg $0x9  }
0xb3: {  	_ =	task.clear_ibuf [dreg:s8], $0x6FFFF;
	_ =	strace $0x90000046  }
0xb4: {  	s29 =	simm.s32 $0x9;
	_ =	strace $0x80000048  }
0xb5: {  	_ =	swait.ge [sflag:s29], $0x1  }
0xb6: {  	[sflag:s29] =	ssyncadd.s32 $0xFFFFFFFF  }
0xb7: {  	_ =	strace $0x90000048  }
0xb8: {  	_ =	sfence  }
0xb9: {  	s30 =	sld [smem:$0x0];
	_ =	sdelay $0x2  }
0xba: {  	s31 =	sshll.u32 s1, $0xD;
	s1 =	sshrl.u32 s1, $0x2  }
0xbb: {  	s3 =	sand.u32 $0x4000, s31;
	s1 =	sadd.s32 s1, s30  }
0xbc: {  	s0 =	sor.u32 s3, s0;
	s1 =	sshll.u32 s1, $0x11  }
0xbd: {  	s0 =	sor.u32 s1, s0  }
0xbe: {  	s0 =	sadd.s32 $0x8F2B, s0  }
0xbf: {  	[sflag:s0] =	ssyncadd.remote.s32 $0x1  }
0xc0: {  	_ =	sfence.sel $0xFFFF  }
0xc1: {  	[dreg:$0x0] =	wrdreg $0xFFFFFFFF;
	(pc) =	sbr.abs _section_cstart, $3  }
0xc2: {  	[dreg:$0x1] =	wrdreg $0xFFFFFFFF  }
0xc3: {  	_ =	task.clear_ibuf [dreg:s8], $0x2FFFF;
	_ =	strace $0x9FFFFFFF  }
0xc4: {  	(tm) =	ssettm $0x7FFFFFFF  }
0xc5: {  	_ =	shalt  }
tec
execute0_lowered:
.L_overlay_start_1:
0x0: {  	(tag) =	ssettag $0x1  }
0x1: {  	s0 =	rddreg [dreg:$0x0]  }
0x2: {  	s1 =	srdreg.scid;
	s2 =	stileid.u32  }
0x3: {  	s6 =	rddreg [dreg:$0x2];
	s3 =	simm.s32 $0x0;
	s13 =	simm.s32 $0x3  }
0x4: {  	s14 =	simm.s32 $0x80;
	s15 =	simm.s32 $0x1;
	s16 =	simm.s32 $0x1EE20  }
0x5: {  	s20 =	simm.s32 $0x2380;
	s23 =	simm.s32 $0x2400;
	s30 =	simm.s32 $0x2500  }
0x6: {  	s19 =	simm.s32 $0x2600;
	s1 =	sand.u32 $0x1, s1;
	s2 =	sshll.u32 s2, $0x1  }
0x7: {  	s29 =	simm.s32 $0x2;
	[smem:$0x7FF] =	sst s3;
	s2 =	sor.u32 s1, s2  }
0x8: {  	s1 =	ssub.s32 $0x2, s1;
	s4 =	smul.u32 $0x680, s2;
	s2 =	sshll.u32 s2, $0x6  }
0x9: {  	s5 =	sadd.s32 $0xD400, s0;
	s8 =	sshrl.u32 s1, $0x1;
	s6 =	sadd.s32 s6, s2  }
0xa: {  	_ =	strace $0x80000047;
	s24 =	ssub.s32 s1, s8;
	s26 =	sadd.s32 $0x10, s6  }
0xb: {  	s2 =	simm.s32 $0x0;
	s28 =	sadd.s32 $0x20, s6;
	[dreg:$0x5] =	wrdreg s26  }
0xc: {  	s7 =	sadd.s32 s4, s0;
	s31 =	sadd.s32 $0x30, s6;
	[dreg:$0x6] =	wrdreg s28  }
0xd: {  	s4 =	sadd.s32 $0xF42800, s0;
	s0 =	smax.u32 s24, $0x1;
	[dreg:$0x7] =	wrdreg s31  }
0xe: {  	s24 =	simm.s32 $0x2680;
	s25 =	sadd.s32 $0x400, s7;
	[dreg:$0x8] =	wrdreg s0  }
0xf: {  	vm0 =	vmmov $0x1;
	vm1 =	vmmov $0x3ff;
	v0 =	vlaneseq.u32;
	s26 =	simm.s32 $0x2480;
	s0 =	simm.s32 $0x2580;
	[dreg:$0x4] =	wrdreg s25  }
.LBB2_1:
0x10: {  	s1 =	rddreg [dreg:$0x1];
	s7 =	simm.s32 $0x1EEA0  }
0x11: {  	[tilespmem:s7], [sflag:$0x3] =	stream.linear.gather [hbm4b:s1+s3], $0x1, $0x38;
	[tilespmem:$0x1EEB0] =	vst v63  }
0x12: {  	_ =	swait.ge [sflag:s13], $0x1  }
0x13: {  	[sflag:s13] =	ssyncset.done $0x0  }
0x14: {  	s28 =	rddreg [dreg:$0x4];
	[sflag:s13] =	ssyncadd.s32 $0xFFFFFFFF  }
0x15: {  	[tilespmem:s3], [sflag:$0x3] =	stream.linear.gather [hbm4b:s28+s3], $0x3400, $0x38;
	[tilespmem:$0x1EEB0] =	vst v63  }
0x16: {  	s8 =	simm.s32 $0x0;
	_ =	swait.ge [sflag:s13], $0x3400  }
0x17: {  	s31 =	simm.s32 $0x3400;
	s9 =	simm.s32 $0x1D400;
	[sflag:s13] =	ssyncset.done $0x0  }
0x18: {  	s1 =	simm.s32 $0x200;
	s7 =	simm.s32 $0x3C00;
	[sflag:s13] =	ssyncadd.s32 $0xFFFFCC00  }
0x19: {  	v1 =	vld [tilespmem:$0x1EEA0];
	[tilespmem:s31], [sflag:$0x1] =	stream.indirect.gather [hbm4b:s4+s14], $0x10, s8, s14, $0xb8  }
.LBB2_2:
0x1a: {  	[tilespmem:s9], [sflag:$0x1] =	stream.indirect.gather [hbm4b:s5+s14], $0x1, s8, s14, $0xb8;
	[tilespmem:$0x1EEB0] =	vst v63  }
0x1b: {  	s8 =	smov.u32 s1;
	p0 =	sne.s32 s1, $0x3200  }
.Ltmp0:
0x1c: {  	s1 =	sadd.s32 $0x200, s1;
	(pc) =	sbr.rel @p0 .LBB2_2-.Ltmp0, $4  }
0x1d: {  	_ = 	snop  }
0x1e: {  	s8 =	sshra.s32 s8, $0x2  }
0x1f: {  	[tilespmem:s7], [sflag:$0x1] =	stream.indirect.gather [hbm4b:s4+s14], $0x10, s8, s14, $0xb8;
	[tilespmem:$0x1EEB0] =	vst v63  }
0x20: {  	s9 =	sadd.s32 $0x1D400, s8;
	s7 =	sadd.s32 $0x800, s7  }
0x21: {  	[tilespmem:s9], [sflag:$0x1] =	stream.indirect.gather [hbm4b:s5+s14], $0x1, s8, s14, $0xb8;
	[tilespmem:$0x1EEB0] =	vst v63  }
0x22: {  	s1 =	simm.s32 $0x10400;
	s7 =	simm.s32 $0xD00  }
0x23: {  	[tilespmem:s1], [sflag:$0x2] =	stream.indirect.gather [hbm4b:s4+s14], $0x10, s7, s14, $0xb8;
	[tilespmem:$0x1EEB0] =	vst v63  }
0x24: {  	s31 =	simm.s32 $0x1E110  }
0x25: {  	[tilespmem:s31], [sflag:$0x2] =	stream.indirect.gather [hbm4b:s5+s14], $0x1, s7, s14, $0xb8;
	[tilespmem:$0x1EEB0] =	vst v63  }
0x26: {  	s7 =	simm.s32 $0x200  }
.LBB2_4:
0x27: {  	p0 =	sne.s32 s7, $0x3200  }
.Ltmp1:
0x28: {  	s8 =	sshra.s32 s7, $0x2;
	s7 =	sadd.s32 $0x200, s7;
	(pc) =	sbr.rel @p0 .LBB2_4-.Ltmp1, $4  }
0x29: {  	s1 =	sadd.s32 $0x800, s1;
	s9 =	sadd.s32 $0xD00, s8  }
0x2a: {  	[tilespmem:s1], [sflag:$0x2] =	stream.indirect.gather [hbm4b:s4+s14], $0x10, s9, s14, $0xb8;
	[tilespmem:$0x1EEB0] =	vst v63  }
0x2b: {  	s8 =	sadd.s32 $0x1E110, s8  }
0x2c: {  	[tilespmem:s8], [sflag:$0x2] =	stream.indirect.gather [hbm4b:s5+s14], $0x1, s9, s14, $0xb8;
	[tilespmem:$0x1EEB0] =	vst v63  }
0x2d: {  	_ =	swait.ge [sflag:s15], $0x800  }
0x2e: {  	[sflag:s15] =	ssyncset.done $0x0  }
0x2f: {  	[sflag:s15] =	ssyncadd.s32 $0xFFFFF800  }
0x30: {  	_ =	swait.ge [sflag:s15], $0x80  }
0x31: {  	s1 =	simm.s32 $0x19;
	[sflag:s15] =	ssyncset.done $0x0  }
.LBB2_6:
0x32: {  	p0 =	sne.s32 s1, $0x1;
	s1 =	sadd.s32 $0xFFFFFFFF, s1;
	[sflag:s15] =	ssyncadd.s32 $0xFFFFFF80  }
.Ltmp2:
0x33: {  	_ =	swait.ge [sflag:s15], $0x800;
	(pc) =	sbr.rel @p0 .LBB2_6-.Ltmp2, $4  }
0x34: {  	[sflag:s15] =	ssyncset.done $0x0  }
0x35: {  	[sflag:s15] =	ssyncadd.s32 $0xFFFFF800  }
0x36: {  	_ =	swait.ge [sflag:s15], $0x80  }
0x37: {  	[sflag:s15] =	ssyncset.done $0x0  }
0x38: {  	[sflag:s15] =	ssyncadd.s32 $0xFFFFFF80;
	s7 =	simm.s32 $0x0;
	s12 =	simm.s32 $0x10  }
0x39: {  	v1 =	vnsel vm0, $0x0, v1;
	s28 =	simm.s32 $0x1D400;
	s22 =	simm.s32 $0x34D0;
	s10 =	simm.s32 $0x0  }
.LBB2_8:
0x3a: {  	v2 =	vld [tilespmem:s22+$0xFFFFFF30]  }
0x3b: {  	v3 =	vld [tilespmem:s22+$0xFFFFFF40];
	_ =	sdelay $0x1  }
0x3c: {  	v4 =	vld [tilespmem:s22+$0xFFFFFF50];
	_ =	sdelay $0x1  }
0x3d: {  	v5 =	vld [tilespmem:s22+$0xFFFFFF60]  }
0x3e: {  	v6 =	vmul.f32 v2, v2;
	v2 =	vadd.f32 v3, v2;
	v3 =	vmul.f32 v3, v3  }
0x3f: {  	v7 =	vld [tilespmem:s22+$0xFFFFFF70]  }
0x40: {  	v3 =	vadd.f32 v3, v6;
	v2 =	vadd.f32 v4, v2;
	v4 =	vmul.f32 v4, v4  }
0x41: {  	v6 =	vld [tilespmem:s22+$0xFFFFFF80]  }
0x42: {  	v3 =	vadd.f32 v4, v3;
	v2 =	vadd.f32 v5, v2;
	v4 =	vmul.f32 v5, v5  }
0x43: {  	v5 =	vld [tilespmem:s22+$0xFFFFFF90]  }
0x44: {  	v3 =	vadd.f32 v4, v3;
	v2 =	vadd.f32 v7, v2;
	v4 =	vmul.f32 v7, v7  }
0x45: {  	v7 =	vld [tilespmem:s22+$0xFFFFFFA0]  }
0x46: {  	v3 =	vadd.f32 v4, v3;
	v2 =	vadd.f32 v6, v2;
	v4 =	vmul.f32 v6, v6  }
0x47: {  	v6 =	vld [tilespmem:s22+$0xFFFFFFB0]  }
0x48: {  	v3 =	vadd.f32 v4, v3;
	v2 =	vadd.f32 v5, v2;
	v4 =	vmul.f32 v5, v5  }
0x49: {  	v5 =	vld [tilespmem:s22+$0xFFFFFFC0]  }
0x4a: {  	v3 =	vadd.f32 v4, v3;
	v2 =	vadd.f32 v7, v2;
	v4 =	vmul.f32 v7, v7  }
0x4b: {  	v7 =	vld [tilespmem:s22+$0xFFFFFFD0]  }
0x4c: {  	v3 =	vadd.f32 v4, v3;
	v2 =	vadd.f32 v6, v2;
	v4 =	vmul.f32 v6, v6  }
0x4d: {  	v6 =	vld [tilespmem:s22+$0xFFFFFFE0]  }
0x4e: {  	v3 =	vadd.f32 v4, v3;
	v2 =	vadd.f32 v5, v2;
	v4 =	vmul.f32 v5, v5  }
0x4f: {  	v5 =	vld [tilespmem:s22+$0xFFFFFFF0]  }
0x50: {  	v3 =	vadd.f32 v4, v3;
	v2 =	vadd.f32 v7, v2;
	v4 =	vmul.f32 v7, v7  }
0x51: {  	v7 =	vld [tilespmem:s22+$0x0]  }
0x52: {  	v8 =	vld [tilespmem:s22+$0xB0];
	v3 =	vadd.f32 v4, v3;
	v2 =	vadd.f32 v6, v2;
	v4 =	vmul.f32 v6, v6  }
0x53: {  	v6 =	vld [tilespmem:s22+$0x10]  }
0x54: {  	v9 =	vld [tilespmem:s22+$0x20];
	s31 =	sadd.s32 $0x1A0, s22;
	v3 =	vadd.f32 v4, v3;
	v2 =	vadd.f32 v5, v2;
	v4 =	vmul.f32 v5, v5  }
0x55: {  	v10 =	vld [tilespmem:s31+$0xFFFFFF40]  }
0x56: {  	v5 =	vld [tilespmem:s31+$0xFFFFFF30];
	v3 =	vadd.f32 v4, v3;
	v2 =	vadd.f32 v7, v2;
	v4 =	vmul.f32 v7, v7  }
0x57: {  	v7 =	vld [tilespmem:s22+$0x30]  }
0x58: {  	v12 =	vld [tilespmem:s31+$0xFFFFFF50];
	v11 =	vmul.f32 v6, v6;
	v3 =	vadd.f32 v4, v3;
	v4 =	vadd.f32 v6, v2  }
0x59: {  	v13 =	vmul.f32 v9, v9;
	v6 =	vld [tilespmem:s22+$0x40]  }
0x5a: {  	v14 =	vld [tilespmem:s31+$0xFFFFFF60];
	v2 =	vimm.f32 $0.0e+00;
	v3 =	vadd.f32 v11, v3;
	v4 =	vadd.f32 v9, v4  }
0x5b: {  	v9 =	vmul.f32 v5, v5;
	v5 =	vadd.f32 v10, v5;
	v10 =	vmul.f32 v10, v10;
	v11 =	vld [tilespmem:s22+$0x50]  }
0x5c: {  	v15 =	vld [tilespmem:s31+$0xFFFFFF70];
	v3 =	vadd.f32 v13, v3;
	v4 =	vadd.f32 v7, v4;
	v7 =	vmul.f32 v7, v7  }
0x5d: {  	v9 =	vadd.f32 v10, v9;
	v5 =	vadd.f32 v12, v5;
	v10 =	vmul.f32 v12, v12;
	v12 =	vld [tilespmem:s22+$0x60]  }
0x5e: {  	v13 =	vld [tilespmem:s31+$0xFFFFFF80];
	v3 =	vadd.f32 v7, v3;
	v4 =	vadd.f32 v6, v4;
	v6 =	vmul.f32 v6, v6  }
0x5f: {  	v7 =	vadd.f32 v10, v9;
	v5 =	vadd.f32 v14, v5;
	v9 =	vmul.f32 v14, v14;
	v10 =	vld [tilespmem:s22+$0x70]  }
0x60: {  	v14 =	vld [tilespmem:s31+$0xFFFFFF90];
	v3 =	vadd.f32 v6, v3;
	v4 =	vadd.f32 v11, v4;
	v6 =	vmul.f32 v11, v11  }
0x61: {  	v7 =	vadd.f32 v9, v7;
	v5 =	vadd.f32 v15, v5;
	v9 =	vmul.f32 v15, v15;
	v11 =	vld [tilespmem:s22+$0x80]  }
0x62: {  	v15 =	vld [tilespmem:s31+$0xFFFFFFA0];
	v3 =	vadd.f32 v6, v3;
	v4 =	vadd.f32 v12, v4;
	v6 =	vmul.f32 v12, v12  }
0x63: {  	v7 =	vadd.f32 v9, v7;
	v5 =	vadd.f32 v13, v5;
	v9 =	vmul.f32 v13, v13;
	v12 =	vld [tilespmem:s22+$0x90]  }
0x64: {  	v13 =	vld [tilespmem:s31+$0xFFFFFFB0];
	v3 =	vadd.f32 v6, v3;
	v4 =	vadd.f32 v10, v4;
	v6 =	vmul.f32 v10, v10  }
0x65: {  	v10 =	vld [tilespmem:s22+$0xA0];
	v7 =	vadd.f32 v9, v7;
	v5 =	vadd.f32 v14, v5;
	v9 =	vmul.f32 v14, v14  }
0x66: {  	v14 =	vld [tilespmem:s31+$0xFFFFFFC0];
	v6 =	vadd.f32 v6, v3;
	v4 =	vadd.f32 v11, v4;
	v11 =	vmul.f32 v11, v11  }
0x67: {  	v16 =	vld [tilespmem:s31+$0xFFFFFFE0];
	v7 =	vadd.f32 v9, v7;
	v5 =	vadd.f32 v15, v5;
	v9 =	vmul.f32 v15, v15  }
0x68: {  	v15 =	vld [tilespmem:s31+$0xFFFFFFD0];
	v6 =	vadd.f32 v11, v6;
	v4 =	vadd.f32 v12, v4;
	v11 =	vmul.f32 v12, v12  }
0x69: {  	s1 =	sadd.s32 $0x1A0, s31;
	v7 =	vadd.f32 v9, v7;
	v5 =	vadd.f32 v13, v5;
	v9 =	vmul.f32 v13, v13;
	v12 =	vld [tilespmem:s22+$0xC0]  }
0x6a: {  	v17 =	vld [tilespmem:s1+$0xFFFFFF40];
	v13 =	vmul.f32 v10, v10;
	v6 =	vadd.f32 v11, v6;
	v10 =	vadd.f32 v10, v4  }
0x6b: {  	v7 =	vadd.f32 v9, v7;
	v5 =	vadd.f32 v14, v5;
	v9 =	vmul.f32 v14, v14;
	v4 =	vld [tilespmem:s31+$0xB0]  }
0x6c: {  	v11 =	vmul.f32 v8, v8;
	v14 =	vld [tilespmem:s31+$0xFFFFFFF0];
	v6 =	vadd.f32 v13, v6;
	v8 =	vadd.f32 v8, v10  }
0x6d: {  	v7 =	vadd.f32 v9, v7;
	v5 =	vadd.f32 v15, v5;
	v9 =	vmul.f32 v15, v15;
	v10 =	vld [tilespmem:s31+$0x20]  }
0x6e: {  	v15 =	vld [tilespmem:s31+$0x0];
	v6 =	vadd.f32 v11, v6;
	v8 =	vadd.f32 v12, v8;
	v12 =	vmul.f32 v12, v12  }
0x6f: {  	s8 =	sadd.s32 $0xFFFFFFF0, s12;
	v13 =	vmul.f32 v16, v16;
	v9 =	vadd.f32 v9, v7;
	v5 =	vadd.f32 v16, v5;
	v11 =	vld [tilespmem:s31+$0x10]  }
0x70: {  	s9 =	sand.u32 $0x1FF8, s12;
	s8 =	sand.u32 $0x6, s8;
	v16 =	vld [tilespmem:s1+$0xFFFFFF30];
	v7 =	vmov s7;
	v6 =	vadd.f32 v12, v6;
	v18 =	vmul.f32 v8, v8  }
0x71: {  	s8 =	sor.u32 s8, s9;
	v3 =	vld [tilespmem:s28+$0x0];
	v13 =	vadd.f32 v13, v9;
	v19 =	vadd.f32 v14, v5;
	v14 =	vmul.f32 v14, v14  }
0x72: {  	s11 =	simm.s32 $0x1;
	s21 =	simm.s32 $0x2;
	v5 =	vmul.f32 v4, v4;
	v8 =	vld [tilespmem:s8+$0x1D400];
	v12 =	vmul.f32 v10, v10;
	v9 =	vsub.f32 v18, v6  }
0x73: {  	s25 =	simm.s32 $0x3;
	s9 =	smov.u32 s28;
	s8 =	smov.u32 s12;
	v14 =	vadd.f32 v14, v13;
	v13 =	vadd.f32 v15, v19;
	v15 =	vmul.f32 v15, v15;
	v6 =	vld [tilespmem:s31+$0xA0]  }
.LBB2_9:
0x74: {  	p0 =	sne.s32 s25, $0xF;
	v18 =	vmul.f32 v11, v11;
	v19 =	vld [tilespmem:s31+$0x30];
	v9 =	vmul.f32 $5.000000000e-01, v9;
	vm2 =	veq.s32 v7, v0  }
0x75: {  	v7 =	vmul.f32 v16, v16;
	v20 =	vld [tilespmem:s1+$0xFFFFFF50];
	v14 =	vadd.f32 v15, v14;
	v11 =	vadd.f32 v11, v13  }
0x76: {  	v13 =	vadd.f32 v17, v16;
	v15 =	vmul.f32 v17, v17;
	v16 =	vld [tilespmem:s31+$0x40];
	v3 =	vadd.f32 v9, v3  }
0x77: {  	v9 =	vld [tilespmem:s1+$0xFFFFFF60];
	v14 =	vadd.f32 v18, v14;
	v10 =	vadd.f32 v10, v11;
	v8 =	vnsel vm1, $0x0, v8  }
0x78: {  	v7 =	vadd.f32 v15, v7;
	v11 =	vld [tilespmem:s31+$0x50];
	v15 =	vmul.f32 v6, v6;
	v3 =	vadd.f32 v3, v8  }
0x79: {  	v8 =	vld [tilespmem:s1+$0xFFFFFF70];
	v12 =	vadd.f32 v12, v14;
	v10 =	vadd.f32 v19, v10;
	v14 =	vmul.f32 v19, v19  }
0x7a: {  	v13 =	vadd.f32 v20, v13;
	v17 =	vmul.f32 v20, v20;
	v18 =	vld [tilespmem:s31+$0x60];
	v3 =	vadd.f32 v3, v1  }
0x7b: {  	v19 =	vld [tilespmem:s1+$0xFFFFFF80];
	v12 =	vadd.f32 v14, v12;
	v10 =	vadd.f32 v16, v10;
	v14 =	vmul.f32 v16, v16  }
0x7c: {  	v7 =	vadd.f32 v17, v7;
	v13 =	vadd.f32 v9, v13;
	v9 =	vmul.f32 v9, v9;
	v16 =	vld [tilespmem:s31+$0x70];
	(xrf2) =	vadd.scan.msk.f32 $0xffff, v3  }
0x7d: {  	v3 =	vld [tilespmem:s1+$0xFFFFFF90];
	v12 =	vadd.f32 v14, v12;
	v10 =	vadd.f32 v11, v10;
	v11 =	vmul.f32 v11, v11  }
0x7e: {  	v7 =	vadd.f32 v9, v7;
	v9 =	vadd.f32 v8, v13;
	v8 =	vmul.f32 v8, v8;
	v13 =	vld [tilespmem:s31+$0x80]  }
0x7f: {  	v14 =	vld [tilespmem:s1+$0xFFFFFFA0];
	v11 =	vadd.f32 v11, v12;
	v10 =	vadd.f32 v18, v10;
	v12 =	vmul.f32 v18, v18  }
0x80: {  	v7 =	vadd.f32 v8, v7;
	v8 =	vadd.f32 v19, v9;
	v9 =	vmul.f32 v19, v19;
	v17 =	vld [tilespmem:s31+$0x90]  }
0x81: {  	v18 =	vld [tilespmem:s1+$0xFFFFFFB0];
	v11 =	vadd.f32 v12, v11;
	v10 =	vadd.f32 v16, v10;
	v12 =	vmul.f32 v16, v16  }
0x82: {  	v7 =	vadd.f32 v9, v7;
	v8 =	vadd.f32 v3, v8;
	v3 =	vmul.f32 v3, v3  }
0x83: {  	s9 =	sadd.s32 $0x1A, s9;
	v9 =	vld [tilespmem:s1+$0xFFFFFFC0];
	v11 =	vadd.f32 v12, v11;
	v10 =	vadd.f32 v13, v10;
	v12 =	vmul.f32 v13, v13  }
0x84: {  	v7 =	vadd.f32 v3, v7;
	v8 =	vadd.f32 v14, v8;
	v13 =	vmul.f32 v14, v14;
	v3 =	vld [tilespmem:s9+$0x0]  }
0x85: {  	v14 =	vld [tilespmem:s1+$0xFFFFFFD0];
	v11 =	vadd.f32 v12, v11;
	v10 =	vadd.f32 v17, v10;
	v12 =	vmul.f32 v17, v17  }
0x86: {  	v7 =	vadd.f32 v13, v7;
	v8 =	vadd.f32 v18, v8;
	v13 =	vmul.f32 v18, v18;
	v16 =	vld [tilespmem:s31+$0xC0];
	v17, _, _ =	vpop (xrf2);
	s31 =	smov.u32 s1  }
0x87: {  	v18 =	vld [tilespmem:s1+$0xFFFFFFE0];
	v11 =	vadd.f32 v12, v11;
	v6 =	vadd.f32 v6, v10;
	v10 =	vbroadcast v17, $0xF  }
0x88: {  	v7 =	vadd.f32 v13, v7;
	v8 =	vadd.f32 v9, v8;
	v9 =	vmul.f32 v9, v9;
	v13 =	vld [tilespmem:s1+$0xB0]  }
0x89: {  	v12 =	vld [tilespmem:s1+$0xFFFFFFF0];
	v11 =	vadd.f32 v15, v11;
	v4 =	vadd.f32 v4, v6;
	v2 =	vsel vm2, v10, v2  }
0x8a: {  	v6 =	vadd.f32 v9, v7;
	v7 =	vadd.f32 v14, v8;
	v8 =	vmul.f32 v14, v14;
	v10 =	vld [tilespmem:s1+$0x20]  }
0x8b: {  	s8 =	sadd.s32 $0x1A, s8;
	v15 =	vld [tilespmem:s1+$0x0];
	v5 =	vadd.f32 v5, v11;
	v17 =	vadd.f32 v16, v4;
	v9 =	vmul.f32 v16, v16  }
.Ltmp3:
0x8c: {  	s17 =	sadd.s32 $0xFFFFFFF0, s8;
	s1 =	sadd.s32 $0x1A0, s1;
	v6 =	vadd.f32 v8, v6;
	v8 =	vadd.f32 v18, v7;
	v14 =	vmul.f32 v18, v18;
	v11 =	vld [tilespmem:s31+$0x10];
	(pc) =	sbr.rel @p0 .LBB2_9-.Ltmp3, $4  }
0x8d: {  	s18 =	sand.u32 $0x1FF8, s8;
	s17 =	sand.u32 $0x6, s17;
	v7 =	vmov s11;
	s11 =	smov.u32 s21;
	v16 =	vld [tilespmem:s1+$0xFFFFFF30];
	v9 =	vadd.f32 v9, v5;
	v18 =	vmul.f32 v17, v17;
	v4 =	vmovc v13  }
0x8e: {  	s17 =	sor.u32 s17, s18;
	s21 =	smov.u32 s25;
	v17 =	vld [tilespmem:s1+$0xFFFFFF40];
	v6 =	vadd.f32 v14, v6;
	v19 =	vadd.f32 v12, v8;
	v14 =	vmul.f32 v12, v12  }
0x8f: {  	v5 =	vmul.f32 v13, v4;
	v12 =	vmul.f32 v10, v10;
	v8 =	vld [tilespmem:s17+$0x1D400];
	v9 =	vsub.f32 v18, v9  }
0x90: {  	s25 =	sadd.s32 $0x1, s25;
	v14 =	vadd.f32 v14, v6;
	v13 =	vadd.f32 v15, v19;
	v15 =	vmul.f32 v15, v15;
	v6 =	vld [tilespmem:s31+$0xA0]  }
0x91: {  	v18 =	vld [tilespmem:s1+$0xFFFFFF50];
	_ =	sdelay $0x1  }
0x92: {  	v19 =	vld [tilespmem:s1+$0xFFFFFF60]  }
0x93: {  	v20 =	vmul.f32 v16, v16;
	v36 =	vadd.f32 v17, v16;
	v37 =	vmul.f32 v17, v17  }
0x94: {  	v21 =	vld [tilespmem:s1+$0xFFFFFF70]  }
0x95: {  	v17 =	vadd.f32 v37, v20;
	v16 =	vadd.f32 v18, v36;
	v18 =	vmul.f32 v18, v18  }
0x96: {  	v38 =	vld [tilespmem:s1+$0xFFFFFF80]  }
0x97: {  	v39 =	vmul.f32 v19, v19;
	v17 =	vadd.f32 v18, v17;
	v16 =	vadd.f32 v19, v16  }
0x98: {  	v40 =	vld [tilespmem:s1+$0xFFFFFF90]  }
0x99: {  	v41 =	vmul.f32 v21, v21;
	v17 =	vadd.f32 v39, v17;
	v16 =	vadd.f32 v21, v16  }
0x9a: {  	v42 =	vld [tilespmem:s1+$0xFFFFFFA0]  }
0x9b: {  	v43 =	vmul.f32 v38, v38;
	v17 =	vadd.f32 v41, v17;
	v16 =	vadd.f32 v38, v16  }
0x9c: {  	v44 =	vld [tilespmem:s1+$0xFFFFFFB0]  }
0x9d: {  	v45 =	vmul.f32 v40, v40;
	v17 =	vadd.f32 v43, v17;
	v16 =	vadd.f32 v40, v16  }
0x9e: {  	v46 =	vld [tilespmem:s1+$0xFFFFFFC0]  }
0x9f: {  	v47 =	vmul.f32 v42, v42;
	v17 =	vadd.f32 v45, v17;
	v16 =	vadd.f32 v42, v16  }
0xa0: {  	v48 =	vld [tilespmem:s1+$0xFFFFFFD0]  }
0xa1: {  	v49 =	vmul.f32 v44, v44;
	v17 =	vadd.f32 v47, v17;
	v16 =	vadd.f32 v44, v16  }
0xa2: {  	v50 =	vld [tilespmem:s1+$0xFFFFFFE0]  }
0xa3: {  	v51 =	vmul.f32 v46, v46;
	v17 =	vadd.f32 v49, v17;
	v16 =	vadd.f32 v46, v16  }
0xa4: {  	v52 =	vld [tilespmem:s1+$0xFFFFFFF0]  }
0xa5: {  	v53 =	vmul.f32 v48, v48;
	v17 =	vadd.f32 v51, v17;
	v16 =	vadd.f32 v48, v16  }
0xa6: {  	v54 =	vld [tilespmem:s1+$0x0]  }
0xa7: {  	v55 =	vmul.f32 v50, v50;
	v17 =	vadd.f32 v53, v17;
	v16 =	vadd.f32 v50, v16  }
0xa8: {  	v56 =	vld [tilespmem:s1+$0x10]  }
0xa9: {  	v57 =	vmul.f32 v52, v52;
	v17 =	vadd.f32 v55, v17;
	v16 =	vadd.f32 v52, v16  }
0xaa: {  	v58 =	vld [tilespmem:s1+$0x20]  }
0xab: {  	v59 =	vld [tilespmem:s31+$0x30];
	v21 =	vmul.f32 v54, v54;
	v17 =	vadd.f32 v57, v17;
	v16 =	vadd.f32 v54, v16  }
0xac: {  	v60 =	vmul.f32 v11, v11;
	v62 =	vld [tilespmem:s1+$0x30];
	v14 =	vadd.f32 v15, v14;
	v61 =	vadd.f32 v11, v13  }
0xad: {  	v63 =	vld [tilespmem:s31+$0x40];
	v20 =	vmul.f32 v56, v56;
	v17 =	vadd.f32 v21, v17;
	v16 =	vadd.f32 v56, v16  }
0xae: {  	v24 =	vld [tilespmem:s1+$0x40];
	v14 =	vadd.f32 v60, v14;
	v10 =	vadd.f32 v10, v61  }
0xaf: {  	v26 =	vld [tilespmem:s31+$0x50];
	v19 =	vmul.f32 v58, v58;
	v25 =	vadd.f32 v20, v17;
	v16 =	vadd.f32 v58, v16  }
0xb0: {  	v28 =	vld [tilespmem:s1+$0x50];
	v12 =	vadd.f32 v12, v14;
	v10 =	vadd.f32 v59, v10;
	v27 =	vmul.f32 v59, v59  }
0xb1: {  	v29 =	vld [tilespmem:s31+$0x60];
	v13 =	vmul.f32 v62, v62;
	v15 =	vadd.f32 v19, v25;
	v16 =	vadd.f32 v62, v16  }
0xb2: {  	v31 =	vld [tilespmem:s1+$0x60];
	v30 =	vmul.f32 v63, v63;
	v12 =	vadd.f32 v27, v12;
	v10 =	vadd.f32 v63, v10  }
0xb3: {  	v32 =	vld [tilespmem:s31+$0x70];
	v11 =	vmul.f32 v24, v24;
	v13 =	vadd.f32 v13, v15;
	v16 =	vadd.f32 v24, v16  }
0xb4: {  	v34 =	vld [tilespmem:s1+$0x70];
	v33 =	vmul.f32 v26, v26;
	v12 =	vadd.f32 v30, v12;
	v10 =	vadd.f32 v26, v10  }
0xb5: {  	v35 =	vld [tilespmem:s31+$0x80];
	v18 =	vmul.f32 v28, v28;
	v11 =	vadd.f32 v11, v13;
	v16 =	vadd.f32 v28, v16  }
0xb6: {  	v37 =	vld [tilespmem:s1+$0x80];
	v36 =	vmul.f32 v29, v29;
	v12 =	vadd.f32 v33, v12;
	v10 =	vadd.f32 v29, v10  }
0xb7: {  	v38 =	vld [tilespmem:s31+$0x90];
	v20 =	vmul.f32 v31, v31;
	v11 =	vadd.f32 v18, v11;
	v16 =	vadd.f32 v31, v16  }
0xb8: {  	v39 =	vmul.f32 v32, v32;
	v12 =	vadd.f32 v36, v12;
	v10 =	vadd.f32 v32, v10;
	v40 =	vld [tilespmem:s1+$0x90]  }
0xb9: {  	v17 =	vmul.f32 v34, v34;
	v11 =	vadd.f32 v20, v11;
	v16 =	vadd.f32 v34, v16  }
0xba: {  	v41 =	vld [tilespmem:s1+$0xA0];
	v12 =	vadd.f32 v39, v12;
	v10 =	vadd.f32 v35, v10;
	v13 =	vmul.f32 v35, v35  }
0xbb: {  	v42 =	vmul.f32 v37, v37;
	v11 =	vadd.f32 v17, v11;
	v16 =	vadd.f32 v37, v16  }
0xbc: {  	v43 =	vmul.f32 v38, v38;
	v10 =	vadd.f32 v38, v10;
	v44 =	vld [tilespmem:s1+$0xB0];
	v12 =	vadd.f32 v13, v12  }
0xbd: {  	v45 =	vld [tilespmem:s31+$0xC0];
	v15 =	vmul.f32 v40, v40;
	v11 =	vadd.f32 v42, v11;
	v16 =	vadd.f32 v40, v16  }
0xbe: {  	v46 =	vmul.f32 v6, v6;
	v47 =	vadd.f32 v6, v10;
	v48 =	vld [tilespmem:s1+$0xC0];
	v12 =	vadd.f32 v43, v12  }
0xbf: {  	v49 =	vmul.f32 v41, v41;
	v11 =	vadd.f32 v15, v11;
	v14 =	vadd.f32 v41, v16  }
0xc0: {  	s18 =	sadd.s32 $0x1A, s8;
	v4 =	vadd.f32 v4, v47;
	v12 =	vadd.f32 v46, v12  }
0xc1: {  	s31 =	sadd.s32 $0xFFFFFFF0, s18;
	v50 =	vmul.f32 v44, v44;
	v11 =	vadd.f32 v49, v11;
	v51 =	vadd.f32 v44, v14  }
0xc2: {  	s25 =	sadd.s32 $0x1A, s9;
	s17 =	sand.u32 $0x1FF8, s18;
	s9 =	sand.u32 $0x6, s31;
	v4 =	vadd.f32 v45, v4;
	v52 =	vmul.f32 v45, v45;
	v5 =	vadd.f32 v5, v12  }
0xc3: {  	s9 =	sor.u32 s9, s17;
	s1 =	sadd.s32 $0x1A, s18;
	v10 =	vmul.f32 v48, v48;
	v6 =	vadd.f32 v50, v11;
	v53 =	vadd.f32 v48, v51  }
0xc4: {  	s18 =	sadd.s32 $0xFFFFFFF0, s1;
	v4 =	vmul.f32 v4, v4;
	v55 =	vld [tilespmem:s9+$0x1D400];
	v5 =	vadd.f32 v52, v5  }
0xc5: {  	s8 =	sadd.s32 $0x1A, s25;
	s1 =	sand.u32 $0x1FF8, s1;
	v54 =	vld [tilespmem:s25+$0x0];
	s25 =	sand.u32 $0x6, s18;
	v6 =	vadd.f32 v10, v6;
	v56 =	vmul.f32 v53, v53  }
0xc6: {  	v9 =	vmul.f32 $5.000000000e-01, v9;
	v57 =	vld [tilespmem:s8+$0x0];
	s1 =	sor.u32 s25, s1;
	v4 =	vsub.f32 v4, v5  }
0xc7: {  	v58 =	vld [tilespmem:s1+$0x1D400];
	v6 =	vsub.f32 v56, v6  }
0xc8: {  	v3 =	vadd.f32 v9, v3;
	v4 =	vmul.f32 $5.000000000e-01, v4  }
0xc9: {  	v8 =	vnsel vm1, $0x0, v8;
	v6 =	vmul.f32 $5.000000000e-01, v6  }
0xca: {  	v3 =	vadd.f32 v3, v8;
	v4 =	vadd.f32 v4, v54  }
0xcb: {  	v59 =	vnsel vm1, $0x0, v55;
	v5 =	vadd.f32 v6, v57  }
0xcc: {  	v3 =	vadd.f32 v3, v1;
	v60 =	vnsel vm1, $0x0, v58;
	v4 =	vadd.f32 v4, v59  }
0xcd: {  	v5 =	vadd.f32 v5, v60  }
0xce: {  	(xrf2) =	vadd.scan.msk.f32 $0xffff, v3;
	v3 =	vadd.f32 v4, v1  }
0xcf: {  	v61 =	vadd.f32 v5, v1  }
0xd0: {  	(xrf2) =	vadd.scan.msk.f32 $0xffff, v3  }
0xd1: {  	(xrf2) =	vadd.scan.msk.f32 $0xffff, v61;
	_ =	sdelay $0x6  }
0xd2: {  	v3, _, _ =	vpop (xrf2)  }
0xd3: {  	s31 =	sshll.u32 s10, $0x4;
	s10 =	sadd.s32 $0x1, s10;
	v3 =	vbroadcast v3, $0xF  }
0xd4: {  	vm2 =	veq.s32 v7, v0;
	p0 =	sne.s32 s10, $0x8;
	v62, _, _ =	vpop (xrf2)  }
.Ltmp4:
0xd5: {  	v2 =	vsel vm2, v3, v2;
	v3 =	vmov s11;
	v4 =	vbroadcast v62, $0xF;
	v63, _, _ =	vpop (xrf2);
	(pc) =	sbr.rel @p0 .LBB2_8-.Ltmp4, $4  }
0xd6: {  	vm2 =	veq.s32 v3, v0;
	v3 =	vmov s21;
	v5 =	vbroadcast v63, $0xF  }
0xd7: {  	v2 =	vsel vm2, v4, v2;
	vm2 =	veq.s32 v3, v0  }
0xd8: {  	s1 =	sand.u32 $0x3FFFFFF0, s31;
	v2 =	vsel vm2, v5, v2  }
0xd9: {  	s12 =	sadd.s32 $0x1A0, s12;
	s28 =	sadd.s32 $0x1A0, s28;
	s22 =	sadd.s32 $0x1A00, s22;
	[tilespmem:s1+$0x1EE20] =	vst v2  }
0xda: {  	[hbm4b:s6+s3] =	stream.linear.scatter [tilespmem:s16], [sflag:$0x3], $0x80, $0x38;
	[tilespmem:$0x1EEB0] =	vst v63  }
0xdb: {  	_ =	swait.ge [sflag:s13], $0x80  }
0xdc: {  	[sflag:s13] =	ssyncset.done $0x0  }
0xdd: {  	s1 =	simm.s32 $0x1A00;
	s7 =	simm.s32 $0x3400;
	[sflag:s13] =	ssyncadd.s32 $0xFFFFFF80  }
0xde: {  	[tilespmem:s7], [sflag:$0x1] =	stream.indirect.gather [hbm4b:s4+s14], $0x10, s1, s14, $0xb8;
	[tilespmem:$0x1EEB0] =	vst v63  }
0xdf: {  	s12 =	simm.s32 $0x1D400  }
0xe0: {  	[tilespmem:s12], [sflag:$0x1] =	stream.indirect.gather [hbm4b:s5+s14], $0x1, s1, s14, $0xb8;
	[tilespmem:$0x1EEB0] =	vst v63  }
0xe1: {  	s17 =	simm.s32 $0x1A80;
	s18 =	simm.s32 $0x3C00  }
0xe2: {  	[tilespmem:s18], [sflag:$0x1] =	stream.indirect.gather [hbm4b:s4+s14], $0x10, s17, s14, $0xb8;
	[tilespmem:$0x1EEB0] =	vst v63  }
0xe3: {  	s21 =	simm.s32 $0x1D480  }
0xe4: {  	[tilespmem:s21], [sflag:$0x1] =	stream.indirect.gather [hbm4b:s5+s14], $0x1, s17, s14, $0xb8;
	[tilespmem:$0x1EEB0] =	vst v63  }
0xe5: {  	s22 =	simm.s32 $0x1B00;
	s25 =	simm.s32 $0x4400  }
0xe6: {  	[tilespmem:s25], [sflag:$0x1] =	stream.indirect.gather [hbm4b:s4+s14], $0x10, s22, s14, $0xb8;
	[tilespmem:$0x1EEB0] =	vst v63  }
0xe7: {  	s28 =	simm.s32 $0x1D500  }
0xe8: {  	[tilespmem:s28], [sflag:$0x1] =	stream.indirect.gather [hbm4b:s5+s14], $0x1, s22, s14, $0xb8;
	[tilespmem:$0x1EEB0] =	vst v63  }
0xe9: {  	s31 =	simm.s32 $0x1B80;
	s8 =	simm.s32 $0x4C00  }
0xea: {  	[tilespmem:s8], [sflag:$0x1] =	stream.indirect.gather [hbm4b:s4+s14], $0x10, s31, s14, $0xb8;
	[tilespmem:$0x1EEB0] =	vst v63  }
0xeb: {  	s9 =	simm.s32 $0x1D580  }
0xec: {  	[tilespmem:s9], [sflag:$0x1] =	stream.indirect.gather [hbm4b:s5+s14], $0x1, s31, s14, $0xb8;
	[tilespmem:$0x1EEB0] =	vst v63  }
0xed: {  	s10 =	simm.s32 $0x1C00;
	s11 =	simm.s32 $0x5400  }
0xee: {  	[tilespmem:s11], [sflag:$0x1] =	stream.indirect.gather [hbm4b:s4+s14], $0x10, s10, s14, $0xb8;
	[tilespmem:$0x1EEB0] =	vst v63  }
0xef: {  	s12 =	simm.s32 $0x1D600  }
0xf0: {  	[tilespmem:s12], [sflag:$0x1] =	stream.indirect.gather [hbm4b:s5+s14], $0x1, s10, s14, $0xb8;
	[tilespmem:$0x1EEB0] =	vst v63  }
0xf1: {  	s18 =	simm.s32 $0x5C00;
	s17 =	simm.s32 $0x1C80  }
0xf2: {  	[tilespmem:s18], [sflag:$0x1] =	stream.indirect.gather [hbm4b:s4+s14], $0x10, s17, s14, $0xb8;
	[tilespmem:$0x1EEB0] =	vst v63  }
0xf3: {  	s21 =	simm.s32 $0x1D680  }
0xf4: {  	[tilespmem:s21], [sflag:$0x1] =	stream.indirect.gather [hbm4b:s5+s14], $0x1, s17, s14, $0xb8;
	[tilespmem:$0x1EEB0] =	vst v63  }
0xf5: {  	s25 =	simm.s32 $0x6400;
	s22 =	simm.s32 $0x1D00  }
0xf6: {  	[tilespmem:s25], [sflag:$0x1] =	stream.indirect.gather [hbm4b:s4+s14], $0x10, s22, s14, $0xb8;
	[tilespmem:$0x1EEB0] =	vst v63  }
0xf7: {  	s28 =	simm.s32 $0x1D700  }
0xf8: {  	[tilespmem:s28], [sflag:$0x1] =	stream.indirect.gather [hbm4b:s5+s14], $0x1, s22, s14, $0xb8;
	[tilespmem:$0x1EEB0] =	vst v63  }
0xf9: {  	s8 =	simm.s32 $0x6C00;
	s31 =	simm.s32 $0x1D80  }
0xfa: {  	[tilespmem:s8], [sflag:$0x1] =	stream.indirect.gather [hbm4b:s4+s14], $0x10, s31, s14, $0xb8;
	[tilespmem:$0x1EEB0] =	vst v63  }
0xfb: {  	s9 =	simm.s32 $0x1D780  }
0xfc: {  	[tilespmem:s9], [sflag:$0x1] =	stream.indirect.gather [hbm4b:s5+s14], $0x1, s31, s14, $0xb8;
	[tilespmem:$0x1EEB0] =	vst v63  }
0xfd: {  	s11 =	simm.s32 $0x7400;
	s10 =	simm.s32 $0x1E00  }
0xfe: {  	[tilespmem:s11], [sflag:$0x1] =	stream.indirect.gather [hbm4b:s4+s14], $0x10, s10, s14, $0xb8;
	[tilespmem:$0x1EEB0] =	vst v63  }
0xff: {  	s12 =	simm.s32 $0x1D800  }
0x100: {  	[tilespmem:s12], [sflag:$0x1] =	stream.indirect.gather [hbm4b:s5+s14], $0x1, s10, s14, $0xb8;
	[tilespmem:$0x1EEB0] =	vst v63  }
0x101: {  	s18 =	simm.s32 $0x7C00;
	s17 =	simm.s32 $0x1E80  }
0x102: {  	[tilespmem:s18], [sflag:$0x1] =	stream.indirect.gather [hbm4b:s4+s14], $0x10, s17, s14, $0xb8;
	[tilespmem:$0x1EEB0] =	vst v63  }
0x103: {  	s21 =	simm.s32 $0x1D880  }
0x104: {  	[tilespmem:s21], [sflag:$0x1] =	stream.indirect.gather [hbm4b:s5+s14], $0x1, s17, s14, $0xb8;
	[tilespmem:$0x1EEB0] =	vst v63  }
0x105: {  	s25 =	simm.s32 $0x8400;
	s22 =	simm.s32 $0x1F00  }
0x106: {  	[tilespmem:s25], [sflag:$0x1] =	stream.indirect.gather [hbm4b:s4+s14], $0x10, s22, s14, $0xb8;
	[tilespmem:$0x1EEB0] =	vst v63  }
0x107: {  	s28 =	simm.s32 $0x1D900  }
0x108: {  	[tilespmem:s28], [sflag:$0x1] =	stream.indirect.gather [hbm4b:s5+s14], $0x1, s22, s14, $0xb8;
	[tilespmem:$0x1EEB0] =	vst v63  }
0x109: {  	s8 =	simm.s32 $0x8C00;
	s31 =	simm.s32 $0x1F80  }
0x10a: {  	[tilespmem:s8], [sflag:$0x1] =	stream.indirect.gather [hbm4b:s4+s14], $0x10, s31, s14, $0xb8;
	[tilespmem:$0x1EEB0] =	vst v63  }
0x10b: {  	s9 =	simm.s32 $0x1D980  }
0x10c: {  	[tilespmem:s9], [sflag:$0x1] =	stream.indirect.gather [hbm4b:s5+s14], $0x1, s31, s14, $0xb8;
	[tilespmem:$0x1EEB0] =	vst v63  }
0x10d: {  	s11 =	simm.s32 $0x9400;
	s10 =	simm.s32 $0x2000  }
0x10e: {  	[tilespmem:s11], [sflag:$0x1] =	stream.indirect.gather [hbm4b:s4+s14], $0x10, s10, s14, $0xb8;
	[tilespmem:$0x1EEB0] =	vst v63  }
0x10f: {  	s12 =	simm.s32 $0x1DA00  }
0x110: {  	[tilespmem:s12], [sflag:$0x1] =	stream.indirect.gather [hbm4b:s5+s14], $0x1, s10, s14, $0xb8;
	[tilespmem:$0x1EEB0] =	vst v63  }
0x111: {  	s18 =	simm.s32 $0x9C00;
	s17 =	simm.s32 $0x2080  }
0x112: {  	[tilespmem:s18], [sflag:$0x1] =	stream.indirect.gather [hbm4b:s4+s14], $0x10, s17, s14, $0xb8;
	[tilespmem:$0x1EEB0] =	vst v63  }
0x113: {  	s21 =	simm.s32 $0x1DA80  }
0x114: {  	[tilespmem:s21], [sflag:$0x1] =	stream.indirect.gather [hbm4b:s5+s14], $0x1, s17, s14, $0xb8;
	[tilespmem:$0x1EEB0] =	vst v63  }
0x115: {  	s25 =	simm.s32 $0xA400;
	s22 =	simm.s32 $0x2100  }
0x116: {  	[tilespmem:s25], [sflag:$0x1] =	stream.indirect.gather [hbm4b:s4+s14], $0x10, s22, s14, $0xb8;
	[tilespmem:$0x1EEB0] =	vst v63  }
0x117: {  	s28 =	simm.s32 $0x1DB00  }
0x118: {  	[tilespmem:s28], [sflag:$0x1] =	stream.indirect.gather [hbm4b:s5+s14], $0x1, s22, s14, $0xb8;
	[tilespmem:$0x1EEB0] =	vst v63  }
0x119: {  	s8 =	simm.s32 $0xAC00;
	s31 =	simm.s32 $0x2180  }
0x11a: {  	[tilespmem:s8], [sflag:$0x1] =	stream.indirect.gather [hbm4b:s4+s14], $0x10, s31, s14, $0xb8;
	[tilespmem:$0x1EEB0] =	vst v63  }
0x11b: {  	s9 =	simm.s32 $0x1DB80  }
0x11c: {  	[tilespmem:s9], [sflag:$0x1] =	stream.indirect.gather [hbm4b:s5+s14], $0x1, s31, s14, $0xb8;
	[tilespmem:$0x1EEB0] =	vst v63  }
0x11d: {  	s11 =	simm.s32 $0xB400;
	s10 =	simm.s32 $0x2200  }
0x11e: {  	[tilespmem:s11], [sflag:$0x1] =	stream.indirect.gather [hbm4b:s4+s14], $0x10, s10, s14, $0xb8;
	[tilespmem:$0x1EEB0] =	vst v63  }
0x11f: {  	s12 =	simm.s32 $0x1DC00  }
0x120: {  	[tilespmem:s12], [sflag:$0x1] =	stream.indirect.gather [hbm4b:s5+s14], $0x1, s10, s14, $0xb8;
	[tilespmem:$0x1EEB0] =	vst v63  }
0x121: {  	s18 =	simm.s32 $0xBC00;
	s17 =	simm.s32 $0x2280  }
0x122: {  	[tilespmem:s18], [sflag:$0x1] =	stream.indirect.gather [hbm4b:s4+s14], $0x10, s17, s14, $0xb8;
	[tilespmem:$0x1EEB0] =	vst v63  }
0x123: {  	s21 =	simm.s32 $0x1DC80  }
0x124: {  	[tilespmem:s21], [sflag:$0x1] =	stream.indirect.gather [hbm4b:s5+s14], $0x1, s17, s14, $0xb8;
	[tilespmem:$0x1EEB0] =	vst v63  }
0x125: {  	s25 =	simm.s32 $0xC400;
	s22 =	simm.s32 $0x2300  }
0x126: {  	[tilespmem:s25], [sflag:$0x1] =	stream.indirect.gather [hbm4b:s4+s14], $0x10, s22, s14, $0xb8;
	[tilespmem:$0x1EEB0] =	vst v63  }
0x127: {  	s28 =	simm.s32 $0x1DD00  }
0x128: {  	[tilespmem:s28], [sflag:$0x1] =	stream.indirect.gather [hbm4b:s5+s14], $0x1, s22, s14, $0xb8;
	[tilespmem:$0x1EEB0] =	vst v63  }
0x129: {  	s31 =	simm.s32 $0xCC00  }
0x12a: {  	[tilespmem:s31], [sflag:$0x1] =	stream.indirect.gather [hbm4b:s4+s14], $0x10, s20, s14, $0xb8;
	[tilespmem:$0x1EEB0] =	vst v63  }
0x12b: {  	s7 =	simm.s32 $0x1DD80  }
0x12c: {  	[tilespmem:s7], [sflag:$0x1] =	stream.indirect.gather [hbm4b:s5+s14], $0x1, s20, s14, $0xb8;
	[tilespmem:$0x1EEB0] =	vst v63  }
0x12d: {  	s8 =	simm.s32 $0xD400  }
0x12e: {  	[tilespmem:s8], [sflag:$0x1] =	stream.indirect.gather [hbm4b:s4+s14], $0x10, s23, s14, $0xb8;
	[tilespmem:$0x1EEB0] =	vst v63  }
0x12f: {  	s9 =	simm.s32 $0x1DE00  }
0x130: {  	[tilespmem:s9], [sflag:$0x1] =	stream.indirect.gather [hbm4b:s5+s14], $0x1, s23, s14, $0xb8;
	[tilespmem:$0x1EEB0] =	vst v63  }
0x131: {  	s10 =	simm.s32 $0xDC00  }
0x132: {  	[tilespmem:s10], [sflag:$0x1] =	stream.indirect.gather [hbm4b:s4+s14], $0x10, s26, s14, $0xb8;
	[tilespmem:$0x1EEB0] =	vst v63  }
0x133: {  	s11 =	simm.s32 $0x1DE80  }
0x134: {  	[tilespmem:s11], [sflag:$0x1] =	stream.indirect.gather [hbm4b:s5+s14], $0x1, s26, s14, $0xb8;
	[tilespmem:$0x1EEB0] =	vst v63  }
0x135: {  	s12 =	simm.s32 $0xE400  }
0x136: {  	[tilespmem:s12], [sflag:$0x1] =	stream.indirect.gather [hbm4b:s4+s14], $0x10, s30, s14, $0xb8;
	[tilespmem:$0x1EEB0] =	vst v63  }
0x137: {  	s17 =	simm.s32 $0x1DF00  }
0x138: {  	[tilespmem:s17], [sflag:$0x1] =	stream.indirect.gather [hbm4b:s5+s14], $0x1, s30, s14, $0xb8;
	[tilespmem:$0x1EEB0] =	vst v63  }
0x139: {  	s18 =	simm.s32 $0xEC00  }
0x13a: {  	[tilespmem:s18], [sflag:$0x1] =	stream.indirect.gather [hbm4b:s4+s14], $0x10, s0, s14, $0xb8;
	[tilespmem:$0x1EEB0] =	vst v63  }
0x13b: {  	s21 =	simm.s32 $0x1DF80  }
0x13c: {  	[tilespmem:s21], [sflag:$0x1] =	stream.indirect.gather [hbm4b:s5+s14], $0x1, s0, s14, $0xb8;
	[tilespmem:$0x1EEB0] =	vst v63  }
0x13d: {  	s22 =	simm.s32 $0xF400  }
0x13e: {  	[tilespmem:s22], [sflag:$0x1] =	stream.indirect.gather [hbm4b:s4+s14], $0x10, s19, s14, $0xb8;
	[tilespmem:$0x1EEB0] =	vst v63  }
0x13f: {  	s25 =	simm.s32 $0x1E000  }
0x140: {  	[tilespmem:s25], [sflag:$0x1] =	stream.indirect.gather [hbm4b:s5+s14], $0x1, s19, s14, $0xb8;
	[tilespmem:$0x1EEB0] =	vst v63  }
0x141: {  	s28 =	simm.s32 $0xFC00  }
0x142: {  	[tilespmem:s28], [sflag:$0x1] =	stream.indirect.gather [hbm4b:s4+s14], $0x10, s24, s14, $0xb8;
	[tilespmem:$0x1EEB0] =	vst v63  }
0x143: {  	s31 =	simm.s32 $0x1E080  }
0x144: {  	[tilespmem:s31], [sflag:$0x1] =	stream.indirect.gather [hbm4b:s5+s14], $0x1, s24, s14, $0xb8;
	[tilespmem:$0x1EEB0] =	vst v63  }
0x145: {  	_ =	swait.ge [sflag:s29], $0x800  }
0x146: {  	[sflag:s29] =	ssyncset.done $0x0  }
0x147: {  	[sflag:s29] =	ssyncadd.s32 $0xFFFFF800  }
0x148: {  	_ =	swait.ge [sflag:s29], $0x80  }
0x149: {  	s1 =	simm.s32 $0x19;
	[sflag:s29] =	ssyncset.done $0x0  }
.LBB2_12:
0x14a: {  	p0 =	sne.s32 s1, $0x1;
	s1 =	sadd.s32 $0xFFFFFFFF, s1;
	[sflag:s29] =	ssyncadd.s32 $0xFFFFFF80  }
.Ltmp5:
0x14b: {  	_ =	swait.ge [sflag:s29], $0x800;
	(pc) =	sbr.rel @p0 .LBB2_12-.Ltmp5, $4  }
0x14c: {  	[sflag:s29] =	ssyncset.done $0x0  }
0x14d: {  	[sflag:s29] =	ssyncadd.s32 $0xFFFFF800  }
0x14e: {  	_ =	swait.ge [sflag:s29], $0x80  }
0x14f: {  	[sflag:s29] =	ssyncset.done $0x0  }
0x150: {  	[sflag:s29] =	ssyncadd.s32 $0xFFFFFF80;
	s7 =	simm.s32 $0x3400  }
0x151: {  	s22 =	simm.s32 $0x0;
	s8 =	simm.s32 $0x0;
	s9 =	simm.s32 $0x0  }
.LBB2_14:
0x152: {  	v2 =	vmov s7;
	_ =	sdelay $0x3  }
0x153: {  	s1 =	simm.s32 $0x0  }
0x154: {  	v3 =	vld.idx.msk [tilespmem:v2+s1+$0xD000 ss:$0x1], $0xffff  }
0x155: {  	v4 =	vld.idx.msk [tilespmem:v2+s1+$0xD010 ss:$0x1], $0xffff;
	_ =	sdelay $0x1  }
0x156: {  	v5 =	vld.idx.msk [tilespmem:v2+s1+$0xD020 ss:$0x1], $0xffff;
	_ =	sdelay $0x1  }
0x157: {  	v6 =	vld.idx.msk [tilespmem:v2+s1+$0xD030 ss:$0x1], $0xffff  }
0x158: {  	v7 =	vmul.f32 v3, v3;
	v3 =	vadd.f32 v4, v3;
	v4 =	vmul.f32 v4, v4  }
0x159: {  	v8 =	vld.idx.msk [tilespmem:v2+s1+$0xD040 ss:$0x1], $0xffff  }
0x15a: {  	v4 =	vadd.f32 v4, v7;
	v3 =	vadd.f32 v5, v3;
	v5 =	vmul.f32 v5, v5  }
0x15b: {  	v7 =	vld.idx.msk [tilespmem:v2+s1+$0xD050 ss:$0x1], $0xffff  }
0x15c: {  	v4 =	vadd.f32 v5, v4;
	v3 =	vadd.f32 v6, v3;
	v5 =	vmul.f32 v6, v6  }
0x15d: {  	v6 =	vld.idx.msk [tilespmem:v2+s1+$0xD060 ss:$0x1], $0xffff  }
0x15e: {  	v4 =	vadd.f32 v5, v4;
	v3 =	vadd.f32 v8, v3;
	v5 =	vmul.f32 v8, v8  }
0x15f: {  	v8 =	vld.idx.msk [tilespmem:v2+s1+$0xD070 ss:$0x1], $0xffff  }
0x160: {  	v4 =	vadd.f32 v5, v4;
	v3 =	vadd.f32 v7, v3;
	v5 =	vmul.f32 v7, v7  }
0x161: {  	v7 =	vld.idx.msk [tilespmem:v2+s1+$0xD080 ss:$0x1], $0xffff  }
0x162: {  	v4 =	vadd.f32 v5, v4;
	v3 =	vadd.f32 v6, v3;
	v5 =	vmul.f32 v6, v6  }
0x163: {  	v6 =	vld.idx.msk [tilespmem:v2+s1+$0xD090 ss:$0x1], $0xffff  }
0x164: {  	v4 =	vadd.f32 v5, v4;
	v3 =	vadd.f32 v8, v3;
	v5 =	vmul.f32 v8, v8  }
0x165: {  	v8 =	vld.idx.msk [tilespmem:v2+s1+$0xD0A0 ss:$0x1], $0xffff  }
0x166: {  	v4 =	vadd.f32 v5, v4;
	v3 =	vadd.f32 v7, v3;
	v5 =	vmul.f32 v7, v7  }
0x167: {  	v7 =	vld.idx.msk [tilespmem:v2+s1+$0xD0B0 ss:$0x1], $0xffff  }
0x168: {  	v4 =	vadd.f32 v5, v4;
	v3 =	vadd.f32 v6, v3;
	v5 =	vmul.f32 v6, v6  }
0x169: {  	v6 =	vld.idx.msk [tilespmem:v2+s1+$0xD0C0 ss:$0x1], $0xffff  }
0x16a: {  	v4 =	vadd.f32 v5, v4;
	v3 =	vadd.f32 v8, v3;
	v5 =	vmul.f32 v8, v8  }
0x16b: {  	v8 =	vld.idx.msk [tilespmem:v2+s1+$0xD0D0 ss:$0x1], $0xffff  }
0x16c: {  	v9 =	vld.idx.msk [tilespmem:v2+s1+$0xD180 ss:$0x1], $0xffff;
	v4 =	vadd.f32 v5, v4;
	v3 =	vadd.f32 v7, v3;
	v5 =	vmul.f32 v7, v7  }
0x16d: {  	v7 =	vld.idx.msk [tilespmem:v2+s1+$0xD0E0 ss:$0x1], $0xffff  }
0x16e: {  	s10 =	simm.s32 $0x1A0;
	v12 =	vld.idx.msk [tilespmem:v2+s1+$0xD0F0 ss:$0x1], $0xffff;
	v4 =	vadd.f32 v5, v4;
	v3 =	vadd.f32 v6, v3;
	v5 =	vmul.f32 v6, v6  }
0x16f: {  	v13 =	vld.idx.msk [tilespmem:v2+s10+$0xD010 ss:$0x1], $0xffff  }
0x170: {  	v6 =	vld.idx.msk [tilespmem:v2+s10+$0xD000 ss:$0x1], $0xffff;
	v4 =	vadd.f32 v5, v4;
	v3 =	vadd.f32 v8, v3;
	v5 =	vmul.f32 v8, v8  }
0x171: {  	v8 =	vld.idx.msk [tilespmem:v2+s1+$0xD100 ss:$0x1], $0xffff  }
0x172: {  	v14 =	vld.idx.msk [tilespmem:v2+s10+$0xD020 ss:$0x1], $0xffff;
	v15 =	vmul.f32 v7, v7;
	v4 =	vadd.f32 v5, v4;
	v5 =	vadd.f32 v7, v3  }
0x173: {  	v7 =	vld.idx.msk [tilespmem:v2+s1+$0xD110 ss:$0x1], $0xffff  }
0x174: {  	v17 =	vld.idx.msk [tilespmem:v2+s10+$0xD030 ss:$0x1], $0xffff;
	v16 =	vmul.f32 v12, v12;
	v4 =	vadd.f32 v15, v4;
	v5 =	vadd.f32 v12, v5  }
0x175: {  	v12 =	vmul.f32 v6, v6;
	v6 =	vadd.f32 v13, v6;
	v13 =	vmul.f32 v13, v13;
	v15 =	vld.idx.msk [tilespmem:v2+s1+$0xD120 ss:$0x1], $0xffff  }
0x176: {  	v18 =	vld.idx.msk [tilespmem:v2+s10+$0xD040 ss:$0x1], $0xffff;
	v4 =	vadd.f32 v16, v4;
	v5 =	vadd.f32 v8, v5;
	v8 =	vmul.f32 v8, v8  }
0x177: {  	v12 =	vadd.f32 v13, v12;
	v13 =	vld.idx.msk [tilespmem:v2+s1+$0xD130 ss:$0x1], $0xffff;
	v6 =	vadd.f32 v14, v6;
	v14 =	vmul.f32 v14, v14  }
0x178: {  	v16 =	vld.idx.msk [tilespmem:v2+s10+$0xD050 ss:$0x1], $0xffff;
	v4 =	vadd.f32 v8, v4;
	v5 =	vadd.f32 v7, v5;
	v7 =	vmul.f32 v7, v7  }
0x179: {  	v11 =	vld.idx.msk [tilespmem:v2+s1+$0xD140 ss:$0x1], $0xffff;
	v12 =	vadd.f32 v14, v12;
	v6 =	vadd.f32 v17, v6;
	v14 =	vmul.f32 v17, v17  }
0x17a: {  	v8 =	vld.idx.msk [tilespmem:v2+s10+$0xD060 ss:$0x1], $0xffff;
	v4 =	vadd.f32 v7, v4;
	v5 =	vadd.f32 v15, v5;
	v7 =	vmul.f32 v15, v15  }
0x17b: {  	v15 =	vld.idx.msk [tilespmem:v2+s1+$0xD150 ss:$0x1], $0xffff;
	v12 =	vadd.f32 v14, v12;
	v6 =	vadd.f32 v18, v6;
	v14 =	vmul.f32 v18, v18  }
0x17c: {  	v17 =	vld.idx.msk [tilespmem:v2+s10+$0xD070 ss:$0x1], $0xffff;
	v4 =	vadd.f32 v7, v4;
	v5 =	vadd.f32 v13, v5;
	v7 =	vmul.f32 v13, v13  }
0x17d: {  	v13 =	vld.idx.msk [tilespmem:v2+s1+$0xD160 ss:$0x1], $0xffff;
	v12 =	vadd.f32 v14, v12;
	v6 =	vadd.f32 v16, v6;
	v14 =	vmul.f32 v16, v16  }
0x17e: {  	v16 =	vld.idx.msk [tilespmem:v2+s10+$0xD080 ss:$0x1], $0xffff;
	v7 =	vadd.f32 v7, v4;
	v5 =	vadd.f32 v11, v5;
	v11 =	vmul.f32 v11, v11  }
0x17f: {  	v10 =	vld.idx.msk [tilespmem:v2+s1+$0xD170 ss:$0x1], $0xffff;
	v12 =	vadd.f32 v14, v12;
	v6 =	vadd.f32 v8, v6;
	v8 =	vmul.f32 v8, v8  }
0x180: {  	v14 =	vld.idx.msk [tilespmem:v2+s10+$0xD090 ss:$0x1], $0xffff;
	v7 =	vadd.f32 v11, v7;
	v11 =	vadd.f32 v15, v5;
	v15 =	vmul.f32 v15, v15  }
0x181: {  	v21 =	vld.idx.msk [tilespmem:v2+s10+$0xD0C0 ss:$0x1], $0xffff;
	v8 =	vadd.f32 v8, v12;
	v6 =	vadd.f32 v17, v6;
	v12 =	vmul.f32 v17, v17  }
0x182: {  	v17 =	vld.idx.msk [tilespmem:v2+s10+$0xD0A0 ss:$0x1], $0xffff;
	v7 =	vadd.f32 v15, v7;
	v11 =	vadd.f32 v13, v11  }
0x183: {  	v18 =	vld.idx.msk [tilespmem:v2+s1+$0xD190 ss:$0x1], $0xffff;
	v8 =	vadd.f32 v12, v8;
	v12 =	vadd.f32 v16, v6;
	v15 =	vmul.f32 v16, v16  }
0x184: {  	v19 =	vmul.f32 v10, v10;
	v4 =	vld.idx.msk [tilespmem:v2+s10+$0xD180 ss:$0x1], $0xffff;
	v13 =	vmul.f32 v13, v13;
	v10 =	vadd.f32 v10, v11  }
0x185: {  	v5 =	vld.idx.msk [tilespmem:v2+s10+$0xD170 ss:$0x1], $0xffff;
	v8 =	vadd.f32 v15, v8;
	v11 =	vadd.f32 v14, v12;
	v12 =	vmul.f32 v14, v14  }
0x186: {  	v20 =	vmul.f32 v9, v9;
	v16 =	vld.idx.msk [tilespmem:v2+s10+$0xD0B0 ss:$0x1], $0xffff;
	v7 =	vadd.f32 v13, v7;
	v9 =	vadd.f32 v9, v10  }
0x187: {  	v6 =	vld.idx.msk [tilespmem:v2+s10+$0xD140 ss:$0x1], $0xffff;
	v8 =	vadd.f32 v12, v8;
	v10 =	vadd.f32 v17, v11;
	v11 =	vmul.f32 v17, v17  }
0x188: {  	v13 =	vld.idx.msk [tilespmem:v2+s10+$0xD0F0 ss:$0x1], $0xffff;
	v7 =	vadd.f32 v19, v7  }
0x189: {  	v15 =	vld.idx.msk [tilespmem:v2+s10+$0xD0D0 ss:$0x1], $0xffff;
	v9 =	vadd.f32 v18, v9;
	v8 =	vadd.f32 v11, v8  }
0x18a: {  	s12 =	simm.s32 $0x340;
	v14 =	vld.idx.msk [tilespmem:v2+s10+$0xD0E0 ss:$0x1], $0xffff;
	v12 =	vmul.f32 v18, v18;
	v7 =	vadd.f32 v20, v7  }
0x18b: {  	s31 =	sadd.s32 $0x10, s8;
	s11 =	sand.u32 $0x6, s8;
	v3 =	vimm.f32 $0.0e+00;
	v18 =	vld.idx.msk [tilespmem:v2+s12+$0xD000 ss:$0x1], $0xffff;
	v10 =	vadd.f32 v16, v10;
	v16 =	vmul.f32 v16, v16  }
0x18c: {  	s17 =	sand.u32 $0xFFE, s8;
	s21 =	simm.s32 $0x1380;
	s1 =	sand.u32 $0x1FF8, s31;
	v19 =	vmul.f32 v21, v21;
	v20 =	vld.idx.msk [tilespmem:v2+s12+$0xD010 ss:$0x1], $0xffff;
	v11 =	vadd.f32 v12, v7;
	v12 =	vmul.f32 v9, v9  }
0x18d: {  	s25 =	sor.u32 s11, s1;
	s1 =	smov.u32 s8;
	s11 =	simm.s32 $0x0;
	v7 =	vmov s22;
	v16 =	vadd.f32 v16, v8;
	v17 =	vadd.f32 v21, v10;
	v10 =	vld [tilespmem:s17+$0x1E110];
	v9 =	vmovc v4;
	v8 =	vmovc v5  }
.LBB2_15:
0x18e: {  	p0 =	sne.s32 s21, $0x6180;
	v21 =	vmul.f32 v13, v13;
	v22 =	vmul.f32 v9, v4;
	v9 =	vld [tilespmem:s25+$0x1E110];
	v11 =	vsub.f32 v12, v11  }
0x18f: {  	v12 =	vadd.f32 v19, v16;
	v16 =	vadd.f32 v15, v17;
	v15 =	vmul.f32 v15, v15;
	v17 =	vld.idx.msk [tilespmem:v2+s10+$0xD100 ss:$0x1], $0xffff  }
0x190: {  	vm2 =	veq.s32 v7, v0;
	v23 =	vmul.f32 v14, v14;
	v19 =	vld.idx.msk [tilespmem:v2+s12+$0xD020 ss:$0x1], $0xffff;
	v11 =	vmul.f32 $5.000000000e-01, v11  }
0x191: {  	v7 =	vmul.f32 v18, v18;
	v12 =	vadd.f32 v15, v12;
	v14 =	vadd.f32 v14, v16;
	v15 =	vld.idx.msk [tilespmem:v2+s10+$0xD110 ss:$0x1], $0xffff  }
0x192: {  	v16 =	vadd.f32 v20, v18;
	v18 =	vmul.f32 v20, v20;
	v20 =	vld.idx.msk [tilespmem:v2+s12+$0xD030 ss:$0x1], $0xffff;
	v10 =	vadd.f32 v11, v10  }
0x193: {  	v11 =	vadd.f32 v23, v12;
	v12 =	vadd.f32 v13, v14;
	v13 =	vld.idx.msk [tilespmem:v2+s10+$0xD120 ss:$0x1], $0xffff;
	v9 =	vnsel vm1, $0x0, v9  }
0x194: {  	v7 =	vadd.f32 v18, v7;
	v18 =	vmul.f32 v8, v5;
	v14 =	vld.idx.msk [tilespmem:v2+s12+$0xD040 ss:$0x1], $0xffff;
	v8 =	vadd.f32 v10, v9  }
0x195: {  	v9 =	vadd.f32 v21, v11;
	v10 =	vadd.f32 v17, v12;
	v11 =	vmul.f32 v17, v17;
	v12 =	vld.idx.msk [tilespmem:v2+s10+$0xD130 ss:$0x1], $0xffff  }
0x196: {  	v16 =	vadd.f32 v19, v16;
	v17 =	vmul.f32 v19, v19;
	v19 =	vld.idx.msk [tilespmem:v2+s12+$0xD050 ss:$0x1], $0xffff;
	v8 =	vadd.f32 v8, v1  }
0x197: {  	v21 =	vld.idx.msk [tilespmem:v2+s12+$0xD060 ss:$0x1], $0xffff;
	v9 =	vadd.f32 v11, v9;
	v10 =	vadd.f32 v15, v10;
	v11 =	vmul.f32 v15, v15  }
0x198: {  	v7 =	vadd.f32 v17, v7;
	v15 =	vadd.f32 v20, v16;
	v16 =	vmul.f32 v20, v20;
	(xrf2) =	vadd.scan.msk.f32 $0xffff, v8  }
0x199: {  	v8 =	vadd.f32 v11, v9;
	v9 =	vadd.f32 v13, v10;
	v10 =	vmul.f32 v13, v13;
	v11 =	vld.idx.msk [tilespmem:v2+s10+$0xD150 ss:$0x1], $0xffff  }
0x19a: {  	v7 =	vadd.f32 v16, v7;
	v13 =	vadd.f32 v14, v15;
	v14 =	vmul.f32 v14, v14;
	v15 =	vld.idx.msk [tilespmem:v2+s12+$0xD070 ss:$0x1], $0xffff  }
0x19b: {  	v8 =	vadd.f32 v10, v8;
	v9 =	vadd.f32 v12, v9;
	v10 =	vmul.f32 v12, v12;
	v12 =	vld.idx.msk [tilespmem:v2+s10+$0xD160 ss:$0x1], $0xffff  }
0x19c: {  	v7 =	vadd.f32 v14, v7;
	v13 =	vadd.f32 v19, v13;
	v14 =	vmul.f32 v19, v19;
	v16 =	vld.idx.msk [tilespmem:v2+s12+$0xD080 ss:$0x1], $0xffff  }
0x19d: {  	v8 =	vadd.f32 v10, v8;
	v10 =	vadd.f32 v6, v9;
	v6 =	vmul.f32 v6, v6;
	v17 =	vld.idx.msk [tilespmem:v2+s10+$0xD190 ss:$0x1], $0xffff;
	s10 =	smov.u32 s12  }
0x19e: {  	v7 =	vadd.f32 v14, v7;
	v13 =	vadd.f32 v21, v13;
	v14 =	vmul.f32 v21, v21;
	v19 =	vld.idx.msk [tilespmem:v2+s10+$0xD090 ss:$0x1], $0xffff  }
0x19f: {  	v9 =	vld.idx.msk [tilespmem:v2+s10+$0xD180 ss:$0x1], $0xffff;
	v6 =	vadd.f32 v6, v8;
	v10 =	vadd.f32 v11, v10;
	v11 =	vmul.f32 v11, v11  }
0x1a0: {  	v7 =	vadd.f32 v14, v7;
	v13 =	vadd.f32 v15, v13;
	v14 =	vmul.f32 v15, v15;
	v15 =	vld.idx.msk [tilespmem:v2+s10+$0xD0A0 ss:$0x1], $0xffff  }
0x1a1: {  	v8 =	vld.idx.msk [tilespmem:v2+s10+$0xD170 ss:$0x1], $0xffff;
	v11 =	vadd.f32 v11, v6;
	v10 =	vadd.f32 v12, v10;
	v12 =	vmul.f32 v12, v12  }
0x1a2: {  	v7 =	vadd.f32 v14, v7;
	v13 =	vadd.f32 v16, v13;
	v14 =	vmul.f32 v16, v16;
	v16 =	vld.idx.msk [tilespmem:v2+s10+$0xD0B0 ss:$0x1], $0xffff;
	v20, _, _ =	vpop (xrf2)  }
0x1a3: {  	v6 =	vld.idx.msk [tilespmem:v2+s10+$0xD140 ss:$0x1], $0xffff;
	v11 =	vadd.f32 v12, v11;
	v5 =	vadd.f32 v5, v10;
	v10 =	vbroadcast v20, $0xF  }
0x1a4: {  	v7 =	vadd.f32 v14, v7;
	v12 =	vadd.f32 v19, v13;
	v14 =	vmul.f32 v19, v19;
	v19 =	vld.idx.msk [tilespmem:v2+s10+$0xD0C0 ss:$0x1], $0xffff  }
0x1a5: {  	v13 =	vld.idx.msk [tilespmem:v2+s10+$0xD0F0 ss:$0x1], $0xffff;
	v11 =	vadd.f32 v18, v11;
	v4 =	vadd.f32 v4, v5;
	v3 =	vsel vm2, v10, v3  }
.Ltmp6:
0x1a6: {  	v23 =	vadd.f32 v14, v7;
	v7 =	vadd.f32 v15, v12;
	v10 =	vmul.f32 v15, v15;
	v15 =	vld.idx.msk [tilespmem:v2+s10+$0xD0D0 ss:$0x1], $0xffff;
	(pc) =	sbr.rel @p0 .LBB2_15-.Ltmp6, $4  }
0x1a7: {  	s1 =	sadd.s32 $0x1A, s1;
	s12 =	sshra.s32 s21, $0x2;
	v12 =	vmul.f32 v17, v17;
	v14 =	vld.idx.msk [tilespmem:v2+s10+$0xD0E0 ss:$0x1], $0xffff;
	v11 =	vadd.f32 v22, v11;
	v21 =	vadd.f32 v17, v4  }
0x1a8: {  	s11 =	sadd.s32 $0x1, s11;
	s17 =	sadd.s32 $0x10, s1;
	v10 =	vadd.f32 v10, v23;
	v17 =	vadd.f32 v16, v7;
	v16 =	vmul.f32 v16, v16;
	v18 =	vld.idx.msk [tilespmem:v2+s12+$0xD000 ss:$0x1], $0xffff  }
0x1a9: {  	s18 =	sand.u32 $0x6, s1;
	s25 =	sand.u32 $0xFFE, s1;
	s17 =	sand.u32 $0x1FF8, s17;
	v7 =	vmov s11;
	v5 =	vmovc v8;
	v20 =	vld.idx.msk [tilespmem:v2+s12+$0xD010 ss:$0x1], $0xffff;
	v11 =	vadd.f32 v12, v11;
	v12 =	vmul.f32 v21, v21;
	v4 =	vmovc v9  }
0x1aa: {  	s21 =	sadd.s32 $0x680, s21;
	v16 =	vadd.f32 v16, v10;
	v17 =	vadd.f32 v19, v17;
	v19 =	vmul.f32 v19, v19;
	v10 =	vld [tilespmem:s25+$0x1E110];
	s25 =	sor.u32 s18, s17  }
0x1ab: {  	_ =	sdelay $0x3  }
0x1ac: {  	v21 =	vld.idx.msk [tilespmem:v2+s12+$0xD020 ss:$0x1], $0xffff;
	_ =	sdelay $0x1  }
0x1ad: {  	v22 =	vld.idx.msk [tilespmem:v2+s12+$0xD030 ss:$0x1], $0xffff  }
0x1ae: {  	v23 =	vmul.f32 v18, v18;
	v62 =	vadd.f32 v20, v18;
	v63 =	vmul.f32 v20, v20  }
0x1af: {  	v24 =	vld.idx.msk [tilespmem:v2+s12+$0xD040 ss:$0x1], $0xffff  }
0x1b0: {  	v20 =	vadd.f32 v63, v23;
	v18 =	vadd.f32 v21, v62;
	v21 =	vmul.f32 v21, v21  }
0x1b1: {  	v28 =	vld.idx.msk [tilespmem:v2+s12+$0xD050 ss:$0x1], $0xffff  }
0x1b2: {  	v29 =	vmul.f32 v22, v22;
	v20 =	vadd.f32 v21, v20;
	v18 =	vadd.f32 v22, v18  }
0x1b3: {  	v30 =	vld.idx.msk [tilespmem:v2+s12+$0xD060 ss:$0x1], $0xffff  }
0x1b4: {  	v31 =	vmul.f32 v24, v24;
	v20 =	vadd.f32 v29, v20;
	v18 =	vadd.f32 v24, v18  }
0x1b5: {  	v32 =	vld.idx.msk [tilespmem:v2+s12+$0xD070 ss:$0x1], $0xffff  }
0x1b6: {  	v33 =	vmul.f32 v28, v28;
	v20 =	vadd.f32 v31, v20;
	v18 =	vadd.f32 v28, v18  }
0x1b7: {  	v34 =	vld.idx.msk [tilespmem:v2+s12+$0xD080 ss:$0x1], $0xffff  }
0x1b8: {  	v35 =	vmul.f32 v30, v30;
	v20 =	vadd.f32 v33, v20;
	v18 =	vadd.f32 v30, v18  }
0x1b9: {  	v36 =	vld.idx.msk [tilespmem:v2+s12+$0xD090 ss:$0x1], $0xffff  }
0x1ba: {  	v37 =	vmul.f32 v32, v32;
	v20 =	vadd.f32 v35, v20;
	v18 =	vadd.f32 v32, v18  }
0x1bb: {  	v38 =	vld.idx.msk [tilespmem:v2+s12+$0xD0A0 ss:$0x1], $0xffff  }
0x1bc: {  	v39 =	vmul.f32 v34, v34;
	v20 =	vadd.f32 v37, v20;
	v18 =	vadd.f32 v34, v18  }
0x1bd: {  	v40 =	vld.idx.msk [tilespmem:v2+s12+$0xD0B0 ss:$0x1], $0xffff  }
0x1be: {  	v41 =	vmul.f32 v36, v36;
	v20 =	vadd.f32 v39, v20;
	v18 =	vadd.f32 v36, v18  }
0x1bf: {  	v42 =	vld.idx.msk [tilespmem:v2+s12+$0xD0C0 ss:$0x1], $0xffff  }
0x1c0: {  	v43 =	vmul.f32 v38, v38;
	v20 =	vadd.f32 v41, v20;
	v18 =	vadd.f32 v38, v18  }
0x1c1: {  	v44 =	vld.idx.msk [tilespmem:v2+s12+$0xD0D0 ss:$0x1], $0xffff  }
0x1c2: {  	v45 =	vmul.f32 v40, v40;
	v20 =	vadd.f32 v43, v20;
	v18 =	vadd.f32 v40, v18  }
0x1c3: {  	v46 =	vld.idx.msk [tilespmem:v2+s12+$0xD0E0 ss:$0x1], $0xffff  }
0x1c4: {  	v47 =	vmul.f32 v42, v42;
	v20 =	vadd.f32 v45, v20;
	v18 =	vadd.f32 v42, v18  }
0x1c5: {  	v48 =	vmul.f32 v15, v15;
	v49 =	vld.idx.msk [tilespmem:v2+s12+$0xD0F0 ss:$0x1], $0xffff;
	v16 =	vadd.f32 v19, v16;
	v17 =	vadd.f32 v15, v17  }
0x1c6: {  	v50 =	vld.idx.msk [tilespmem:v2+s10+$0xD100 ss:$0x1], $0xffff;
	v51 =	vmul.f32 v44, v44;
	v20 =	vadd.f32 v47, v20;
	v18 =	vadd.f32 v44, v18  }
0x1c7: {  	v54 =	vld.idx.msk [tilespmem:v2+s12+$0xD100 ss:$0x1], $0xffff;
	v52 =	vmul.f32 v14, v14;
	v15 =	vadd.f32 v48, v16;
	v53 =	vadd.f32 v14, v17  }
0x1c8: {  	v55 =	vld.idx.msk [tilespmem:v2+s10+$0xD110 ss:$0x1], $0xffff;
	v23 =	vmul.f32 v46, v46;
	v20 =	vadd.f32 v51, v20;
	v18 =	vadd.f32 v46, v18  }
0x1c9: {  	v56 =	vmul.f32 v13, v13;
	v58 =	vld.idx.msk [tilespmem:v2+s12+$0xD110 ss:$0x1], $0xffff;
	v15 =	vadd.f32 v52, v15;
	v57 =	vadd.f32 v13, v53  }
0x1ca: {  	v59 =	vld.idx.msk [tilespmem:v2+s10+$0xD120 ss:$0x1], $0xffff;
	v19 =	vmul.f32 v49, v49;
	v20 =	vadd.f32 v23, v20;
	v18 =	vadd.f32 v49, v18  }
0x1cb: {  	v61 =	vld.idx.msk [tilespmem:v2+s12+$0xD120 ss:$0x1], $0xffff;
	v60 =	vmul.f32 v50, v50;
	v15 =	vadd.f32 v56, v15;
	v13 =	vadd.f32 v50, v57  }
0x1cc: {  	v62 =	vld.idx.msk [tilespmem:v2+s10+$0xD130 ss:$0x1], $0xffff;
	v17 =	vmul.f32 v54, v54;
	v19 =	vadd.f32 v19, v20;
	v18 =	vadd.f32 v54, v18  }
0x1cd: {  	v63 =	vmul.f32 v55, v55;
	v15 =	vadd.f32 v60, v15;
	v13 =	vadd.f32 v55, v13;
	v24 =	vld.idx.msk [tilespmem:v2+s12+$0xD130 ss:$0x1], $0xffff  }
0x1ce: {  	v14 =	vmul.f32 v58, v58;
	v17 =	vadd.f32 v17, v19;
	v18 =	vadd.f32 v58, v18  }
0x1cf: {  	v26 =	vld.idx.msk [tilespmem:v2+s12+$0xD140 ss:$0x1], $0xffff;
	v25 =	vmul.f32 v59, v59;
	v15 =	vadd.f32 v63, v15;
	v13 =	vadd.f32 v59, v13  }
0x1d0: {  	v27 =	vld.idx.msk [tilespmem:v2+s10+$0xD150 ss:$0x1], $0xffff;
	v29 =	vmul.f32 v61, v61;
	v14 =	vadd.f32 v14, v17;
	v28 =	vadd.f32 v61, v18  }
0x1d1: {  	v31 =	vld.idx.msk [tilespmem:v2+s12+$0xD150 ss:$0x1], $0xffff;
	v15 =	vadd.f32 v25, v15;
	v13 =	vadd.f32 v62, v13;
	v30 =	vmul.f32 v62, v62  }
0x1d2: {  	v33 =	vmul.f32 v24, v24;
	v32 =	vld.idx.msk [tilespmem:v2+s10+$0xD160 ss:$0x1], $0xffff;
	v14 =	vadd.f32 v29, v14;
	v17 =	vadd.f32 v24, v28  }
0x1d3: {  	v15 =	vadd.f32 v30, v15;
	v13 =	vadd.f32 v6, v13;
	v35 =	vld.idx.msk [tilespmem:v2+s12+$0xD160 ss:$0x1], $0xffff;
	v34 =	vmul.f32 v6, v6  }
0x1d4: {  	v36 =	vmul.f32 v26, v26;
	v14 =	vadd.f32 v33, v14;
	v17 =	vadd.f32 v26, v17  }
0x1d5: {  	v13 =	vadd.f32 v27, v13;
	v37 =	vmul.f32 v27, v27;
	v6 =	vadd.f32 v34, v15;
	v38 =	vld.idx.msk [tilespmem:v2+s12+$0xD170 ss:$0x1], $0xffff  }
0x1d6: {  	v39 =	vmul.f32 v31, v31;
	v14 =	vadd.f32 v36, v14;
	v17 =	vadd.f32 v31, v17  }
0x1d7: {  	v13 =	vadd.f32 v32, v13;
	v6 =	vadd.f32 v37, v6;
	v41 =	vmul.f32 v32, v32;
	v40 =	vld.idx.msk [tilespmem:v2+s12+$0xD180 ss:$0x1], $0xffff  }
0x1d8: {  	v16 =	vmul.f32 v35, v35;
	v42 =	vld.idx.msk [tilespmem:v2+s10+$0xD190 ss:$0x1], $0xffff;
	v14 =	vadd.f32 v39, v14;
	v17 =	vadd.f32 v35, v17  }
0x1d9: {  	v8 =	vmul.f32 v8, v5;
	v6 =	vadd.f32 v41, v6;
	v43 =	vadd.f32 v5, v13;
	v2 =	vld.idx.msk [tilespmem:v2+s12+$0xD190 ss:$0x1], $0xffff  }
0x1da: {  	v44 =	vmul.f32 v38, v38;
	v14 =	vadd.f32 v16, v14;
	v45 =	vadd.f32 v38, v17  }
0x1db: {  	v9 =	vmul.f32 v9, v4;
	s1 =	sadd.s32 $0x1A, s1;
	v6 =	vadd.f32 v8, v6;
	v46 =	vadd.f32 v4, v43  }
0x1dc: {  	s28 =	sadd.s32 $0x10, s1;
	v47 =	vmul.f32 v40, v40;
	v48 =	vadd.f32 v44, v14;
	v49 =	vadd.f32 v40, v45  }
0x1dd: {  	s31 =	sand.u32 $0x6, s1;
	s17 =	sand.u32 $0xFFE, s1;
	s1 =	sadd.s32 $0x1A, s1;
	v6 =	vadd.f32 v9, v6;
	v50 =	vmul.f32 v42, v42;
	v4 =	vadd.f32 v42, v46  }
0x1de: {  	s18 =	sadd.s32 $0x10, s1;
	v53 =	vld [tilespmem:s17+$0x1E110];
	v5 =	vadd.f32 v47, v48;
	v52 =	vadd.f32 v2, v49;
	v2 =	vmul.f32 v2, v2  }
0x1df: {  	v11 =	vsub.f32 v12, v11;
	s21 =	sand.u32 $0x6, s1;
	s1 =	sand.u32 $0xFFE, s1;
	s10 =	sand.u32 $0x1FF8, s28;
	v51 =	vld [tilespmem:s25+$0x1E110];
	v6 =	vadd.f32 v50, v6;
	v4 =	vmul.f32 v4, v4  }
0x1e0: {  	v57 =	vld [tilespmem:s1+$0x1E110];
	s12 =	sand.u32 $0x1FF8, s18;
	s10 =	sor.u32 s31, s10;
	v2 =	vadd.f32 v2, v5;
	v55 =	vmul.f32 v52, v52  }
0x1e1: {  	v56 =	vmul.f32 $5.000000000e-01, v11;
	s25 =	sor.u32 s21, s12;
	v54 =	vld [tilespmem:s10+$0x1E110];
	v4 =	vsub.f32 v4, v6  }
0x1e2: {  	v58 =	vld [tilespmem:s25+$0x1E110];
	v2 =	vsub.f32 v55, v2  }
0x1e3: {  	v59 =	vadd.f32 v56, v10;
	v4 =	vmul.f32 $5.000000000e-01, v4  }
0x1e4: {  	v60 =	vnsel vm1, $0x0, v51;
	v2 =	vmul.f32 $5.000000000e-01, v2  }
0x1e5: {  	v4 =	vadd.f32 v4, v53;
	v5 =	vadd.f32 v59, v60  }
0x1e6: {  	v61 =	vnsel vm1, $0x0, v54;
	v2 =	vadd.f32 v2, v57  }
0x1e7: {  	v62 =	vnsel vm1, $0x0, v58;
	v4 =	vadd.f32 v4, v61;
	v5 =	vadd.f32 v5, v1  }
0x1e8: {  	v2 =	vadd.f32 v2, v62  }
0x1e9: {  	v4 =	vadd.f32 v4, v1;
	(xrf2) =	vadd.scan.msk.f32 $0xffff, v5  }
0x1ea: {  	v2 =	vadd.f32 v2, v1  }
0x1eb: {  	(xrf2) =	vadd.scan.msk.f32 $0xffff, v4  }
0x1ec: {  	(xrf2) =	vadd.scan.msk.f32 $0xffff, v2;
	_ =	sdelay $0x6  }
0x1ed: {  	v2, _, _ =	vpop (xrf2)  }
0x1ee: {  	s31 =	sshll.u32 s9, $0x4;
	s9 =	sadd.s32 $0x1, s9;
	v2 =	vbroadcast v2, $0xF  }
0x1ef: {  	vm2 =	veq.s32 v7, v0;
	s28 =	sadd.s32 $0x1, s11;
	p0 =	sne.s32 s9, $0x8;
	v4, _, _ =	vpop (xrf2)  }
.Ltmp7:
0x1f0: {  	s1 =	sadd.s32 $0x1, s28;
	v4 =	vbroadcast v4, $0xF;
	v2 =	vsel vm2, v2, v3;
	v3 =	vmov s28;
	v63, _, _ =	vpop (xrf2);
	(pc) =	sbr.rel @p0 .LBB2_14-.Ltmp7, $4  }
0x1f1: {  	vm2 =	veq.s32 v3, v0;
	v3 =	vmov s1;
	v5 =	vbroadcast v63, $0xF  }
0x1f2: {  	v2 =	vsel vm2, v4, v2;
	vm2 =	veq.s32 v3, v0  }
0x1f3: {  	s1 =	sand.u32 $0x3FFFFFF0, s31;
	v2 =	vsel vm2, v5, v2  }
0x1f4: {  	s7 =	sadd.s32 $0x1A00, s7;
	s8 =	sadd.s32 $0x1A0, s8;
	[tilespmem:s1+$0x1EE20] =	vst v2  }
0x1f5: {  	s1 =	simm.s32 $0x0;
	s7 =	rddreg [dreg:$0x5]  }
0x1f6: {  	[hbm4b:s7+s1] =	stream.linear.scatter [tilespmem:s16], [sflag:$0x3], $0x80, $0x38;
	[tilespmem:$0x1EEB0] =	vst v63  }
0x1f7: {  	_ =	swait.ge [sflag:s13], $0x80  }
0x1f8: {  	[sflag:s13] =	ssyncset.done $0x0  }
0x1f9: {  	s31 =	simm.s32 $0x2700;
	s1 =	simm.s32 $0x10400;
	[sflag:s13] =	ssyncadd.s32 $0xFFFFFF80  }
0x1fa: {  	[tilespmem:s1], [sflag:$0x2] =	stream.indirect.gather [hbm4b:s4+s14], $0x10, s31, s14, $0xb8;
	[tilespmem:$0x1EEB0] =	vst v63  }
0x1fb: {  	s8 =	simm.s32 $0x1E110;
	s7 =	simm.s32 $0x200  }
0x1fc: {  	[tilespmem:s8], [sflag:$0x2] =	stream.indirect.gather [hbm4b:s5+s14], $0x1, s31, s14, $0xb8;
	[tilespmem:$0x1EEB0] =	vst v63  }
.LBB2_18:
0x1fd: {  	p0 =	sne.s32 s7, $0x3200  }
.Ltmp8:
0x1fe: {  	s8 =	sshra.s32 s7, $0x2;
	s7 =	sadd.s32 $0x200, s7;
	(pc) =	sbr.rel @p0 .LBB2_18-.Ltmp8, $4  }
0x1ff: {  	s1 =	sadd.s32 $0x800, s1;
	s9 =	sadd.s32 $0x2700, s8  }
0x200: {  	[tilespmem:s1], [sflag:$0x2] =	stream.indirect.gather [hbm4b:s4+s14], $0x10, s9, s14, $0xb8;
	[tilespmem:$0x1EEB0] =	vst v63  }
0x201: {  	s8 =	sadd.s32 $0x1E110, s8  }
0x202: {  	[tilespmem:s8], [sflag:$0x2] =	stream.indirect.gather [hbm4b:s5+s14], $0x1, s9, s14, $0xb8;
	[tilespmem:$0x1EEB0] =	vst v63  }
0x203: {  	_ =	swait.ge [sflag:s15], $0x800  }
0x204: {  	[sflag:s15] =	ssyncset.done $0x0  }
0x205: {  	[sflag:s15] =	ssyncadd.s32 $0xFFFFF800  }
0x206: {  	_ =	swait.ge [sflag:s15], $0x80  }
0x207: {  	s1 =	simm.s32 $0x19;
	[sflag:s15] =	ssyncset.done $0x0  }
.LBB2_20:
0x208: {  	p0 =	sne.s32 s1, $0x1;
	s1 =	sadd.s32 $0xFFFFFFFF, s1;
	[sflag:s15] =	ssyncadd.s32 $0xFFFFFF80  }
.Ltmp9:
0x209: {  	_ =	swait.ge [sflag:s15], $0x800;
	(pc) =	sbr.rel @p0 .LBB2_20-.Ltmp9, $4  }
0x20a: {  	[sflag:s15] =	ssyncset.done $0x0  }
0x20b: {  	[sflag:s15] =	ssyncadd.s32 $0xFFFFF800  }
0x20c: {  	_ =	swait.ge [sflag:s15], $0x80  }
0x20d: {  	[sflag:s15] =	ssyncset.done $0x0  }
0x20e: {  	[sflag:s15] =	ssyncadd.s32 $0xFFFFFF80;
	s7 =	simm.s32 $0x0;
	s8 =	simm.s32 $0x10  }
0x20f: {  	s9 =	simm.s32 $0x1D400;
	s22 =	simm.s32 $0x34D0;
	s10 =	simm.s32 $0x0  }
.LBB2_22:
0x210: {  	v2 =	vld [tilespmem:s22+$0xFFFFFF30]  }
0x211: {  	v3 =	vld [tilespmem:s22+$0xFFFFFF40];
	_ =	sdelay $0x1  }
0x212: {  	v4 =	vld [tilespmem:s22+$0xFFFFFF50];
	_ =	sdelay $0x1  }
0x213: {  	v5 =	vld [tilespmem:s22+$0xFFFFFF60]  }
0x214: {  	v6 =	vmul.f32 v2, v2;
	v2 =	vadd.f32 v3, v2;
	v3 =	vmul.f32 v3, v3  }
0x215: {  	v7 =	vld [tilespmem:s22+$0xFFFFFF70]  }
0x216: {  	v3 =	vadd.f32 v3, v6;
	v2 =	vadd.f32 v4, v2;
	v4 =	vmul.f32 v4, v4  }
0x217: {  	v6 =	vld [tilespmem:s22+$0xFFFFFF80]  }
0x218: {  	v3 =	vadd.f32 v4, v3;
	v2 =	vadd.f32 v5, v2;
	v4 =	vmul.f32 v5, v5  }
0x219: {  	v5 =	vld [tilespmem:s22+$0xFFFFFF90]  }
0x21a: {  	v3 =	vadd.f32 v4, v3;
	v2 =	vadd.f32 v7, v2;
	v4 =	vmul.f32 v7, v7  }
0x21b: {  	v7 =	vld [tilespmem:s22+$0xFFFFFFA0]  }
0x21c: {  	v3 =	vadd.f32 v4, v3;
	v2 =	vadd.f32 v6, v2;
	v4 =	vmul.f32 v6, v6  }
0x21d: {  	v6 =	vld [tilespmem:s22+$0xFFFFFFB0]  }
0x21e: {  	v3 =	vadd.f32 v4, v3;
	v2 =	vadd.f32 v5, v2;
	v4 =	vmul.f32 v5, v5  }
0x21f: {  	v5 =	vld [tilespmem:s22+$0xFFFFFFC0]  }
0x220: {  	v3 =	vadd.f32 v4, v3;
	v2 =	vadd.f32 v7, v2;
	v4 =	vmul.f32 v7, v7  }
0x221: {  	v7 =	vld [tilespmem:s22+$0xFFFFFFD0]  }
0x222: {  	v3 =	vadd.f32 v4, v3;
	v2 =	vadd.f32 v6, v2;
	v4 =	vmul.f32 v6, v6  }
0x223: {  	v6 =	vld [tilespmem:s22+$0xFFFFFFE0]  }
0x224: {  	v3 =	vadd.f32 v4, v3;
	v2 =	vadd.f32 v5, v2;
	v4 =	vmul.f32 v5, v5  }
0x225: {  	v5 =	vld [tilespmem:s22+$0xFFFFFFF0]  }
0x226: {  	v3 =	vadd.f32 v4, v3;
	v2 =	vadd.f32 v7, v2;
	v4 =	vmul.f32 v7, v7  }
0x227: {  	v7 =	vld [tilespmem:s22+$0x0]  }
0x228: {  	v8 =	vld [tilespmem:s22+$0xB0];
	v3 =	vadd.f32 v4, v3;
	v2 =	vadd.f32 v6, v2;
	v4 =	vmul.f32 v6, v6  }
0x229: {  	v6 =	vld [tilespmem:s22+$0x10]  }
0x22a: {  	v9 =	vld [tilespmem:s22+$0x20];
	s31 =	sadd.s32 $0x1A0, s22;
	v3 =	vadd.f32 v4, v3;
	v2 =	vadd.f32 v5, v2;
	v4 =	vmul.f32 v5, v5  }
0x22b: {  	v10 =	vld [tilespmem:s31+$0xFFFFFF40]  }
0x22c: {  	v5 =	vld [tilespmem:s31+$0xFFFFFF30];
	v3 =	vadd.f32 v4, v3;
	v2 =	vadd.f32 v7, v2;
	v4 =	vmul.f32 v7, v7  }
0x22d: {  	v7 =	vld [tilespmem:s22+$0x30]  }
0x22e: {  	v12 =	vld [tilespmem:s31+$0xFFFFFF50];
	v11 =	vmul.f32 v6, v6;
	v3 =	vadd.f32 v4, v3;
	v4 =	vadd.f32 v6, v2  }
0x22f: {  	v13 =	vmul.f32 v9, v9;
	v6 =	vld [tilespmem:s22+$0x40]  }
0x230: {  	v14 =	vld [tilespmem:s31+$0xFFFFFF60];
	v2 =	vimm.f32 $0.0e+00;
	v3 =	vadd.f32 v11, v3;
	v4 =	vadd.f32 v9, v4  }
0x231: {  	v9 =	vmul.f32 v5, v5;
	v5 =	vadd.f32 v10, v5;
	v10 =	vmul.f32 v10, v10;
	v11 =	vld [tilespmem:s22+$0x50]  }
0x232: {  	v15 =	vld [tilespmem:s31+$0xFFFFFF70];
	v3 =	vadd.f32 v13, v3;
	v4 =	vadd.f32 v7, v4;
	v7 =	vmul.f32 v7, v7  }
0x233: {  	v9 =	vadd.f32 v10, v9;
	v5 =	vadd.f32 v12, v5;
	v10 =	vmul.f32 v12, v12;
	v12 =	vld [tilespmem:s22+$0x60]  }
0x234: {  	v13 =	vld [tilespmem:s31+$0xFFFFFF80];
	v3 =	vadd.f32 v7, v3;
	v4 =	vadd.f32 v6, v4;
	v6 =	vmul.f32 v6, v6  }
0x235: {  	v7 =	vadd.f32 v10, v9;
	v5 =	vadd.f32 v14, v5;
	v9 =	vmul.f32 v14, v14;
	v10 =	vld [tilespmem:s22+$0x70]  }
0x236: {  	v14 =	vld [tilespmem:s31+$0xFFFFFF90];
	v3 =	vadd.f32 v6, v3;
	v4 =	vadd.f32 v11, v4;
	v6 =	vmul.f32 v11, v11  }
0x237: {  	v7 =	vadd.f32 v9, v7;
	v5 =	vadd.f32 v15, v5;
	v9 =	vmul.f32 v15, v15;
	v11 =	vld [tilespmem:s22+$0x80]  }
0x238: {  	v15 =	vld [tilespmem:s31+$0xFFFFFFA0];
	v3 =	vadd.f32 v6, v3;
	v4 =	vadd.f32 v12, v4;
	v6 =	vmul.f32 v12, v12  }
0x239: {  	v7 =	vadd.f32 v9, v7;
	v5 =	vadd.f32 v13, v5;
	v9 =	vmul.f32 v13, v13;
	v12 =	vld [tilespmem:s22+$0x90]  }
0x23a: {  	v13 =	vld [tilespmem:s31+$0xFFFFFFB0];
	v3 =	vadd.f32 v6, v3;
	v4 =	vadd.f32 v10, v4;
	v6 =	vmul.f32 v10, v10  }
0x23b: {  	v10 =	vld [tilespmem:s22+$0xA0];
	v7 =	vadd.f32 v9, v7;
	v5 =	vadd.f32 v14, v5;
	v9 =	vmul.f32 v14, v14  }
0x23c: {  	v14 =	vld [tilespmem:s31+$0xFFFFFFC0];
	v6 =	vadd.f32 v6, v3;
	v4 =	vadd.f32 v11, v4;
	v11 =	vmul.f32 v11, v11  }
0x23d: {  	v16 =	vld [tilespmem:s31+$0xFFFFFFE0];
	v7 =	vadd.f32 v9, v7;
	v5 =	vadd.f32 v15, v5;
	v9 =	vmul.f32 v15, v15  }
0x23e: {  	v15 =	vld [tilespmem:s31+$0xFFFFFFD0];
	v6 =	vadd.f32 v11, v6;
	v4 =	vadd.f32 v12, v4;
	v11 =	vmul.f32 v12, v12  }
0x23f: {  	s1 =	sadd.s32 $0x1A0, s31;
	v7 =	vadd.f32 v9, v7;
	v5 =	vadd.f32 v13, v5;
	v9 =	vmul.f32 v13, v13;
	v12 =	vld [tilespmem:s22+$0xC0]  }
0x240: {  	v17 =	vld [tilespmem:s1+$0xFFFFFF40];
	v13 =	vmul.f32 v10, v10;
	v6 =	vadd.f32 v11, v6;
	v10 =	vadd.f32 v10, v4  }
0x241: {  	v7 =	vadd.f32 v9, v7;
	v5 =	vadd.f32 v14, v5;
	v9 =	vmul.f32 v14, v14;
	v4 =	vld [tilespmem:s31+$0xB0]  }
0x242: {  	v11 =	vmul.f32 v8, v8;
	v14 =	vld [tilespmem:s31+$0xFFFFFFF0];
	v6 =	vadd.f32 v13, v6;
	v8 =	vadd.f32 v8, v10  }
0x243: {  	v7 =	vadd.f32 v9, v7;
	v5 =	vadd.f32 v15, v5;
	v9 =	vmul.f32 v15, v15;
	v10 =	vld [tilespmem:s31+$0x20]  }
0x244: {  	v15 =	vld [tilespmem:s31+$0x0];
	v6 =	vadd.f32 v11, v6;
	v8 =	vadd.f32 v12, v8;
	v12 =	vmul.f32 v12, v12  }
0x245: {  	s11 =	sadd.s32 $0xFFFFFFF0, s8;
	v13 =	vmul.f32 v16, v16;
	v9 =	vadd.f32 v9, v7;
	v5 =	vadd.f32 v16, v5;
	v11 =	vld [tilespmem:s31+$0x10]  }
0x246: {  	s12 =	sand.u32 $0x1FF8, s8;
	s11 =	sand.u32 $0x6, s11;
	v16 =	vld [tilespmem:s1+$0xFFFFFF30];
	v7 =	vmov s7;
	v6 =	vadd.f32 v12, v6;
	v18 =	vmul.f32 v8, v8  }
0x247: {  	s11 =	sor.u32 s11, s12;
	v3 =	vld [tilespmem:s9+$0x0];
	v13 =	vadd.f32 v13, v9;
	v19 =	vadd.f32 v14, v5;
	v14 =	vmul.f32 v14, v14  }
0x248: {  	s21 =	simm.s32 $0x2;
	s25 =	simm.s32 $0x3;
	v5 =	vmul.f32 v4, v4;
	v8 =	vld [tilespmem:s11+$0x1D400];
	v12 =	vmul.f32 v10, v10;
	v9 =	vsub.f32 v18, v6  }
0x249: {  	s28 =	smov.u32 s9;
	s12 =	smov.u32 s8;
	s11 =	simm.s32 $0x1;
	v14 =	vadd.f32 v14, v13;
	v13 =	vadd.f32 v15, v19;
	v15 =	vmul.f32 v15, v15;
	v6 =	vld [tilespmem:s31+$0xA0]  }
.LBB2_23:
0x24a: {  	p0 =	sne.s32 s25, $0xF;
	v18 =	vmul.f32 v11, v11;
	v19 =	vld [tilespmem:s31+$0x30];
	v9 =	vmul.f32 $5.000000000e-01, v9;
	vm2 =	veq.s32 v7, v0  }
0x24b: {  	v7 =	vmul.f32 v16, v16;
	v20 =	vld [tilespmem:s1+$0xFFFFFF50];
	v14 =	vadd.f32 v15, v14;
	v11 =	vadd.f32 v11, v13  }
0x24c: {  	v13 =	vadd.f32 v17, v16;
	v15 =	vmul.f32 v17, v17;
	v16 =	vld [tilespmem:s31+$0x40];
	v3 =	vadd.f32 v9, v3  }
0x24d: {  	v9 =	vld [tilespmem:s1+$0xFFFFFF60];
	v14 =	vadd.f32 v18, v14;
	v10 =	vadd.f32 v10, v11;
	v8 =	vnsel vm1, $0x0, v8  }
0x24e: {  	v7 =	vadd.f32 v15, v7;
	v11 =	vld [tilespmem:s31+$0x50];
	v15 =	vmul.f32 v6, v6;
	v3 =	vadd.f32 v3, v8  }
0x24f: {  	v8 =	vld [tilespmem:s1+$0xFFFFFF70];
	v12 =	vadd.f32 v12, v14;
	v10 =	vadd.f32 v19, v10;
	v14 =	vmul.f32 v19, v19  }
0x250: {  	v13 =	vadd.f32 v20, v13;
	v17 =	vmul.f32 v20, v20;
	v18 =	vld [tilespmem:s31+$0x60];
	v3 =	vadd.f32 v3, v1  }
0x251: {  	v19 =	vld [tilespmem:s1+$0xFFFFFF80];
	v12 =	vadd.f32 v14, v12;
	v10 =	vadd.f32 v16, v10;
	v14 =	vmul.f32 v16, v16  }
0x252: {  	v7 =	vadd.f32 v17, v7;
	v13 =	vadd.f32 v9, v13;
	v9 =	vmul.f32 v9, v9;
	v16 =	vld [tilespmem:s31+$0x70];
	(xrf2) =	vadd.scan.msk.f32 $0xffff, v3  }
0x253: {  	v3 =	vld [tilespmem:s1+$0xFFFFFF90];
	v12 =	vadd.f32 v14, v12;
	v10 =	vadd.f32 v11, v10;
	v11 =	vmul.f32 v11, v11  }
0x254: {  	v7 =	vadd.f32 v9, v7;
	v9 =	vadd.f32 v8, v13;
	v8 =	vmul.f32 v8, v8;
	v13 =	vld [tilespmem:s31+$0x80]  }
0x255: {  	v14 =	vld [tilespmem:s1+$0xFFFFFFA0];
	v11 =	vadd.f32 v11, v12;
	v10 =	vadd.f32 v18, v10;
	v12 =	vmul.f32 v18, v18  }
0x256: {  	v7 =	vadd.f32 v8, v7;
	v8 =	vadd.f32 v19, v9;
	v9 =	vmul.f32 v19, v19;
	v17 =	vld [tilespmem:s31+$0x90]  }
0x257: {  	v18 =	vld [tilespmem:s1+$0xFFFFFFB0];
	v11 =	vadd.f32 v12, v11;
	v10 =	vadd.f32 v16, v10;
	v12 =	vmul.f32 v16, v16  }
0x258: {  	v7 =	vadd.f32 v9, v7;
	v8 =	vadd.f32 v3, v8;
	v3 =	vmul.f32 v3, v3  }
0x259: {  	s28 =	sadd.s32 $0x1A, s28;
	v9 =	vld [tilespmem:s1+$0xFFFFFFC0];
	v11 =	vadd.f32 v12, v11;
	v10 =	vadd.f32 v13, v10;
	v12 =	vmul.f32 v13, v13  }
0x25a: {  	v7 =	vadd.f32 v3, v7;
	v8 =	vadd.f32 v14, v8;
	v13 =	vmul.f32 v14, v14;
	v3 =	vld [tilespmem:s28+$0x0]  }
0x25b: {  	v14 =	vld [tilespmem:s1+$0xFFFFFFD0];
	v11 =	vadd.f32 v12, v11;
	v10 =	vadd.f32 v17, v10;
	v12 =	vmul.f32 v17, v17  }
0x25c: {  	v7 =	vadd.f32 v13, v7;
	v8 =	vadd.f32 v18, v8;
	v13 =	vmul.f32 v18, v18;
	v16 =	vld [tilespmem:s31+$0xC0];
	v17, _, _ =	vpop (xrf2);
	s31 =	smov.u32 s1  }
0x25d: {  	v18 =	vld [tilespmem:s1+$0xFFFFFFE0];
	v11 =	vadd.f32 v12, v11;
	v6 =	vadd.f32 v6, v10;
	v10 =	vbroadcast v17, $0xF  }
0x25e: {  	v7 =	vadd.f32 v13, v7;
	v8 =	vadd.f32 v9, v8;
	v9 =	vmul.f32 v9, v9;
	v13 =	vld [tilespmem:s1+$0xB0]  }
0x25f: {  	v12 =	vld [tilespmem:s1+$0xFFFFFFF0];
	v11 =	vadd.f32 v15, v11;
	v4 =	vadd.f32 v4, v6;
	v2 =	vsel vm2, v10, v2  }
0x260: {  	v6 =	vadd.f32 v9, v7;
	v7 =	vadd.f32 v14, v8;
	v8 =	vmul.f32 v14, v14;
	v10 =	vld [tilespmem:s1+$0x20]  }
0x261: {  	s12 =	sadd.s32 $0x1A, s12;
	v15 =	vld [tilespmem:s1+$0x0];
	v5 =	vadd.f32 v5, v11;
	v17 =	vadd.f32 v16, v4;
	v9 =	vmul.f32 v16, v16  }
.Ltmp10:
0x262: {  	s17 =	sadd.s32 $0xFFFFFFF0, s12;
	s1 =	sadd.s32 $0x1A0, s1;
	v6 =	vadd.f32 v8, v6;
	v8 =	vadd.f32 v18, v7;
	v14 =	vmul.f32 v18, v18;
	v11 =	vld [tilespmem:s31+$0x10];
	(pc) =	sbr.rel @p0 .LBB2_23-.Ltmp10, $4  }
0x263: {  	s18 =	sand.u32 $0x1FF8, s12;
	s17 =	sand.u32 $0x6, s17;
	v7 =	vmov s11;
	s11 =	smov.u32 s21;
	v16 =	vld [tilespmem:s1+$0xFFFFFF30];
	v9 =	vadd.f32 v9, v5;
	v18 =	vmul.f32 v17, v17;
	v4 =	vmovc v13  }
0x264: {  	s17 =	sor.u32 s17, s18;
	s21 =	smov.u32 s25;
	v17 =	vld [tilespmem:s1+$0xFFFFFF40];
	v6 =	vadd.f32 v14, v6;
	v19 =	vadd.f32 v12, v8;
	v14 =	vmul.f32 v12, v12  }
0x265: {  	v5 =	vmul.f32 v13, v4;
	v12 =	vmul.f32 v10, v10;
	v8 =	vld [tilespmem:s17+$0x1D400];
	v9 =	vsub.f32 v18, v9  }
0x266: {  	s25 =	sadd.s32 $0x1, s25;
	v14 =	vadd.f32 v14, v6;
	v13 =	vadd.f32 v15, v19;
	v15 =	vmul.f32 v15, v15;
	v6 =	vld [tilespmem:s31+$0xA0]  }
0x267: {  	v18 =	vld [tilespmem:s1+$0xFFFFFF50];
	_ =	sdelay $0x1  }
0x268: {  	v19 =	vld [tilespmem:s1+$0xFFFFFF60]  }
0x269: {  	v20 =	vmul.f32 v16, v16;
	v36 =	vadd.f32 v17, v16;
	v37 =	vmul.f32 v17, v17  }
0x26a: {  	v21 =	vld [tilespmem:s1+$0xFFFFFF70]  }
0x26b: {  	v17 =	vadd.f32 v37, v20;
	v16 =	vadd.f32 v18, v36;
	v18 =	vmul.f32 v18, v18  }
0x26c: {  	v38 =	vld [tilespmem:s1+$0xFFFFFF80]  }
0x26d: {  	v39 =	vmul.f32 v19, v19;
	v17 =	vadd.f32 v18, v17;
	v16 =	vadd.f32 v19, v16  }
0x26e: {  	v40 =	vld [tilespmem:s1+$0xFFFFFF90]  }
0x26f: {  	v41 =	vmul.f32 v21, v21;
	v17 =	vadd.f32 v39, v17;
	v16 =	vadd.f32 v21, v16  }
0x270: {  	v42 =	vld [tilespmem:s1+$0xFFFFFFA0]  }
0x271: {  	v43 =	vmul.f32 v38, v38;
	v17 =	vadd.f32 v41, v17;
	v16 =	vadd.f32 v38, v16  }
0x272: {  	v44 =	vld [tilespmem:s1+$0xFFFFFFB0]  }
0x273: {  	v45 =	vmul.f32 v40, v40;
	v17 =	vadd.f32 v43, v17;
	v16 =	vadd.f32 v40, v16  }
0x274: {  	v46 =	vld [tilespmem:s1+$0xFFFFFFC0]  }
0x275: {  	v47 =	vmul.f32 v42, v42;
	v17 =	vadd.f32 v45, v17;
	v16 =	vadd.f32 v42, v16  }
0x276: {  	v48 =	vld [tilespmem:s1+$0xFFFFFFD0]  }
0x277: {  	v49 =	vmul.f32 v44, v44;
	v17 =	vadd.f32 v47, v17;
	v16 =	vadd.f32 v44, v16  }
0x278: {  	v50 =	vld [tilespmem:s1+$0xFFFFFFE0]  }
0x279: {  	v51 =	vmul.f32 v46, v46;
	v17 =	vadd.f32 v49, v17;
	v16 =	vadd.f32 v46, v16  }
0x27a: {  	v52 =	vld [tilespmem:s1+$0xFFFFFFF0]  }
0x27b: {  	v53 =	vmul.f32 v48, v48;
	v17 =	vadd.f32 v51, v17;
	v16 =	vadd.f32 v48, v16  }
0x27c: {  	v54 =	vld [tilespmem:s1+$0x0]  }
0x27d: {  	v55 =	vmul.f32 v50, v50;
	v17 =	vadd.f32 v53, v17;
	v16 =	vadd.f32 v50, v16  }
0x27e: {  	v56 =	vld [tilespmem:s1+$0x10]  }
0x27f: {  	v57 =	vmul.f32 v52, v52;
	v17 =	vadd.f32 v55, v17;
	v16 =	vadd.f32 v52, v16  }
0x280: {  	v58 =	vld [tilespmem:s1+$0x20]  }
0x281: {  	v59 =	vld [tilespmem:s31+$0x30];
	v21 =	vmul.f32 v54, v54;
	v17 =	vadd.f32 v57, v17;
	v16 =	vadd.f32 v54, v16  }
0x282: {  	v60 =	vmul.f32 v11, v11;
	v62 =	vld [tilespmem:s1+$0x30];
	v14 =	vadd.f32 v15, v14;
	v61 =	vadd.f32 v11, v13  }
0x283: {  	v63 =	vld [tilespmem:s31+$0x40];
	v20 =	vmul.f32 v56, v56;
	v17 =	vadd.f32 v21, v17;
	v16 =	vadd.f32 v56, v16  }
0x284: {  	v24 =	vld [tilespmem:s1+$0x40];
	v14 =	vadd.f32 v60, v14;
	v10 =	vadd.f32 v10, v61  }
0x285: {  	v26 =	vld [tilespmem:s31+$0x50];
	v19 =	vmul.f32 v58, v58;
	v25 =	vadd.f32 v20, v17;
	v16 =	vadd.f32 v58, v16  }
0x286: {  	v28 =	vld [tilespmem:s1+$0x50];
	v12 =	vadd.f32 v12, v14;
	v10 =	vadd.f32 v59, v10;
	v27 =	vmul.f32 v59, v59  }
0x287: {  	v29 =	vld [tilespmem:s31+$0x60];
	v13 =	vmul.f32 v62, v62;
	v15 =	vadd.f32 v19, v25;
	v16 =	vadd.f32 v62, v16  }
0x288: {  	v31 =	vld [tilespmem:s1+$0x60];
	v30 =	vmul.f32 v63, v63;
	v12 =	vadd.f32 v27, v12;
	v10 =	vadd.f32 v63, v10  }
0x289: {  	v32 =	vld [tilespmem:s31+$0x70];
	v11 =	vmul.f32 v24, v24;
	v13 =	vadd.f32 v13, v15;
	v16 =	vadd.f32 v24, v16  }
0x28a: {  	v34 =	vld [tilespmem:s1+$0x70];
	v33 =	vmul.f32 v26, v26;
	v12 =	vadd.f32 v30, v12;
	v10 =	vadd.f32 v26, v10  }
0x28b: {  	v35 =	vld [tilespmem:s31+$0x80];
	v18 =	vmul.f32 v28, v28;
	v11 =	vadd.f32 v11, v13;
	v16 =	vadd.f32 v28, v16  }
0x28c: {  	v37 =	vld [tilespmem:s1+$0x80];
	v36 =	vmul.f32 v29, v29;
	v12 =	vadd.f32 v33, v12;
	v10 =	vadd.f32 v29, v10  }
0x28d: {  	v38 =	vld [tilespmem:s31+$0x90];
	v20 =	vmul.f32 v31, v31;
	v11 =	vadd.f32 v18, v11;
	v16 =	vadd.f32 v31, v16  }
0x28e: {  	v39 =	vmul.f32 v32, v32;
	v12 =	vadd.f32 v36, v12;
	v10 =	vadd.f32 v32, v10;
	v40 =	vld [tilespmem:s1+$0x90]  }
0x28f: {  	v17 =	vmul.f32 v34, v34;
	v11 =	vadd.f32 v20, v11;
	v16 =	vadd.f32 v34, v16  }
0x290: {  	v41 =	vld [tilespmem:s1+$0xA0];
	v12 =	vadd.f32 v39, v12;
	v10 =	vadd.f32 v35, v10;
	v13 =	vmul.f32 v35, v35  }
0x291: {  	v42 =	vmul.f32 v37, v37;
	v11 =	vadd.f32 v17, v11;
	v16 =	vadd.f32 v37, v16  }
0x292: {  	v43 =	vmul.f32 v38, v38;
	v10 =	vadd.f32 v38, v10;
	v44 =	vld [tilespmem:s1+$0xB0];
	v12 =	vadd.f32 v13, v12  }
0x293: {  	v45 =	vld [tilespmem:s31+$0xC0];
	v15 =	vmul.f32 v40, v40;
	v11 =	vadd.f32 v42, v11;
	v16 =	vadd.f32 v40, v16  }
0x294: {  	v46 =	vmul.f32 v6, v6;
	v47 =	vadd.f32 v6, v10;
	v48 =	vld [tilespmem:s1+$0xC0];
	v12 =	vadd.f32 v43, v12  }
0x295: {  	v49 =	vmul.f32 v41, v41;
	v11 =	vadd.f32 v15, v11;
	v14 =	vadd.f32 v41, v16  }
0x296: {  	s25 =	sadd.s32 $0x1A, s12;
	v4 =	vadd.f32 v4, v47;
	v12 =	vadd.f32 v46, v12  }
0x297: {  	s17 =	sadd.s32 $0xFFFFFFF0, s25;
	v50 =	vmul.f32 v44, v44;
	v11 =	vadd.f32 v49, v11;
	v51 =	vadd.f32 v44, v14  }
0x298: {  	s18 =	sand.u32 $0x1FF8, s25;
	s17 =	sand.u32 $0x6, s17;
	v4 =	vadd.f32 v45, v4;
	v52 =	vmul.f32 v45, v45;
	v5 =	vadd.f32 v5, v12  }
0x299: {  	s17 =	sor.u32 s17, s18;
	s1 =	sadd.s32 $0x1A, s25;
	v10 =	vmul.f32 v48, v48;
	v6 =	vadd.f32 v50, v11;
	v53 =	vadd.f32 v48, v51  }
0x29a: {  	s31 =	sadd.s32 $0x1A, s28;
	s25 =	sadd.s32 $0xFFFFFFF0, s1;
	v4 =	vmul.f32 v4, v4;
	v55 =	vld [tilespmem:s17+$0x1D400];
	v5 =	vadd.f32 v52, v5  }
0x29b: {  	s12 =	sadd.s32 $0x1A, s31;
	s1 =	sand.u32 $0x1FF8, s1;
	s28 =	sand.u32 $0x6, s25;
	v54 =	vld [tilespmem:s31+$0x0];
	v6 =	vadd.f32 v10, v6;
	v56 =	vmul.f32 v53, v53  }
0x29c: {  	v9 =	vmul.f32 $5.000000000e-01, v9;
	s1 =	sor.u32 s28, s1;
	v57 =	vld [tilespmem:s12+$0x0];
	v4 =	vsub.f32 v4, v5  }
0x29d: {  	v58 =	vld [tilespmem:s1+$0x1D400];
	v6 =	vsub.f32 v56, v6  }
0x29e: {  	v3 =	vadd.f32 v9, v3;
	v4 =	vmul.f32 $5.000000000e-01, v4  }
0x29f: {  	v8 =	vnsel vm1, $0x0, v8;
	v6 =	vmul.f32 $5.000000000e-01, v6  }
0x2a0: {  	v3 =	vadd.f32 v3, v8;
	v4 =	vadd.f32 v4, v54  }
0x2a1: {  	v59 =	vnsel vm1, $0x0, v55;
	v5 =	vadd.f32 v6, v57  }
0x2a2: {  	v3 =	vadd.f32 v3, v1;
	v60 =	vnsel vm1, $0x0, v58;
	v4 =	vadd.f32 v4, v59  }
0x2a3: {  	v5 =	vadd.f32 v5, v60  }
0x2a4: {  	(xrf2) =	vadd.scan.msk.f32 $0xffff, v3;
	v3 =	vadd.f32 v4, v1  }
0x2a5: {  	v61 =	vadd.f32 v5, v1  }
0x2a6: {  	(xrf2) =	vadd.scan.msk.f32 $0xffff, v3  }
0x2a7: {  	(xrf2) =	vadd.scan.msk.f32 $0xffff, v61;
	_ =	sdelay $0x6  }
0x2a8: {  	v3, _, _ =	vpop (xrf2)  }
0x2a9: {  	s31 =	sshll.u32 s10, $0x4;
	s10 =	sadd.s32 $0x1, s10;
	v3 =	vbroadcast v3, $0xF  }
0x2aa: {  	vm2 =	veq.s32 v7, v0;
	p0 =	sne.s32 s10, $0x8;
	v62, _, _ =	vpop (xrf2)  }
.Ltmp11:
0x2ab: {  	v2 =	vsel vm2, v3, v2;
	v3 =	vmov s11;
	v4 =	vbroadcast v62, $0xF;
	v63, _, _ =	vpop (xrf2);
	(pc) =	sbr.rel @p0 .LBB2_22-.Ltmp11, $4  }
0x2ac: {  	vm2 =	veq.s32 v3, v0;
	v3 =	vmov s21;
	v5 =	vbroadcast v63, $0xF  }
0x2ad: {  	v2 =	vsel vm2, v4, v2;
	vm2 =	veq.s32 v3, v0  }
0x2ae: {  	s1 =	sand.u32 $0x3FFFFFF0, s31;
	v2 =	vsel vm2, v5, v2  }
0x2af: {  	s8 =	sadd.s32 $0x1A0, s8;
	s9 =	sadd.s32 $0x1A0, s9;
	s22 =	sadd.s32 $0x1A00, s22;
	[tilespmem:s1+$0x1EE20] =	vst v2  }
0x2b0: {  	s1 =	rddreg [dreg:$0x6]  }
0x2b1: {  	[hbm4b:s1+s3] =	stream.linear.scatter [tilespmem:s16], [sflag:$0x3], $0x80, $0x38;
	[tilespmem:$0x1EEB0] =	vst v63  }
0x2b2: {  	_ =	swait.ge [sflag:s13], $0x80  }
0x2b3: {  	[sflag:s13] =	ssyncset.done $0x0  }
0x2b4: {  	[sflag:s13] =	ssyncadd.s32 $0xFFFFFF80  }
0x2b5: {  	_ =	swait.ge [sflag:s29], $0x800  }
0x2b6: {  	[sflag:s29] =	ssyncset.done $0x0  }
0x2b7: {  	[sflag:s29] =	ssyncadd.s32 $0xFFFFF800  }
0x2b8: {  	_ =	swait.ge [sflag:s29], $0x80  }
0x2b9: {  	s1 =	simm.s32 $0x19;
	[sflag:s29] =	ssyncset.done $0x0  }
.LBB2_26:
0x2ba: {  	p0 =	sne.s32 s1, $0x1;
	s1 =	sadd.s32 $0xFFFFFFFF, s1;
	[sflag:s29] =	ssyncadd.s32 $0xFFFFFF80  }
.Ltmp12:
0x2bb: {  	_ =	swait.ge [sflag:s29], $0x800;
	(pc) =	sbr.rel @p0 .LBB2_26-.Ltmp12, $4  }
0x2bc: {  	[sflag:s29] =	ssyncset.done $0x0  }
0x2bd: {  	[sflag:s29] =	ssyncadd.s32 $0xFFFFF800  }
0x2be: {  	_ =	swait.ge [sflag:s29], $0x80  }
0x2bf: {  	[sflag:s29] =	ssyncset.done $0x0  }
0x2c0: {  	[sflag:s29] =	ssyncadd.s32 $0xFFFFFF80;
	s7 =	simm.s32 $0x3400  }
0x2c1: {  	s22 =	simm.s32 $0x0;
	s8 =	simm.s32 $0x0;
	s9 =	simm.s32 $0x0  }
.LBB2_28:
0x2c2: {  	v2 =	vmov s7;
	_ =	sdelay $0x3  }
0x2c3: {  	s1 =	simm.s32 $0x0  }
0x2c4: {  	v3 =	vld.idx.msk [tilespmem:v2+s1+$0xD000 ss:$0x1], $0xffff  }
0x2c5: {  	v4 =	vld.idx.msk [tilespmem:v2+s1+$0xD010 ss:$0x1], $0xffff;
	_ =	sdelay $0x1  }
0x2c6: {  	v5 =	vld.idx.msk [tilespmem:v2+s1+$0xD020 ss:$0x1], $0xffff;
	_ =	sdelay $0x1  }
0x2c7: {  	v6 =	vld.idx.msk [tilespmem:v2+s1+$0xD030 ss:$0x1], $0xffff  }
0x2c8: {  	v7 =	vmul.f32 v3, v3;
	v3 =	vadd.f32 v4, v3;
	v4 =	vmul.f32 v4, v4  }
0x2c9: {  	v8 =	vld.idx.msk [tilespmem:v2+s1+$0xD040 ss:$0x1], $0xffff  }
0x2ca: {  	v4 =	vadd.f32 v4, v7;
	v3 =	vadd.f32 v5, v3;
	v5 =	vmul.f32 v5, v5  }
0x2cb: {  	v7 =	vld.idx.msk [tilespmem:v2+s1+$0xD050 ss:$0x1], $0xffff  }
0x2cc: {  	v4 =	vadd.f32 v5, v4;
	v3 =	vadd.f32 v6, v3;
	v5 =	vmul.f32 v6, v6  }
0x2cd: {  	v6 =	vld.idx.msk [tilespmem:v2+s1+$0xD060 ss:$0x1], $0xffff  }
0x2ce: {  	v4 =	vadd.f32 v5, v4;
	v3 =	vadd.f32 v8, v3;
	v5 =	vmul.f32 v8, v8  }
0x2cf: {  	v8 =	vld.idx.msk [tilespmem:v2+s1+$0xD070 ss:$0x1], $0xffff  }
0x2d0: {  	v4 =	vadd.f32 v5, v4;
	v3 =	vadd.f32 v7, v3;
	v5 =	vmul.f32 v7, v7  }
0x2d1: {  	v7 =	vld.idx.msk [tilespmem:v2+s1+$0xD080 ss:$0x1], $0xffff  }
0x2d2: {  	v4 =	vadd.f32 v5, v4;
	v3 =	vadd.f32 v6, v3;
	v5 =	vmul.f32 v6, v6  }
0x2d3: {  	v6 =	vld.idx.msk [tilespmem:v2+s1+$0xD090 ss:$0x1], $0xffff  }
0x2d4: {  	v4 =	vadd.f32 v5, v4;
	v3 =	vadd.f32 v8, v3;
	v5 =	vmul.f32 v8, v8  }
0x2d5: {  	v8 =	vld.idx.msk [tilespmem:v2+s1+$0xD0A0 ss:$0x1], $0xffff  }
0x2d6: {  	v4 =	vadd.f32 v5, v4;
	v3 =	vadd.f32 v7, v3;
	v5 =	vmul.f32 v7, v7  }
0x2d7: {  	v7 =	vld.idx.msk [tilespmem:v2+s1+$0xD0B0 ss:$0x1], $0xffff  }
0x2d8: {  	v4 =	vadd.f32 v5, v4;
	v3 =	vadd.f32 v6, v3;
	v5 =	vmul.f32 v6, v6  }
0x2d9: {  	v6 =	vld.idx.msk [tilespmem:v2+s1+$0xD0C0 ss:$0x1], $0xffff  }
0x2da: {  	v4 =	vadd.f32 v5, v4;
	v3 =	vadd.f32 v8, v3;
	v5 =	vmul.f32 v8, v8  }
0x2db: {  	v8 =	vld.idx.msk [tilespmem:v2+s1+$0xD0D0 ss:$0x1], $0xffff  }
0x2dc: {  	v9 =	vld.idx.msk [tilespmem:v2+s1+$0xD180 ss:$0x1], $0xffff;
	v4 =	vadd.f32 v5, v4;
	v3 =	vadd.f32 v7, v3;
	v5 =	vmul.f32 v7, v7  }
0x2dd: {  	v7 =	vld.idx.msk [tilespmem:v2+s1+$0xD0E0 ss:$0x1], $0xffff  }
0x2de: {  	s10 =	simm.s32 $0x1A0;
	v12 =	vld.idx.msk [tilespmem:v2+s1+$0xD0F0 ss:$0x1], $0xffff;
	v4 =	vadd.f32 v5, v4;
	v3 =	vadd.f32 v6, v3;
	v5 =	vmul.f32 v6, v6  }
0x2df: {  	v13 =	vld.idx.msk [tilespmem:v2+s10+$0xD010 ss:$0x1], $0xffff  }
0x2e0: {  	v6 =	vld.idx.msk [tilespmem:v2+s10+$0xD000 ss:$0x1], $0xffff;
	v4 =	vadd.f32 v5, v4;
	v3 =	vadd.f32 v8, v3;
	v5 =	vmul.f32 v8, v8  }
0x2e1: {  	v8 =	vld.idx.msk [tilespmem:v2+s1+$0xD100 ss:$0x1], $0xffff  }
0x2e2: {  	v14 =	vld.idx.msk [tilespmem:v2+s10+$0xD020 ss:$0x1], $0xffff;
	v15 =	vmul.f32 v7, v7;
	v4 =	vadd.f32 v5, v4;
	v5 =	vadd.f32 v7, v3  }
0x2e3: {  	v7 =	vld.idx.msk [tilespmem:v2+s1+$0xD110 ss:$0x1], $0xffff  }
0x2e4: {  	v17 =	vld.idx.msk [tilespmem:v2+s10+$0xD030 ss:$0x1], $0xffff;
	v16 =	vmul.f32 v12, v12;
	v4 =	vadd.f32 v15, v4;
	v5 =	vadd.f32 v12, v5  }
0x2e5: {  	v12 =	vmul.f32 v6, v6;
	v6 =	vadd.f32 v13, v6;
	v13 =	vmul.f32 v13, v13;
	v15 =	vld.idx.msk [tilespmem:v2+s1+$0xD120 ss:$0x1], $0xffff  }
0x2e6: {  	v18 =	vld.idx.msk [tilespmem:v2+s10+$0xD040 ss:$0x1], $0xffff;
	v4 =	vadd.f32 v16, v4;
	v5 =	vadd.f32 v8, v5;
	v8 =	vmul.f32 v8, v8  }
0x2e7: {  	v12 =	vadd.f32 v13, v12;
	v13 =	vld.idx.msk [tilespmem:v2+s1+$0xD130 ss:$0x1], $0xffff;
	v6 =	vadd.f32 v14, v6;
	v14 =	vmul.f32 v14, v14  }
0x2e8: {  	v16 =	vld.idx.msk [tilespmem:v2+s10+$0xD050 ss:$0x1], $0xffff;
	v4 =	vadd.f32 v8, v4;
	v5 =	vadd.f32 v7, v5;
	v7 =	vmul.f32 v7, v7  }
0x2e9: {  	v11 =	vld.idx.msk [tilespmem:v2+s1+$0xD140 ss:$0x1], $0xffff;
	v12 =	vadd.f32 v14, v12;
	v6 =	vadd.f32 v17, v6;
	v14 =	vmul.f32 v17, v17  }
0x2ea: {  	v8 =	vld.idx.msk [tilespmem:v2+s10+$0xD060 ss:$0x1], $0xffff;
	v4 =	vadd.f32 v7, v4;
	v5 =	vadd.f32 v15, v5;
	v7 =	vmul.f32 v15, v15  }
0x2eb: {  	v15 =	vld.idx.msk [tilespmem:v2+s1+$0xD150 ss:$0x1], $0xffff;
	v12 =	vadd.f32 v14, v12;
	v6 =	vadd.f32 v18, v6;
	v14 =	vmul.f32 v18, v18  }
0x2ec: {  	v17 =	vld.idx.msk [tilespmem:v2+s10+$0xD070 ss:$0x1], $0xffff;
	v4 =	vadd.f32 v7, v4;
	v5 =	vadd.f32 v13, v5;
	v7 =	vmul.f32 v13, v13  }
0x2ed: {  	v13 =	vld.idx.msk [tilespmem:v2+s1+$0xD160 ss:$0x1], $0xffff;
	v12 =	vadd.f32 v14, v12;
	v6 =	vadd.f32 v16, v6;
	v14 =	vmul.f32 v16, v16  }
0x2ee: {  	v16 =	vld.idx.msk [tilespmem:v2+s10+$0xD080 ss:$0x1], $0xffff;
	v7 =	vadd.f32 v7, v4;
	v5 =	vadd.f32 v11, v5;
	v11 =	vmul.f32 v11, v11  }
0x2ef: {  	v10 =	vld.idx.msk [tilespmem:v2+s1+$0xD170 ss:$0x1], $0xffff;
	v12 =	vadd.f32 v14, v12;
	v6 =	vadd.f32 v8, v6;
	v8 =	vmul.f32 v8, v8  }
0x2f0: {  	v14 =	vld.idx.msk [tilespmem:v2+s10+$0xD090 ss:$0x1], $0xffff;
	v7 =	vadd.f32 v11, v7;
	v11 =	vadd.f32 v15, v5;
	v15 =	vmul.f32 v15, v15  }
0x2f1: {  	v21 =	vld.idx.msk [tilespmem:v2+s10+$0xD0C0 ss:$0x1], $0xffff;
	v8 =	vadd.f32 v8, v12;
	v6 =	vadd.f32 v17, v6;
	v12 =	vmul.f32 v17, v17  }
0x2f2: {  	v17 =	vld.idx.msk [tilespmem:v2+s10+$0xD0A0 ss:$0x1], $0xffff;
	v7 =	vadd.f32 v15, v7;
	v11 =	vadd.f32 v13, v11  }
0x2f3: {  	v18 =	vld.idx.msk [tilespmem:v2+s1+$0xD190 ss:$0x1], $0xffff;
	v8 =	vadd.f32 v12, v8;
	v12 =	vadd.f32 v16, v6;
	v15 =	vmul.f32 v16, v16  }
0x2f4: {  	v19 =	vmul.f32 v10, v10;
	v4 =	vld.idx.msk [tilespmem:v2+s10+$0xD180 ss:$0x1], $0xffff;
	v13 =	vmul.f32 v13, v13;
	v10 =	vadd.f32 v10, v11  }
0x2f5: {  	v5 =	vld.idx.msk [tilespmem:v2+s10+$0xD170 ss:$0x1], $0xffff;
	v8 =	vadd.f32 v15, v8;
	v11 =	vadd.f32 v14, v12;
	v12 =	vmul.f32 v14, v14  }
0x2f6: {  	v20 =	vmul.f32 v9, v9;
	v16 =	vld.idx.msk [tilespmem:v2+s10+$0xD0B0 ss:$0x1], $0xffff;
	v7 =	vadd.f32 v13, v7;
	v9 =	vadd.f32 v9, v10  }
0x2f7: {  	v6 =	vld.idx.msk [tilespmem:v2+s10+$0xD140 ss:$0x1], $0xffff;
	v8 =	vadd.f32 v12, v8;
	v10 =	vadd.f32 v17, v11;
	v11 =	vmul.f32 v17, v17  }
0x2f8: {  	v13 =	vld.idx.msk [tilespmem:v2+s10+$0xD0F0 ss:$0x1], $0xffff;
	v7 =	vadd.f32 v19, v7  }
0x2f9: {  	v15 =	vld.idx.msk [tilespmem:v2+s10+$0xD0D0 ss:$0x1], $0xffff;
	v9 =	vadd.f32 v18, v9;
	v8 =	vadd.f32 v11, v8  }
0x2fa: {  	s12 =	simm.s32 $0x340;
	v14 =	vld.idx.msk [tilespmem:v2+s10+$0xD0E0 ss:$0x1], $0xffff;
	v12 =	vmul.f32 v18, v18;
	v7 =	vadd.f32 v20, v7  }
0x2fb: {  	s31 =	sadd.s32 $0x10, s8;
	s11 =	sand.u32 $0x6, s8;
	v3 =	vimm.f32 $0.0e+00;
	v18 =	vld.idx.msk [tilespmem:v2+s12+$0xD000 ss:$0x1], $0xffff;
	v10 =	vadd.f32 v16, v10;
	v16 =	vmul.f32 v16, v16  }
0x2fc: {  	s17 =	sand.u32 $0xFFE, s8;
	s21 =	simm.s32 $0x1380;
	s1 =	sand.u32 $0x1FF8, s31;
	v19 =	vmul.f32 v21, v21;
	v20 =	vld.idx.msk [tilespmem:v2+s12+$0xD010 ss:$0x1], $0xffff;
	v11 =	vadd.f32 v12, v7;
	v12 =	vmul.f32 v9, v9  }
0x2fd: {  	s25 =	sor.u32 s11, s1;
	s1 =	smov.u32 s8;
	s11 =	simm.s32 $0x0;
	v7 =	vmov s22;
	v16 =	vadd.f32 v16, v8;
	v17 =	vadd.f32 v21, v10;
	v10 =	vld [tilespmem:s17+$0x1E110];
	v9 =	vmovc v4;
	v8 =	vmovc v5  }
.LBB2_29:
0x2fe: {  	p0 =	sne.s32 s21, $0x6180;
	v21 =	vmul.f32 v13, v13;
	v22 =	vmul.f32 v9, v4;
	v9 =	vld [tilespmem:s25+$0x1E110];
	v11 =	vsub.f32 v12, v11  }
0x2ff: {  	v12 =	vadd.f32 v19, v16;
	v16 =	vadd.f32 v15, v17;
	v15 =	vmul.f32 v15, v15;
	v17 =	vld.idx.msk [tilespmem:v2+s10+$0xD100 ss:$0x1], $0xffff  }
0x300: {  	vm2 =	veq.s32 v7, v0;
	v23 =	vmul.f32 v14, v14;
	v19 =	vld.idx.msk [tilespmem:v2+s12+$0xD020 ss:$0x1], $0xffff;
	v11 =	vmul.f32 $5.000000000e-01, v11  }
0x301: {  	v7 =	vmul.f32 v18, v18;
	v12 =	vadd.f32 v15, v12;
	v14 =	vadd.f32 v14, v16;
	v15 =	vld.idx.msk [tilespmem:v2+s10+$0xD110 ss:$0x1], $0xffff  }
0x302: {  	v16 =	vadd.f32 v20, v18;
	v18 =	vmul.f32 v20, v20;
	v20 =	vld.idx.msk [tilespmem:v2+s12+$0xD030 ss:$0x1], $0xffff;
	v10 =	vadd.f32 v11, v10  }
0x303: {  	v11 =	vadd.f32 v23, v12;
	v12 =	vadd.f32 v13, v14;
	v13 =	vld.idx.msk [tilespmem:v2+s10+$0xD120 ss:$0x1], $0xffff;
	v9 =	vnsel vm1, $0x0, v9  }
0x304: {  	v7 =	vadd.f32 v18, v7;
	v18 =	vmul.f32 v8, v5;
	v14 =	vld.idx.msk [tilespmem:v2+s12+$0xD040 ss:$0x1], $0xffff;
	v8 =	vadd.f32 v10, v9  }
0x305: {  	v9 =	vadd.f32 v21, v11;
	v10 =	vadd.f32 v17, v12;
	v11 =	vmul.f32 v17, v17;
	v12 =	vld.idx.msk [tilespmem:v2+s10+$0xD130 ss:$0x1], $0xffff  }
0x306: {  	v16 =	vadd.f32 v19, v16;
	v17 =	vmul.f32 v19, v19;
	v19 =	vld.idx.msk [tilespmem:v2+s12+$0xD050 ss:$0x1], $0xffff;
	v8 =	vadd.f32 v8, v1  }
0x307: {  	v21 =	vld.idx.msk [tilespmem:v2+s12+$0xD060 ss:$0x1], $0xffff;
	v9 =	vadd.f32 v11, v9;
	v10 =	vadd.f32 v15, v10;
	v11 =	vmul.f32 v15, v15  }
0x308: {  	v7 =	vadd.f32 v17, v7;
	v15 =	vadd.f32 v20, v16;
	v16 =	vmul.f32 v20, v20;
	(xrf2) =	vadd.scan.msk.f32 $0xffff, v8  }
0x309: {  	v8 =	vadd.f32 v11, v9;
	v9 =	vadd.f32 v13, v10;
	v10 =	vmul.f32 v13, v13;
	v11 =	vld.idx.msk [tilespmem:v2+s10+$0xD150 ss:$0x1], $0xffff  }
0x30a: {  	v7 =	vadd.f32 v16, v7;
	v13 =	vadd.f32 v14, v15;
	v14 =	vmul.f32 v14, v14;
	v15 =	vld.idx.msk [tilespmem:v2+s12+$0xD070 ss:$0x1], $0xffff  }
0x30b: {  	v8 =	vadd.f32 v10, v8;
	v9 =	vadd.f32 v12, v9;
	v10 =	vmul.f32 v12, v12;
	v12 =	vld.idx.msk [tilespmem:v2+s10+$0xD160 ss:$0x1], $0xffff  }
0x30c: {  	v7 =	vadd.f32 v14, v7;
	v13 =	vadd.f32 v19, v13;
	v14 =	vmul.f32 v19, v19;
	v16 =	vld.idx.msk [tilespmem:v2+s12+$0xD080 ss:$0x1], $0xffff  }
0x30d: {  	v8 =	vadd.f32 v10, v8;
	v10 =	vadd.f32 v6, v9;
	v6 =	vmul.f32 v6, v6;
	v17 =	vld.idx.msk [tilespmem:v2+s10+$0xD190 ss:$0x1], $0xffff;
	s10 =	smov.u32 s12  }
0x30e: {  	v7 =	vadd.f32 v14, v7;
	v13 =	vadd.f32 v21, v13;
	v14 =	vmul.f32 v21, v21;
	v19 =	vld.idx.msk [tilespmem:v2+s10+$0xD090 ss:$0x1], $0xffff  }
0x30f: {  	v9 =	vld.idx.msk [tilespmem:v2+s10+$0xD180 ss:$0x1], $0xffff;
	v6 =	vadd.f32 v6, v8;
	v10 =	vadd.f32 v11, v10;
	v11 =	vmul.f32 v11, v11  }
0x310: {  	v7 =	vadd.f32 v14, v7;
	v13 =	vadd.f32 v15, v13;
	v14 =	vmul.f32 v15, v15;
	v15 =	vld.idx.msk [tilespmem:v2+s10+$0xD0A0 ss:$0x1], $0xffff  }
0x311: {  	v8 =	vld.idx.msk [tilespmem:v2+s10+$0xD170 ss:$0x1], $0xffff;
	v11 =	vadd.f32 v11, v6;
	v10 =	vadd.f32 v12, v10;
	v12 =	vmul.f32 v12, v12  }
0x312: {  	v7 =	vadd.f32 v14, v7;
	v13 =	vadd.f32 v16, v13;
	v14 =	vmul.f32 v16, v16;
	v16 =	vld.idx.msk [tilespmem:v2+s10+$0xD0B0 ss:$0x1], $0xffff;
	v20, _, _ =	vpop (xrf2)  }
0x313: {  	v6 =	vld.idx.msk [tilespmem:v2+s10+$0xD140 ss:$0x1], $0xffff;
	v11 =	vadd.f32 v12, v11;
	v5 =	vadd.f32 v5, v10;
	v10 =	vbroadcast v20, $0xF  }
0x314: {  	v7 =	vadd.f32 v14, v7;
	v12 =	vadd.f32 v19, v13;
	v14 =	vmul.f32 v19, v19;
	v19 =	vld.idx.msk [tilespmem:v2+s10+$0xD0C0 ss:$0x1], $0xffff  }
0x315: {  	v13 =	vld.idx.msk [tilespmem:v2+s10+$0xD0F0 ss:$0x1], $0xffff;
	v11 =	vadd.f32 v18, v11;
	v4 =	vadd.f32 v4, v5;
	v3 =	vsel vm2, v10, v3  }
.Ltmp13:
0x316: {  	v23 =	vadd.f32 v14, v7;
	v7 =	vadd.f32 v15, v12;
	v10 =	vmul.f32 v15, v15;
	v15 =	vld.idx.msk [tilespmem:v2+s10+$0xD0D0 ss:$0x1], $0xffff;
	(pc) =	sbr.rel @p0 .LBB2_29-.Ltmp13, $4  }
0x317: {  	s1 =	sadd.s32 $0x1A, s1;
	s12 =	sshra.s32 s21, $0x2;
	v12 =	vmul.f32 v17, v17;
	v14 =	vld.idx.msk [tilespmem:v2+s10+$0xD0E0 ss:$0x1], $0xffff;
	v11 =	vadd.f32 v22, v11;
	v21 =	vadd.f32 v17, v4  }
0x318: {  	s11 =	sadd.s32 $0x1, s11;
	s17 =	sadd.s32 $0x10, s1;
	v10 =	vadd.f32 v10, v23;
	v17 =	vadd.f32 v16, v7;
	v16 =	vmul.f32 v16, v16;
	v18 =	vld.idx.msk [tilespmem:v2+s12+$0xD000 ss:$0x1], $0xffff  }
0x319: {  	s18 =	sand.u32 $0x6, s1;
	s25 =	sand.u32 $0xFFE, s1;
	s17 =	sand.u32 $0x1FF8, s17;
	v7 =	vmov s11;
	v5 =	vmovc v8;
	v20 =	vld.idx.msk [tilespmem:v2+s12+$0xD010 ss:$0x1], $0xffff;
	v11 =	vadd.f32 v12, v11;
	v12 =	vmul.f32 v21, v21;
	v4 =	vmovc v9  }
0x31a: {  	s21 =	sadd.s32 $0x680, s21;
	v16 =	vadd.f32 v16, v10;
	v17 =	vadd.f32 v19, v17;
	v19 =	vmul.f32 v19, v19;
	v10 =	vld [tilespmem:s25+$0x1E110];
	s25 =	sor.u32 s18, s17  }
0x31b: {  	_ =	sdelay $0x3  }
0x31c: {  	v21 =	vld.idx.msk [tilespmem:v2+s12+$0xD020 ss:$0x1], $0xffff;
	_ =	sdelay $0x1  }
0x31d: {  	v22 =	vld.idx.msk [tilespmem:v2+s12+$0xD030 ss:$0x1], $0xffff  }
0x31e: {  	v23 =	vmul.f32 v18, v18;
	v62 =	vadd.f32 v20, v18;
	v63 =	vmul.f32 v20, v20  }
0x31f: {  	v24 =	vld.idx.msk [tilespmem:v2+s12+$0xD040 ss:$0x1], $0xffff  }
0x320: {  	v20 =	vadd.f32 v63, v23;
	v18 =	vadd.f32 v21, v62;
	v21 =	vmul.f32 v21, v21  }
0x321: {  	v28 =	vld.idx.msk [tilespmem:v2+s12+$0xD050 ss:$0x1], $0xffff  }
0x322: {  	v29 =	vmul.f32 v22, v22;
	v20 =	vadd.f32 v21, v20;
	v18 =	vadd.f32 v22, v18  }
0x323: {  	v30 =	vld.idx.msk [tilespmem:v2+s12+$0xD060 ss:$0x1], $0xffff  }
0x324: {  	v31 =	vmul.f32 v24, v24;
	v20 =	vadd.f32 v29, v20;
	v18 =	vadd.f32 v24, v18  }
0x325: {  	v32 =	vld.idx.msk [tilespmem:v2+s12+$0xD070 ss:$0x1], $0xffff  }
0x326: {  	v33 =	vmul.f32 v28, v28;
	v20 =	vadd.f32 v31, v20;
	v18 =	vadd.f32 v28, v18  }
0x327: {  	v34 =	vld.idx.msk [tilespmem:v2+s12+$0xD080 ss:$0x1], $0xffff  }
0x328: {  	v35 =	vmul.f32 v30, v30;
	v20 =	vadd.f32 v33, v20;
	v18 =	vadd.f32 v30, v18  }
0x329: {  	v36 =	vld.idx.msk [tilespmem:v2+s12+$0xD090 ss:$0x1], $0xffff  }
0x32a: {  	v37 =	vmul.f32 v32, v32;
	v20 =	vadd.f32 v35, v20;
	v18 =	vadd.f32 v32, v18  }
0x32b: {  	v38 =	vld.idx.msk [tilespmem:v2+s12+$0xD0A0 ss:$0x1], $0xffff  }
0x32c: {  	v39 =	vmul.f32 v34, v34;
	v20 =	vadd.f32 v37, v20;
	v18 =	vadd.f32 v34, v18  }
0x32d: {  	v40 =	vld.idx.msk [tilespmem:v2+s12+$0xD0B0 ss:$0x1], $0xffff  }
0x32e: {  	v41 =	vmul.f32 v36, v36;
	v20 =	vadd.f32 v39, v20;
	v18 =	vadd.f32 v36, v18  }
0x32f: {  	v42 =	vld.idx.msk [tilespmem:v2+s12+$0xD0C0 ss:$0x1], $0xffff  }
0x330: {  	v43 =	vmul.f32 v38, v38;
	v20 =	vadd.f32 v41, v20;
	v18 =	vadd.f32 v38, v18  }
0x331: {  	v44 =	vld.idx.msk [tilespmem:v2+s12+$0xD0D0 ss:$0x1], $0xffff  }
0x332: {  	v45 =	vmul.f32 v40, v40;
	v20 =	vadd.f32 v43, v20;
	v18 =	vadd.f32 v40, v18  }
0x333: {  	v46 =	vld.idx.msk [tilespmem:v2+s12+$0xD0E0 ss:$0x1], $0xffff  }
0x334: {  	v47 =	vmul.f32 v42, v42;
	v20 =	vadd.f32 v45, v20;
	v18 =	vadd.f32 v42, v18  }
0x335: {  	v48 =	vmul.f32 v15, v15;
	v49 =	vld.idx.msk [tilespmem:v2+s12+$0xD0F0 ss:$0x1], $0xffff;
	v16 =	vadd.f32 v19, v16;
	v17 =	vadd.f32 v15, v17  }
0x336: {  	v50 =	vld.idx.msk [tilespmem:v2+s10+$0xD100 ss:$0x1], $0xffff;
	v51 =	vmul.f32 v44, v44;
	v20 =	vadd.f32 v47, v20;
	v18 =	vadd.f32 v44, v18  }
0x337: {  	v54 =	vld.idx.msk [tilespmem:v2+s12+$0xD100 ss:$0x1], $0xffff;
	v52 =	vmul.f32 v14, v14;
	v15 =	vadd.f32 v48, v16;
	v53 =	vadd.f32 v14, v17  }
0x338: {  	v55 =	vld.idx.msk [tilespmem:v2+s10+$0xD110 ss:$0x1], $0xffff;
	v23 =	vmul.f32 v46, v46;
	v20 =	vadd.f32 v51, v20;
	v18 =	vadd.f32 v46, v18  }
0x339: {  	v56 =	vmul.f32 v13, v13;
	v58 =	vld.idx.msk [tilespmem:v2+s12+$0xD110 ss:$0x1], $0xffff;
	v15 =	vadd.f32 v52, v15;
	v57 =	vadd.f32 v13, v53  }
0x33a: {  	v59 =	vld.idx.msk [tilespmem:v2+s10+$0xD120 ss:$0x1], $0xffff;
	v19 =	vmul.f32 v49, v49;
	v20 =	vadd.f32 v23, v20;
	v18 =	vadd.f32 v49, v18  }
0x33b: {  	v61 =	vld.idx.msk [tilespmem:v2+s12+$0xD120 ss:$0x1], $0xffff;
	v60 =	vmul.f32 v50, v50;
	v15 =	vadd.f32 v56, v15;
	v13 =	vadd.f32 v50, v57  }
0x33c: {  	v62 =	vld.idx.msk [tilespmem:v2+s10+$0xD130 ss:$0x1], $0xffff;
	v17 =	vmul.f32 v54, v54;
	v19 =	vadd.f32 v19, v20;
	v18 =	vadd.f32 v54, v18  }
0x33d: {  	v63 =	vmul.f32 v55, v55;
	v15 =	vadd.f32 v60, v15;
	v13 =	vadd.f32 v55, v13;
	v24 =	vld.idx.msk [tilespmem:v2+s12+$0xD130 ss:$0x1], $0xffff  }
0x33e: {  	v14 =	vmul.f32 v58, v58;
	v17 =	vadd.f32 v17, v19;
	v18 =	vadd.f32 v58, v18  }
0x33f: {  	v26 =	vld.idx.msk [tilespmem:v2+s12+$0xD140 ss:$0x1], $0xffff;
	v25 =	vmul.f32 v59, v59;
	v15 =	vadd.f32 v63, v15;
	v13 =	vadd.f32 v59, v13  }
0x340: {  	v27 =	vld.idx.msk [tilespmem:v2+s10+$0xD150 ss:$0x1], $0xffff;
	v29 =	vmul.f32 v61, v61;
	v14 =	vadd.f32 v14, v17;
	v28 =	vadd.f32 v61, v18  }
0x341: {  	v31 =	vld.idx.msk [tilespmem:v2+s12+$0xD150 ss:$0x1], $0xffff;
	v15 =	vadd.f32 v25, v15;
	v13 =	vadd.f32 v62, v13;
	v30 =	vmul.f32 v62, v62  }
0x342: {  	v33 =	vmul.f32 v24, v24;
	v32 =	vld.idx.msk [tilespmem:v2+s10+$0xD160 ss:$0x1], $0xffff;
	v14 =	vadd.f32 v29, v14;
	v17 =	vadd.f32 v24, v28  }
0x343: {  	v15 =	vadd.f32 v30, v15;
	v13 =	vadd.f32 v6, v13;
	v35 =	vld.idx.msk [tilespmem:v2+s12+$0xD160 ss:$0x1], $0xffff;
	v34 =	vmul.f32 v6, v6  }
0x344: {  	v36 =	vmul.f32 v26, v26;
	v14 =	vadd.f32 v33, v14;
	v17 =	vadd.f32 v26, v17  }
0x345: {  	v13 =	vadd.f32 v27, v13;
	v37 =	vmul.f32 v27, v27;
	v6 =	vadd.f32 v34, v15;
	v38 =	vld.idx.msk [tilespmem:v2+s12+$0xD170 ss:$0x1], $0xffff  }
0x346: {  	v39 =	vmul.f32 v31, v31;
	v14 =	vadd.f32 v36, v14;
	v17 =	vadd.f32 v31, v17  }
0x347: {  	v13 =	vadd.f32 v32, v13;
	v6 =	vadd.f32 v37, v6;
	v41 =	vmul.f32 v32, v32;
	v40 =	vld.idx.msk [tilespmem:v2+s12+$0xD180 ss:$0x1], $0xffff  }
0x348: {  	v16 =	vmul.f32 v35, v35;
	v42 =	vld.idx.msk [tilespmem:v2+s10+$0xD190 ss:$0x1], $0xffff;
	v14 =	vadd.f32 v39, v14;
	v17 =	vadd.f32 v35, v17  }
0x349: {  	v8 =	vmul.f32 v8, v5;
	v6 =	vadd.f32 v41, v6;
	v43 =	vadd.f32 v5, v13;
	v2 =	vld.idx.msk [tilespmem:v2+s12+$0xD190 ss:$0x1], $0xffff  }
0x34a: {  	v44 =	vmul.f32 v38, v38;
	v14 =	vadd.f32 v16, v14;
	v45 =	vadd.f32 v38, v17  }
0x34b: {  	v9 =	vmul.f32 v9, v4;
	s1 =	sadd.s32 $0x1A, s1;
	v6 =	vadd.f32 v8, v6;
	v46 =	vadd.f32 v4, v43  }
0x34c: {  	s28 =	sadd.s32 $0x10, s1;
	v47 =	vmul.f32 v40, v40;
	v48 =	vadd.f32 v44, v14;
	v49 =	vadd.f32 v40, v45  }
0x34d: {  	s31 =	sand.u32 $0x6, s1;
	s17 =	sand.u32 $0xFFE, s1;
	s1 =	sadd.s32 $0x1A, s1;
	v6 =	vadd.f32 v9, v6;
	v50 =	vmul.f32 v42, v42;
	v4 =	vadd.f32 v42, v46  }
0x34e: {  	s18 =	sadd.s32 $0x10, s1;
	v53 =	vld [tilespmem:s17+$0x1E110];
	v5 =	vadd.f32 v47, v48;
	v52 =	vadd.f32 v2, v49;
	v2 =	vmul.f32 v2, v2  }
0x34f: {  	v11 =	vsub.f32 v12, v11;
	s21 =	sand.u32 $0x6, s1;
	s1 =	sand.u32 $0xFFE, s1;
	s10 =	sand.u32 $0x1FF8, s28;
	v51 =	vld [tilespmem:s25+$0x1E110];
	v6 =	vadd.f32 v50, v6;
	v4 =	vmul.f32 v4, v4  }
0x350: {  	v57 =	vld [tilespmem:s1+$0x1E110];
	s12 =	sand.u32 $0x1FF8, s18;
	s10 =	sor.u32 s31, s10;
	v2 =	vadd.f32 v2, v5;
	v55 =	vmul.f32 v52, v52  }
0x351: {  	v56 =	vmul.f32 $5.000000000e-01, v11;
	s25 =	sor.u32 s21, s12;
	v54 =	vld [tilespmem:s10+$0x1E110];
	v4 =	vsub.f32 v4, v6  }
0x352: {  	v58 =	vld [tilespmem:s25+$0x1E110];
	v2 =	vsub.f32 v55, v2  }
0x353: {  	v59 =	vadd.f32 v56, v10;
	v4 =	vmul.f32 $5.000000000e-01, v4  }
0x354: {  	v60 =	vnsel vm1, $0x0, v51;
	v2 =	vmul.f32 $5.000000000e-01, v2  }
0x355: {  	v4 =	vadd.f32 v4, v53;
	v5 =	vadd.f32 v59, v60  }
0x356: {  	v61 =	vnsel vm1, $0x0, v54;
	v2 =	vadd.f32 v2, v57  }
0x357: {  	v62 =	vnsel vm1, $0x0, v58;
	v4 =	vadd.f32 v4, v61;
	v5 =	vadd.f32 v5, v1  }
0x358: {  	v2 =	vadd.f32 v2, v62  }
0x359: {  	v4 =	vadd.f32 v4, v1;
	(xrf2) =	vadd.scan.msk.f32 $0xffff, v5  }
0x35a: {  	v2 =	vadd.f32 v2, v1  }
0x35b: {  	(xrf2) =	vadd.scan.msk.f32 $0xffff, v4  }
0x35c: {  	(xrf2) =	vadd.scan.msk.f32 $0xffff, v2;
	_ =	sdelay $0x6  }
0x35d: {  	v2, _, _ =	vpop (xrf2)  }
0x35e: {  	s31 =	sshll.u32 s9, $0x4;
	s9 =	sadd.s32 $0x1, s9;
	v2 =	vbroadcast v2, $0xF  }
0x35f: {  	vm2 =	veq.s32 v7, v0;
	s28 =	sadd.s32 $0x1, s11;
	p0 =	sne.s32 s9, $0x8;
	v4, _, _ =	vpop (xrf2)  }
.Ltmp14:
0x360: {  	s1 =	sadd.s32 $0x1, s28;
	v4 =	vbroadcast v4, $0xF;
	v2 =	vsel vm2, v2, v3;
	v3 =	vmov s28;
	v63, _, _ =	vpop (xrf2);
	(pc) =	sbr.rel @p0 .LBB2_28-.Ltmp14, $4  }
0x361: {  	vm2 =	veq.s32 v3, v0;
	v3 =	vmov s1;
	v5 =	vbroadcast v63, $0xF  }
0x362: {  	v2 =	vsel vm2, v4, v2;
	vm2 =	veq.s32 v3, v0  }
0x363: {  	s1 =	sand.u32 $0x3FFFFFF0, s31;
	v2 =	vsel vm2, v5, v2  }
0x364: {  	s7 =	sadd.s32 $0x1A00, s7;
	s8 =	sadd.s32 $0x1A0, s8;
	[tilespmem:s1+$0x1EE20] =	vst v2  }
0x365: {  	s1 =	rddreg [dreg:$0x7]  }
0x366: {  	[hbm4b:s1+s3] =	stream.linear.scatter [tilespmem:s16], [sflag:$0x3], $0x80, $0x38;
	[tilespmem:$0x1EEB0] =	vst v63  }
0x367: {  	_ =	swait.ge [sflag:s13], $0x80  }
0x368: {  	s2 =	sadd.s32 $0x1, s2;
	s31 =	rddreg [dreg:$0x8]  }
0x369: {  	p0 =	sne.s32 s2, s31  }
.Ltmp15:
0x36a: {  	_ = 	snop;
	(pc) =	sbr.rel @p0 .LBB2_1-.Ltmp15, $3  }
0x36b: {  	_ =	sdelay $0x1  }
0x36c: {  	[sflag:s13] =	ssyncset.done $0x0  }
0x36d: {  	[sflag:s13] =	ssyncadd.s32 $0xFFFFFF80  }
0x36e: {  	_ =	sfence.sel $0x180000  }
0x36f: {  	[bflag:$0x0] =	sbarrier.arrive $0xFFFF  }
0x370: {  	_ =	strace $0x90000047  }
0x371: {  	s0 =	stileid.u32;
	[bflag:$0x2] =	sbarrier.arrive $0xFFFF  }
0x372: {  	p0 =	sne.s32 s0, $0x0;
	s0 =	rddreg [dreg:$0x3]  }
0x373: {  	s0 =	sadd.s32 @!p0 $0x100000, s0  }
0x374: {  	[sflag:s0] =	ssyncadd.tile.s32 @!p0 $0x1;
	_ =	shalt  }
.Lfunc_end2:
_tile_overlayer_lowered:
.L_overlay_start_2:
0x375: {  	(tag) =	ssettag $0x2  }
0x376: {  	s0 =	rddreg [dreg:$0x0];
	s2 =	stileid.u32  }
0x377: {  	s1 =	rddreg [dreg:$0x1];
	p0 =	sne.s32 s2, $0x0  }
0x378: {  	s3 =	rddreg [dreg:$0x2];
	[bflag:$0x3] =	sbarrier.arrive $0xFFFF;
	s2 =	simm.s32 @!p0 $0x1C03  }
0x379: {  	[timem:s3], [sflag:s2] =	dma.local @!p0 [hbm:s0], s1  }
0x37a: {  	s0 =	simm.s32 @!p0 $0x3  }
0x37b: {  	_ =	swait.ge @!p0 [sflag:s0], s1  }
0x37c: {  	s1 =	ssub.s32 @!p0 $0x0, s1;
	[sflag:s0] =	ssyncset.done @!p0 $0x0  }
0x37d: {  	[sflag:s0] =	ssyncadd.s32 @!p0 s1  }
0x37e: {  	[bflag:$0x3] =	sbarrier.arrive $0xFFFF  }
0x37f: {  	_ =	shalt  }

</sc_bundles>
